<compile_context>
chip_gen: v7x
topology: tpu7x:2x2x1
jax: 0.10.2.dev20260603
libtpu: 0.0.44.dev20260713+nightly
codegen_flags: <defaults>
</compile_context>

<pallas_src>
import functools

import jax
import jax.numpy as jnp
from jax import lax
from jax.experimental import pallas as pl
from jax.experimental.pallas import tpu as pltpu
from jax.experimental.pallas import tpu_sc as plsc

N = 10000
T = 12
IN = 128
H = 128
OUT = 128
E = 320000

NC = 2
NS = 16
NW = NC * NS
C = 64
QN = 4
QC = 40
K = QN * QC
E_PAD = NW * K * C
NROW = 632
NPAD = NS * NROW
DEGW = 8

BLK = 400
NBLK = N // BLK


def _sc_aggregate(x2d, src_all, dst_resh, zrows):
    mesh = plsc.VectorSubcoreMesh(core_axis_name="c", subcore_axis_name="s")
    out_type = jax.ShapeDtypeStruct((NC, T + 1, NPAD, H), jnp.float32)
    scratch = [
        pltpu.VMEM((QC, C), jnp.int32),
        pltpu.VMEM((QC, C), jnp.int32),
        [pltpu.VMEM((C, H), jnp.float32) for _ in range(4)],
        [pltpu.SemaphoreType.DMA for _ in range(4)],
        [pltpu.SemaphoreType.DMA for _ in range(4)],
    ]
    scratch.append(pltpu.VMEM_SHARED((NPAD, H), jnp.float32))

    @functools.partial(pl.kernel, out_type=out_type, mesh=mesh,
                       scratch_types=scratch)
    def body(x_hbm, srcall_hbm, dst_hbm, z_hbm, agg_hbm,
             srcv, dstv, bufs, gsems, ssems, acc):
        cid = lax.axis_index("c")
        sid = lax.axis_index("s")
        w = cid * NS + sid

        def gstart(c, b):
            pltpu.make_async_copy(x_hbm.at[srcv.at[c]], bufs[b],
                                  gsems[b]).start()

        def gwait(c, b):
            pltpu.make_async_copy(x_hbm.at[srcv.at[c]], bufs[b],
                                  gsems[b]).wait()

        def sstart(c, b):
            pltpu.async_copy(bufs[b], acc.at[dstv.at[c]], ssems[b], add=True)

        def swait(c, b):
            pltpu.make_async_copy(bufs[b], acc.at[dstv.at[c]],
                                  ssems[b]).wait()

        QG = QC // 2

        def tstep(t, _):
            pltpu.sync_copy(z_hbm, acc.at[pl.ds(sid * NROW, NROW)])
            plsc.subcore_barrier()

            def quarter(q, _1):
                pltpu.sync_copy(srcall_hbm.at[t, w, q], srcv)
                pltpu.sync_copy(dst_hbm.at[w, q], dstv)
                gstart(0, 0)
                gstart(1, 1)

                def gbody(gg, _2):
                    for sub in (0, 1):
                        g = 2 * gg + sub
                        b0, b1 = (0, 1) if sub == 0 else (2, 3)
                        o0, o1 = (2, 3) if sub == 0 else (0, 1)
                        c0 = 2 * g
                        gwait(c0, b0)
                        gwait(c0 + 1, b1)
                        sstart(c0, b0)
                        sstart(c0 + 1, b1)

                        @pl.when(g + 1 < QG)
                        def _next():
                            @pl.when(g >= 1)
                            def _drain_prev():
                                swait(2 * (g - 1), o0)
                                swait(2 * (g - 1) + 1, o1)
                            gstart(2 * (g + 1), o0)
                            gstart(2 * (g + 1) + 1, o1)
                    return _2
                lax.fori_loop(0, QG // 2, gbody, 0)
                swait(2 * (QG - 2), 0)
                swait(2 * (QG - 2) + 1, 1)
                swait(2 * (QG - 1), 2)
                swait(2 * (QG - 1) + 1, 3)
                return _1
            lax.fori_loop(0, QN, quarter, 0)

            plsc.subcore_barrier()
            pltpu.sync_copy(acc.at[pl.ds(sid * NROW, NROW)],
                            agg_hbm.at[cid, t, pl.ds(sid * NROW, NROW)])
            plsc.subcore_barrier()
            return _
        lax.fori_loop(0, T, tstep, 0)

        pltpu.sync_copy(z_hbm, acc.at[pl.ds(sid * NROW, NROW)])
        pltpu.sync_copy(srcall_hbm.at[T, w, 0], srcv)
        plsc.subcore_barrier()
        gstart(0, 0)
        gwait(0, 0)

        def deg_quarter(q, _1):
            pltpu.sync_copy(dst_hbm.at[w, q], dstv)

            def dchunk(j, _2):
                c0 = 4 * j
                for b in range(4):
                    pltpu.async_copy(bufs[0], acc.at[dstv.at[c0 + b]],
                                     ssems[b], add=True)
                for b in range(4):
                    pltpu.make_async_copy(bufs[0], acc.at[dstv.at[c0 + b]],
                                          ssems[b]).wait()
                return _2
            lax.fori_loop(0, QC // 4, dchunk, 0)
            return _1
        lax.fori_loop(0, QN, deg_quarter, 0)

        plsc.subcore_barrier()
        pltpu.sync_copy(acc.at[pl.ds(sid * NROW, NROW)],
                        agg_hbm.at[cid, T, pl.ds(sid * NROW, NROW)])
        plsc.subcore_barrier()

    return body(x2d, src_all, dst_resh, zrows)


def _tc_body(x_ref, agg_ref,
             W_l_ref, b_l_ref, W_r_ref, W_ihT_ref, W_hhT_ref, b_ih_ref,
             b_hh_ref, W_rec_ref, b_rec_ref, W_c1_ref, b_c1_ref, W_c2r_ref,
             b_c2_ref, recon_ref, cls_ref):
    deg = agg_ref[0, T, :, 0] + agg_ref[1, T, :, 0]
    inv_deg = (1.0 / jnp.maximum(deg, 1.0))[:, None]
    W_l = W_l_ref[...]
    W_r = W_r_ref[...]
    W_ihT = W_ihT_ref[...]
    W_hhT = W_hhT_ref[...]
    b_ih = b_ih_ref[...]
    b_hh = b_hh_ref[...]
    W_rec = W_rec_ref[...]
    b_rec = b_rec_ref[...]
    W_c1 = W_c1_ref[...]
    b_c1 = b_c1_ref[...]
    W_c2r = W_c2r_ref[...]
    b_c2 = b_c2_ref[0, 0]
    b_l = b_l_ref[...]

    h = jnp.zeros((BLK, H), jnp.float32)
    for t in range(T):
        x_t = x_ref[:, t, :]
        agg = (agg_ref[0, t] + agg_ref[1, t]) * inv_deg
        spatial = jax.nn.relu(
            jnp.dot(agg, W_l, preferred_element_type=jnp.float32)
            + jnp.dot(x_t, W_r, preferred_element_type=jnp.float32) + b_l)
        gi = jnp.dot(spatial, W_ihT, preferred_element_type=jnp.float32) + b_ih
        gh = jnp.dot(h, W_hhT, preferred_element_type=jnp.float32) + b_hh
        r = jax.nn.sigmoid(gi[:, :H] + gh[:, :H])
        z = jax.nn.sigmoid(gi[:, H:2 * H] + gh[:, H:2 * H])
        n = jnp.tanh(gi[:, 2 * H:] + r * gh[:, 2 * H:])
        h = (1.0 - z) * n + z * h
        recon_ref[:, t, :] = (
            jnp.dot(h, W_rec, preferred_element_type=jnp.float32) + b_rec)
        c1 = jax.nn.relu(
            jnp.dot(h, W_c1, preferred_element_type=jnp.float32) + b_c1)
        logit = jnp.sum(c1 * W_c2r, axis=1) + b_c2
        cls_ref[:, t:t + 1] = jax.nn.sigmoid(logit)[:, None]


def _tc_dense(x, agg2, W_l, b_l, W_r, W_ihT, W_hhT, b_ih, b_hh,
              W_rec, b_rec, W_c1, b_c1, W_c2r, b_c2):
    full = lambda shape: pl.BlockSpec(shape, lambda i: tuple(0 for _ in shape))
    grid_spec = pl.GridSpec(
        grid=(NBLK,),
        in_specs=[
            pl.BlockSpec((BLK, T, IN), lambda i: (i, 0, 0)),
            pl.BlockSpec((NC, T + 1, BLK, H), lambda i: (0, 0, i, 0)),
            full((IN, H)), full((1, H)), full((IN, H)),
            full((H, 3 * H)), full((H, 3 * H)), full((1, 3 * H)),
            full((1, 3 * H)),
            full((H, OUT)), full((1, OUT)),
            full((H, H // 2)), full((1, H // 2)), full((1, H // 2)),
            full((1, 1)),
        ],
        out_specs=[
            pl.BlockSpec((BLK, T, OUT), lambda i: (i, 0, 0)),
            pl.BlockSpec((BLK, T), lambda i: (i, 0)),
        ],
    )
    return pl.pallas_call(
        _tc_body,
        grid_spec=grid_spec,
        out_shape=[
            jax.ShapeDtypeStruct((N, T, OUT), jnp.float32),
            jax.ShapeDtypeStruct((N, T), jnp.float32),
        ],
    )(x, agg2, W_l, b_l, W_r, W_ihT, W_hhT, b_ih, b_hh,
      W_rec, b_rec, W_c1, b_c1, W_c2r, b_c2)


def kernel(x, edge_index, W_l, b_l, W_r, W_ih, W_hh, b_ih, b_hh,
           W_rec, b_rec, W_c1, b_c1, W_c2, b_c2):
    src = edge_index[0]
    dst = edge_index[1]

    pad = E_PAD - E
    src_p = jnp.concatenate([src, jnp.zeros((pad,), jnp.int32)])
    dst_p = jnp.concatenate([dst, jnp.full((pad,), N, jnp.int32)])

    t_off = jnp.arange(T, dtype=jnp.int32)[:, None]
    src_t = src_p[None, :] * T + t_off
    src_deg = jnp.full((1, E_PAD), N * T, jnp.int32)
    src_all = jnp.concatenate([src_t, src_deg], axis=0).reshape(
        T + 1, NW, QN, QC, C)
    dst_resh = dst_p.reshape(NW, QN, QC, C)
    x2d = jnp.concatenate(
        [x.reshape(N * T, IN), jnp.ones((8, IN), jnp.float32)], axis=0)

    zrows = jnp.zeros((NROW, H), jnp.float32)
    agg2 = _sc_aggregate(x2d, src_all, dst_resh, zrows)

    recon, cls = _tc_dense(
        x, agg2,
        W_l, b_l.reshape(1, H), W_r,
        W_ih.T, W_hh.T, b_ih.reshape(1, 3 * H), b_hh.reshape(1, 3 * H),
        W_rec, b_rec.reshape(1, OUT),
        W_c1, b_c1.reshape(1, H // 2), W_c2.reshape(1, H // 2),
        b_c2.reshape(1, 1))
    return (recon, cls)

# --- scband reference (transcript-rebuilt; emitter-appended) ---
"""Pipeline reference for scband-stgraph-sage-31104153157825 (READ-ONLY COPY).

The authoritative reference and input builder live on the scoring server;
editing this copy changes nothing except your own understanding.
"""

import jax, jax.numpy as jnp
import numpy as np

N = 10000
T = 12
IN = 128
H = 128
OUT = 128
E = 320000


def setup_inputs(seed: int = 0) -> dict:
    key = jax.random.key(seed)
    ks = jax.random.split(key, 16)
    s_in = 1.0 / np.sqrt(IN)
    s_h = 1.0 / np.sqrt(H)
    x = jax.random.normal(ks[0], (N, T, IN), dtype=jnp.float32)
    edge_index = jax.random.randint(ks[1], (2, E), 0, N, dtype=jnp.int32)
    # SAGEConv params (PyG: out = lin_l(mean_agg) + lin_r(x); lin_l has bias, lin_r does not)
    W_l = jax.random.normal(ks[2], (IN, H), dtype=jnp.float32) * s_in
    b_l = jnp.zeros((H,), dtype=jnp.float32)
    W_r = jax.random.normal(ks[3], (IN, H), dtype=jnp.float32) * s_in
    # GRU params (PyTorch layout: [3H, in] with gate order r, z, n)
    W_ih = jax.random.normal(ks[4], (3 * H, H), dtype=jnp.float32) * s_h
    W_hh = jax.random.normal(ks[5], (3 * H, H), dtype=jnp.float32) * s_h
    b_ih = jnp.zeros((3 * H,), dtype=jnp.float32)
    b_hh = jnp.zeros((3 * H,), dtype=jnp.float32)
    # reconstruction head
    W_rec = jax.random.normal(ks[6], (H, OUT), dtype=jnp.float32) * s_h
    b_rec = jnp.zeros((OUT,), dtype=jnp.float32)
    # classification head: Linear(H, H//2) -> ReLU -> Linear(H//2, 1) -> Sigmoid
    W_c1 = jax.random.normal(ks[7], (H, H // 2), dtype=jnp.float32) * s_h
    b_c1 = jnp.zeros((H // 2,), dtype=jnp.float32)
    W_c2 = jax.random.normal(ks[8], (H // 2, 1), dtype=jnp.float32) * (1.0 / np.sqrt(H // 2))
    b_c2 = jnp.zeros((1,), dtype=jnp.float32)
    return {"x": x, "edge_index": edge_index, "W_l": W_l, "b_l": b_l, "W_r": W_r,
            "W_ih": W_ih, "W_hh": W_hh, "b_ih": b_ih, "b_hh": b_hh,
            "W_rec": W_rec, "b_rec": b_rec, "W_c1": W_c1, "b_c1": b_c1,
            "W_c2": W_c2, "b_c2": b_c2}


def _gru_cell(x_t, h, W_ih, W_hh, b_ih, b_hh):
    gi = x_t @ W_ih.T + b_ih
    gh = h @ W_hh.T + b_hh
    i_r, i_z, i_n = jnp.split(gi, 3, axis=-1)
    h_r, h_z, h_n = jnp.split(gh, 3, axis=-1)
    r = jax.nn.sigmoid(i_r + h_r)
    z = jax.nn.sigmoid(i_z + h_z)
    n = jnp.tanh(i_n + r * h_n)
    return (1.0 - z) * n + z * h


def reference(x, edge_index, W_l, b_l, W_r, W_ih, W_hh, b_ih, b_hh,
              W_rec, b_rec, W_c1, b_c1, W_c2, b_c2):
    src = edge_index[0]
    dst = edge_index[1]
    deg = jax.ops.segment_sum(jnp.ones((E,), dtype=x.dtype), dst, num_segments=N)
    deg = jnp.clip(deg, 1.0, None)
    h = jnp.zeros((N, H), dtype=x.dtype)
    recons = []
    cls = []
    for t in range(T):
        x_t = x[:, t, :]
        msg = jnp.take(x_t, src, axis=0)                      # gather over edges
        agg = jax.ops.segment_sum(msg, dst, num_segments=N)   # scatter-add
        agg = agg / deg[:, None]                              # mean aggregation
        spatial = jax.nn.relu(agg @ W_l + b_l + x_t @ W_r)
        h = _gru_cell(spatial, h, W_ih, W_hh, b_ih, b_hh)
        recons.append(h @ W_rec + b_rec)
        cls.append(jax.nn.sigmoid(jax.nn.relu(h @ W_c1 + b_c1) @ W_c2 + b_c2))
    reconstruction_output = jnp.stack(recons, axis=1)                  # [N, T, OUT]
    classification_output = jnp.squeeze(jnp.stack(cls, axis=1), -1)    # [N, T]
    return (reconstruction_output, classification_output)

if __name__ == "__main__":
    import jax
    _d = setup_inputs()
    print(jax.jit(kernel)(*tuple(_d.values())))

</pallas_src>

<mosaic_0001>
#map = affine_map<(d0, d1) -> (0, 0)>
#map1 = affine_map<(d0, d1) -> (0, 0, 0, 0, 0)>
#map2 = affine_map<(d0, d1) -> (0, 0, 0, 0)>
module attributes {stable_mosaic.version = 14 : i64} {
  func.func @body(%arg0: i32, %arg1: i32, %arg2: memref<120008x128xf32, #tpu.memory_space<hbm>>, %arg3: memref<13x32x4x40x64xi32, #tpu.memory_space<hbm>>, %arg4: memref<32x4x40x64xi32, #tpu.memory_space<hbm>>, %arg5: memref<632x128xf32, #tpu.memory_space<hbm>>, %arg6: memref<2x13x10112x128xf32, #tpu.memory_space<hbm>>, %arg7: memref<40x64xi32, #tpu.memory_space<vmem>>, %arg8: memref<40x64xi32, #tpu.memory_space<vmem>>, %arg9: memref<64x128xf32, #tpu.memory_space<vmem>>, %arg10: memref<64x128xf32, #tpu.memory_space<vmem>>, %arg11: memref<64x128xf32, #tpu.memory_space<vmem>>, %arg12: memref<64x128xf32, #tpu.memory_space<vmem>>, %arg13: memref<!tpu.dma_semaphore, #tpu.memory_space<semaphore_mem>>, %arg14: memref<!tpu.dma_semaphore, #tpu.memory_space<semaphore_mem>>, %arg15: memref<!tpu.dma_semaphore, #tpu.memory_space<semaphore_mem>>, %arg16: memref<!tpu.dma_semaphore, #tpu.memory_space<semaphore_mem>>, %arg17: memref<!tpu.dma_semaphore, #tpu.memory_space<semaphore_mem>>, %arg18: memref<!tpu.dma_semaphore, #tpu.memory_space<semaphore_mem>>, %arg19: memref<!tpu.dma_semaphore, #tpu.memory_space<semaphore_mem>>, %arg20: memref<!tpu.dma_semaphore, #tpu.memory_space<semaphore_mem>>, %arg21: memref<10112x128xf32, #tpu.memory_space<vmem_shared>>) attributes {dimension_semantics = [#tpu.dimension_semantics<core_parallel>, #tpu.dimension_semantics<subcore_parallel>], iteration_bounds = array<i64: 2, 16>, scalar_prefetch = 0 : i64, scratch_operands = 15 : i64, tpu.core_type = #tpu.core_type<sc_vector_subcore>, window_params = [{transform_indices = #map}, {transform_indices = #map1}, {transform_indices = #map2}, {transform_indices = #map}, {transform_indices = #map2}]} {
    %mul3A = arith.constant 16 : i32
    %mul3A_0 = arith.muli %arg0, %mul3A : i32
    %add3A = arith.addi %mul3A_0, %arg1 : i32
    %scan3A = arith.constant 0 : i32
    %scan3A_1 = arith.constant 0 : i32
    %scan3A_2 = arith.constant 12 : i32
    %scan3A_3 = arith.addi %scan3A_1, %scan3A_2 : i32
    %scan3A_4 = arith.constant 1 : i32
    scf.for %scan3A_34 = %scan3A_1 to %scan3A_3 step %scan3A_4  : i32 {
      %mul3A_35 = arith.constant 632 : i32
      %mul3A_36 = arith.muli %arg1, %mul3A_35 : i32
      "tpu.region"() ({
        %run_scoped3A_50 = tpu.sem_alloc : memref<!tpu.dma_semaphore, #tpu.memory_space<semaphore_mem>>
        %dma_start3A_51 = arith.constant 0 : i32
        %dma_start3A_52 = tpu.memref_slice %arg21[%mul3A_36, %dma_start3A_51] : memref<10112x128xf32, #tpu.memory_space<vmem_shared>> -> memref<632x128xf32, #tpu.memory_space<vmem_shared>>
        tpu.enqueue_dma source(%arg5 : memref<632x128xf32, #tpu.memory_space<hbm>>) target(%dma_start3A_52 : memref<632x128xf32, #tpu.memory_space<vmem_shared>>) target_semaphore(%run_scoped3A_50 : memref<!tpu.dma_semaphore, #tpu.memory_space<semaphore_mem>>)
        %dma_wait3A_53 = arith.constant 0 : i32
        %dma_wait3A_54 = tpu.memref_slice %arg21[%mul3A_36, %dma_wait3A_53] : memref<10112x128xf32, #tpu.memory_space<vmem_shared>> -> memref<632x128xf32, #tpu.memory_space<vmem_shared>>
        tpu.wait_dma2 semaphore(%run_scoped3A_50 : memref<!tpu.dma_semaphore, #tpu.memory_space<semaphore_mem>>) src(%arg5 : memref<632x128xf32, #tpu.memory_space<hbm>>) dst(%dma_wait3A_54 : memref<632x128xf32, #tpu.memory_space<vmem_shared>>)
        tpu.yield
      }) : () -> ()
      %barrier3A_37 = arith.constant 0 : index
      tpu.barrier barrier_id(%barrier3A_37)
      %scan3A_38 = arith.constant 0 : i32
      %scan3A_39 = arith.constant 0 : i32
      %scan3A_40 = arith.constant 4 : i32
      %scan3A_41 = arith.addi %scan3A_39, %scan3A_40 : i32
      %scan3A_42 = arith.constant 1 : i32
      scf.for %scan3A_50 = %scan3A_39 to %scan3A_41 step %scan3A_42  : i32 {
        "tpu.region"() ({
          %run_scoped3A_99 = tpu.sem_alloc : memref<!tpu.dma_semaphore, #tpu.memory_space<semaphore_mem>>
          %dma_start3A_100 = arith.constant 0 : i32
          %dma_start3A_101 = arith.constant 0 : i32
          %dma_start3A_102 = tpu.memref_slice %arg3[%scan3A_34, %add3A, %scan3A_50, %dma_start3A_100, %dma_start3A_101] : memref<13x32x4x40x64xi32, #tpu.memory_space<hbm>> -> memref<1x1x1x40x64xi32, #tpu.memory_space<hbm>>
          %dma_start3A_103 = tpu.memref_squeeze %dma_start3A_102 : memref<1x1x1x40x64xi32, #tpu.memory_space<hbm>> -> memref<40x64xi32, #tpu.memory_space<hbm>>
          %dma_start3A_104 = arith.constant 0 : i32
          %dma_start3A_105 = arith.constant 0 : i32
          %dma_start3A_106 = tpu.memref_slice %arg3[%scan3A_34, %add3A, %scan3A_50, %dma_start3A_104, %dma_start3A_105] : memref<13x32x4x40x64xi32, #tpu.memory_space<hbm>> -> memref<1x1x1x40x64xi32, #tpu.memory_space<hbm>>
          %dma_start3A_107 = tpu.memref_squeeze %dma_start3A_106 : memref<1x1x1x40x64xi32, #tpu.memory_space<hbm>> -> memref<40x64xi32, #tpu.memory_space<hbm>>
          tpu.enqueue_dma source(%dma_start3A_107 : memref<40x64xi32, #tpu.memory_space<hbm>>) target(%arg7 : memref<40x64xi32, #tpu.memory_space<vmem>>) target_semaphore(%run_scoped3A_99 : memref<!tpu.dma_semaphore, #tpu.memory_space<semaphore_mem>>)
          %dma_wait3A_108 = arith.constant 0 : i32
          %dma_wait3A_109 = arith.constant 0 : i32
          %dma_wait3A_110 = tpu.memref_slice %arg3[%scan3A_34, %add3A, %scan3A_50, %dma_wait3A_108, %dma_wait3A_109] : memref<13x32x4x40x64xi32, #tpu.memory_space<hbm>> -> memref<1x1x1x40x64xi32, #tpu.memory_space<hbm>>
          %dma_wait3A_111 = tpu.memref_squeeze %dma_wait3A_110 : memref<1x1x1x40x64xi32, #tpu.memory_space<hbm>> -> memref<40x64xi32, #tpu.memory_space<hbm>>
          %dma_wait3A_112 = arith.constant 0 : i32
          %dma_wait3A_113 = arith.constant 0 : i32
          %dma_wait3A_114 = tpu.memref_slice %arg3[%scan3A_34, %add3A, %scan3A_50, %dma_wait3A_112, %dma_wait3A_113] : memref<13x32x4x40x64xi32, #tpu.memory_space<hbm>> -> memref<1x1x1x40x64xi32, #tpu.memory_space<hbm>>
          %dma_wait3A_115 = tpu.memref_squeeze %dma_wait3A_114 : memref<1x1x1x40x64xi32, #tpu.memory_space<hbm>> -> memref<40x64xi32, #tpu.memory_space<hbm>>
          tpu.wait_dma2 semaphore(%run_scoped3A_99 : memref<!tpu.dma_semaphore, #tpu.memory_space<semaphore_mem>>) src(%dma_wait3A_115 : memref<40x64xi32, #tpu.memory_space<hbm>>) dst(%arg7 : memref<40x64xi32, #tpu.memory_space<vmem>>)
          tpu.yield
        }) : () -> ()
        "tpu.region"() ({
          %run_scoped3A_99 = tpu.sem_alloc : memref<!tpu.dma_semaphore, #tpu.memory_space<semaphore_mem>>
          %dma_start3A_100 = arith.constant 0 : i32
          %dma_start3A_101 = arith.constant 0 : i32
          %dma_start3A_102 = tpu.memref_slice %arg4[%add3A, %scan3A_50, %dma_start3A_100, %dma_start3A_101] : memref<32x4x40x64xi32, #tpu.memory_space<hbm>> -> memref<1x1x40x64xi32, #tpu.memory_space<hbm>>
          %dma_start3A_103 = tpu.memref_squeeze %dma_start3A_102 : memref<1x1x40x64xi32, #tpu.memory_space<hbm>> -> memref<40x64xi32, #tpu.memory_space<hbm>>
          %dma_start3A_104 = arith.constant 0 : i32
          %dma_start3A_105 = arith.constant 0 : i32
          %dma_start3A_106 = tpu.memref_slice %arg4[%add3A, %scan3A_50, %dma_start3A_104, %dma_start3A_105] : memref<32x4x40x64xi32, #tpu.memory_space<hbm>> -> memref<1x1x40x64xi32, #tpu.memory_space<hbm>>
          %dma_start3A_107 = tpu.memref_squeeze %dma_start3A_106 : memref<1x1x40x64xi32, #tpu.memory_space<hbm>> -> memref<40x64xi32, #tpu.memory_space<hbm>>
          tpu.enqueue_dma source(%dma_start3A_107 : memref<40x64xi32, #tpu.memory_space<hbm>>) target(%arg8 : memref<40x64xi32, #tpu.memory_space<vmem>>) target_semaphore(%run_scoped3A_99 : memref<!tpu.dma_semaphore, #tpu.memory_space<semaphore_mem>>)
          %dma_wait3A_108 = arith.constant 0 : i32
          %dma_wait3A_109 = arith.constant 0 : i32
          %dma_wait3A_110 = tpu.memref_slice %arg4[%add3A, %scan3A_50, %dma_wait3A_108, %dma_wait3A_109] : memref<32x4x40x64xi32, #tpu.memory_space<hbm>> -> memref<1x1x40x64xi32, #tpu.memory_space<hbm>>
          %dma_wait3A_111 = tpu.memref_squeeze %dma_wait3A_110 : memref<1x1x40x64xi32, #tpu.memory_space<hbm>> -> memref<40x64xi32, #tpu.memory_space<hbm>>
          %dma_wait3A_112 = arith.constant 0 : i32
          %dma_wait3A_113 = arith.constant 0 : i32
          %dma_wait3A_114 = tpu.memref_slice %arg4[%add3A, %scan3A_50, %dma_wait3A_112, %dma_wait3A_113] : memref<32x4x40x64xi32, #tpu.memory_space<hbm>> -> memref<1x1x40x64xi32, #tpu.memory_space<hbm>>
          %dma_wait3A_115 = tpu.memref_squeeze %dma_wait3A_114 : memref<1x1x40x64xi32, #tpu.memory_space<hbm>> -> memref<40x64xi32, #tpu.memory_space<hbm>>
          tpu.wait_dma2 semaphore(%run_scoped3A_99 : memref<!tpu.dma_semaphore, #tpu.memory_space<semaphore_mem>>) src(%dma_wait3A_115 : memref<40x64xi32, #tpu.memory_space<hbm>>) dst(%arg8 : memref<40x64xi32, #tpu.memory_space<vmem>>)
          tpu.yield
        }) : () -> ()
        %dma_start3A_51 = arith.constant 0 : i32
        %dma_start3A_52 = arith.constant 0 : i32
        %dma_start3A_53 = tpu.memref_slice %arg7[%dma_start3A_51, %dma_start3A_52] : memref<40x64xi32, #tpu.memory_space<vmem>> -> memref<1x64xi32, #tpu.memory_space<vmem>>
        %dma_start3A_54 = tpu.memref_squeeze %dma_start3A_53 : memref<1x64xi32, #tpu.memory_space<vmem>> -> memref<64xi32, #tpu.memory_space<vmem>>
        %dma_start3A_55 = arith.constant 0 : i32
        %dma_start3A_56 = arith.constant 0 : i32
        %dma_start3A_57 = tpu.memref_slice %arg2[%dma_start3A_55, %dma_start3A_56] : memref<120008x128xf32, #tpu.memory_space<hbm>> -> memref<120008x128xf32, #tpu.memory_space<hbm>>
        tpu.enqueue_indirect_dma source(%dma_start3A_57 : memref<120008x128xf32, #tpu.memory_space<hbm>>) target(%arg9 : memref<64x128xf32, #tpu.memory_space<vmem>>) offsets(%dma_start3A_54 : memref<64xi32, #tpu.memory_space<vmem>>) semaphore(%arg13 : memref<!tpu.dma_semaphore, #tpu.memory_space<semaphore_mem>>)
        %dma_start3A_58 = arith.constant 1 : i32
        %dma_start3A_59 = arith.constant 0 : i32
        %dma_start3A_60 = tpu.memref_slice %arg7[%dma_start3A_58, %dma_start3A_59] : memref<40x64xi32, #tpu.memory_space<vmem>> -> memref<1x64xi32, #tpu.memory_space<vmem>>
        %dma_start3A_61 = tpu.memref_squeeze %dma_start3A_60 : memref<1x64xi32, #tpu.memory_space<vmem>> -> memref<64xi32, #tpu.memory_space<vmem>>
        %dma_start3A_62 = arith.constant 0 : i32
        %dma_start3A_63 = arith.constant 0 : i32
        %dma_start3A_64 = tpu.memref_slice %arg2[%dma_start3A_62, %dma_start3A_63] : memref<120008x128xf32, #tpu.memory_space<hbm>> -> memref<120008x128xf32, #tpu.memory_space<hbm>>
        tpu.enqueue_indirect_dma source(%dma_start3A_64 : memref<120008x128xf32, #tpu.memory_space<hbm>>) target(%arg10 : memref<64x128xf32, #tpu.memory_space<vmem>>) offsets(%dma_start3A_61 : memref<64xi32, #tpu.memory_space<vmem>>) semaphore(%arg14 : memref<!tpu.dma_semaphore, #tpu.memory_space<semaphore_mem>>)
        %scan3A_65 = arith.constant 0 : i32
        %scan3A_66 = arith.constant 0 : i32
        %scan3A_67 = arith.constant 10 : i32
        %scan3A_68 = arith.addi %scan3A_66, %scan3A_67 : i32
        %scan3A_69 = arith.constant 1 : i32
        scf.for %scan3A_99 = %scan3A_66 to %scan3A_68 step %scan3A_69  : i32 {
          %mul3A_100 = arith.constant 2 : i32
          %mul3A_101 = arith.muli %mul3A_100, %scan3A_99 : i32
          %add3A_102 = arith.constant 0 : i32
          %add3A_103 = arith.addi %mul3A_101, %add3A_102 : i32
          %mul3A_104 = arith.constant 2 : i32
          %mul3A_105 = arith.muli %mul3A_104, %add3A_103 : i32
          %dma_wait3A_106 = arith.constant 0 : i32
          %dma_wait3A_107 = tpu.memref_slice %arg7[%mul3A_105, %dma_wait3A_106] : memref<40x64xi32, #tpu.memory_space<vmem>> -> memref<1x64xi32, #tpu.memory_space<vmem>>
          %dma_wait3A_108 = tpu.memref_squeeze %dma_wait3A_107 : memref<1x64xi32, #tpu.memory_space<vmem>> -> memref<64xi32, #tpu.memory_space<vmem>>
          %dma_wait3A_109 = arith.constant 0 : i32
          %dma_wait3A_110 = arith.constant 0 : i32
          %dma_wait3A_111 = tpu.memref_slice %arg2[%dma_wait3A_109, %dma_wait3A_110] : memref<120008x128xf32, #tpu.memory_space<hbm>> -> memref<120008x128xf32, #tpu.memory_space<hbm>>
          tpu.wait_indirect_dma semaphore(%arg13 : memref<!tpu.dma_semaphore, #tpu.memory_space<semaphore_mem>>) src(%dma_wait3A_111 : memref<120008x128xf32, #tpu.memory_space<hbm>>) dst(%arg9 : memref<64x128xf32, #tpu.memory_space<vmem>>)
          %add3A_112 = arith.constant 1 : i32
          %add3A_113 = arith.addi %mul3A_105, %add3A_112 : i32
          %dma_wait3A_114 = arith.constant 0 : i32
          %dma_wait3A_115 = tpu.memref_slice %arg7[%add3A_113, %dma_wait3A_114] : memref<40x64xi32, #tpu.memory_space<vmem>> -> memref<1x64xi32, #tpu.memory_space<vmem>>
          %dma_wait3A_116 = tpu.memref_squeeze %dma_wait3A_115 : memref<1x64xi32, #tpu.memory_space<vmem>> -> memref<64xi32, #tpu.memory_space<vmem>>
          %dma_wait3A_117 = arith.constant 0 : i32
          %dma_wait3A_118 = arith.constant 0 : i32
          %dma_wait3A_119 = tpu.memref_slice %arg2[%dma_wait3A_117, %dma_wait3A_118] : memref<120008x128xf32, #tpu.memory_space<hbm>> -> memref<120008x128xf32, #tpu.memory_space<hbm>>
          tpu.wait_indirect_dma semaphore(%arg14 : memref<!tpu.dma_semaphore, #tpu.memory_space<semaphore_mem>>) src(%dma_wait3A_119 : memref<120008x128xf32, #tpu.memory_space<hbm>>) dst(%arg10 : memref<64x128xf32, #tpu.memory_space<vmem>>)
          %dma_start3A_120 = arith.constant 0 : i32
          %dma_start3A_121 = tpu.memref_slice %arg8[%mul3A_105, %dma_start3A_120] : memref<40x64xi32, #tpu.memory_space<vmem>> -> memref<1x64xi32, #tpu.memory_space<vmem>>
          %dma_start3A_122 = tpu.memref_squeeze %dma_start3A_121 : memref<1x64xi32, #tpu.memory_space<vmem>> -> memref<64xi32, #tpu.memory_space<vmem>>
          %dma_start3A_123 = arith.constant 0 : i32
          %dma_start3A_124 = arith.constant 0 : i32
          %dma_start3A_125 = tpu.memref_slice %arg21[%dma_start3A_123, %dma_start3A_124] : memref<10112x128xf32, #tpu.memory_space<vmem_shared>> -> memref<10112x128xf32, #tpu.memory_space<vmem_shared>>
          tpu.enqueue_indirect_dma source(%arg9 : memref<64x128xf32, #tpu.memory_space<vmem>>) target(%dma_start3A_125 : memref<10112x128xf32, #tpu.memory_space<vmem_shared>>) offsets(%dma_start3A_122 : memref<64xi32, #tpu.memory_space<vmem>>) semaphore(%arg17 : memref<!tpu.dma_semaphore, #tpu.memory_space<semaphore_mem>>) {add = true}
          %add3A_126 = arith.constant 1 : i32
          %add3A_127 = arith.addi %mul3A_105, %add3A_126 : i32
          %dma_start3A_128 = arith.constant 0 : i32
          %dma_start3A_129 = tpu.memref_slice %arg8[%add3A_127, %dma_start3A_128] : memref<40x64xi32, #tpu.memory_space<vmem>> -> memref<1x64xi32, #tpu.memory_space<vmem>>
          %dma_start3A_130 = tpu.memref_squeeze %dma_start3A_129 : memref<1x64xi32, #tpu.memory_space<vmem>> -> memref<64xi32, #tpu.memory_space<vmem>>
          %dma_start3A_131 = arith.constant 0 : i32
          %dma_start3A_132 = arith.constant 0 : i32
          %dma_start3A_133 = tpu.memref_slice %arg21[%dma_start3A_131, %dma_start3A_132] : memref<10112x128xf32, #tpu.memory_space<vmem_shared>> -> memref<10112x128xf32, #tpu.memory_space<vmem_shared>>
          tpu.enqueue_indirect_dma source(%arg10 : memref<64x128xf32, #tpu.memory_space<vmem>>) target(%dma_start3A_133 : memref<10112x128xf32, #tpu.memory_space<vmem_shared>>) offsets(%dma_start3A_130 : memref<64xi32, #tpu.memory_space<vmem>>) semaphore(%arg18 : memref<!tpu.dma_semaphore, #tpu.memory_space<semaphore_mem>>) {add = true}
          %add3A_134 = arith.constant 1 : i32
          %add3A_135 = arith.addi %add3A_103, %add3A_134 : i32
          %lt3A = arith.constant 20 : i32
          %lt3A_136 = arith.cmpi slt, %add3A_135, %lt3A : i32
          %convert_element_type3A = arith.extui %lt3A_136 : i1 to i32
          %cond3A = arith.constant 0 : i32
          %cond3A_137 = arith.cmpi ne, %convert_element_type3A, %cond3A : i32
          scf.if %cond3A_137 {
            %ge3A = arith.constant 1 : i32
            %ge3A_179 = arith.cmpi sge, %add3A_103, %ge3A : i32
            %convert_element_type3A_180 = arith.extui %ge3A_179 : i1 to i32
            %cond3A_181 = arith.constant 0 : i32
            %cond3A_182 = arith.cmpi ne, %convert_element_type3A_180, %cond3A_181 : i32
            scf.if %cond3A_182 {
              %sub3A = arith.constant 1 : i32
              %sub3A_205 = arith.subi %add3A_103, %sub3A : i32
              %mul3A_206 = arith.constant 2 : i32
              %mul3A_207 = arith.muli %mul3A_206, %sub3A_205 : i32
              %dma_wait3A_208 = arith.constant 0 : i32
              %dma_wait3A_209 = tpu.memref_slice %arg8[%mul3A_207, %dma_wait3A_208] : memref<40x64xi32, #tpu.memory_space<vmem>> -> memref<1x64xi32, #tpu.memory_space<vmem>>
              %dma_wait3A_210 = tpu.memref_squeeze %dma_wait3A_209 : memref<1x64xi32, #tpu.memory_space<vmem>> -> memref<64xi32, #tpu.memory_space<vmem>>
              %dma_wait3A_211 = arith.constant 0 : i32
              %dma_wait3A_212 = arith.constant 0 : i32
              %dma_wait3A_213 = tpu.memref_slice %arg21[%dma_wait3A_211, %dma_wait3A_212] : memref<10112x128xf32, #tpu.memory_space<vmem_shared>> -> memref<10112x128xf32, #tpu.memory_space<vmem_shared>>
              tpu.wait_indirect_dma semaphore(%arg19 : memref<!tpu.dma_semaphore, #tpu.memory_space<semaphore_mem>>) src(%arg11 : memref<64x128xf32, #tpu.memory_space<vmem>>) dst(%dma_wait3A_213 : memref<10112x128xf32, #tpu.memory_space<vmem_shared>>)
              %sub3A_214 = arith.constant 1 : i32
              %sub3A_215 = arith.subi %add3A_103, %sub3A_214 : i32
              %mul3A_216 = arith.constant 2 : i32
              %mul3A_217 = arith.muli %mul3A_216, %sub3A_215 : i32
              %add3A_218 = arith.constant 1 : i32
              %add3A_219 = arith.addi %mul3A_217, %add3A_218 : i32
              %dma_wait3A_220 = arith.constant 0 : i32
              %dma_wait3A_221 = tpu.memref_slice %arg8[%add3A_219, %dma_wait3A_220] : memref<40x64xi32, #tpu.memory_space<vmem>> -> memref<1x64xi32, #tpu.memory_space<vmem>>
              %dma_wait3A_222 = tpu.memref_squeeze %dma_wait3A_221 : memref<1x64xi32, #tpu.memory_space<vmem>> -> memref<64xi32, #tpu.memory_space<vmem>>
              %dma_wait3A_223 = arith.constant 0 : i32
              %dma_wait3A_224 = arith.constant 0 : i32
              %dma_wait3A_225 = tpu.memref_slice %arg21[%dma_wait3A_223, %dma_wait3A_224] : memref<10112x128xf32, #tpu.memory_space<vmem_shared>> -> memref<10112x128xf32, #tpu.memory_space<vmem_shared>>
              tpu.wait_indirect_dma semaphore(%arg20 : memref<!tpu.dma_semaphore, #tpu.memory_space<semaphore_mem>>) src(%arg12 : memref<64x128xf32, #tpu.memory_space<vmem>>) dst(%dma_wait3A_225 : memref<10112x128xf32, #tpu.memory_space<vmem_shared>>)
            } else {
            }
            %add3A_183 = arith.constant 1 : i32
            %add3A_184 = arith.addi %add3A_103, %add3A_183 : i32
            %mul3A_185 = arith.constant 2 : i32
            %mul3A_186 = arith.muli %mul3A_185, %add3A_184 : i32
            %dma_start3A_187 = arith.constant 0 : i32
            %dma_start3A_188 = tpu.memref_slice %arg7[%mul3A_186, %dma_start3A_187] : memref<40x64xi32, #tpu.memory_space<vmem>> -> memref<1x64xi32, #tpu.memory_space<vmem>>
            %dma_start3A_189 = tpu.memref_squeeze %dma_start3A_188 : memref<1x64xi32, #tpu.memory_space<vmem>> -> memref<64xi32, #tpu.memory_space<vmem>>
            %dma_start3A_190 = arith.constant 0 : i32
            %dma_start3A_191 = arith.constant 0 : i32
            %dma_start3A_192 = tpu.memref_slice %arg2[%dma_start3A_190, %dma_start3A_191] : memref<120008x128xf32, #tpu.memory_space<hbm>> -> memref<120008x128xf32, #tpu.memory_space<hbm>>
            tpu.enqueue_indirect_dma source(%dma_start3A_192 : memref<120008x128xf32, #tpu.memory_space<hbm>>) target(%arg11 : memref<64x128xf32, #tpu.memory_space<vmem>>) offsets(%dma_start3A_189 : memref<64xi32, #tpu.memory_space<vmem>>) semaphore(%arg15 : memref<!tpu.dma_semaphore, #tpu.memory_space<semaphore_mem>>)
            %add3A_193 = arith.constant 1 : i32
            %add3A_194 = arith.addi %add3A_103, %add3A_193 : i32
            %mul3A_195 = arith.constant 2 : i32
            %mul3A_196 = arith.muli %mul3A_195, %add3A_194 : i32
            %add3A_197 = arith.constant 1 : i32
            %add3A_198 = arith.addi %mul3A_196, %add3A_197 : i32
            %dma_start3A_199 = arith.constant 0 : i32
            %dma_start3A_200 = tpu.memref_slice %arg7[%add3A_198, %dma_start3A_199] : memref<40x64xi32, #tpu.memory_space<vmem>> -> memref<1x64xi32, #tpu.memory_space<vmem>>
            %dma_start3A_201 = tpu.memref_squeeze %dma_start3A_200 : memref<1x64xi32, #tpu.memory_space<vmem>> -> memref<64xi32, #tpu.memory_space<vmem>>
            %dma_start3A_202 = arith.constant 0 : i32
            %dma_start3A_203 = arith.constant 0 : i32
            %dma_start3A_204 = tpu.memref_slice %arg2[%dma_start3A_202, %dma_start3A_203] : memref<120008x128xf32, #tpu.memory_space<hbm>> -> memref<120008x128xf32, #tpu.memory_space<hbm>>
            tpu.enqueue_indirect_dma source(%dma_start3A_204 : memref<120008x128xf32, #tpu.memory_space<hbm>>) target(%arg12 : memref<64x128xf32, #tpu.memory_space<vmem>>) offsets(%dma_start3A_201 : memref<64xi32, #tpu.memory_space<vmem>>) semaphore(%arg16 : memref<!tpu.dma_semaphore, #tpu.memory_space<semaphore_mem>>)
          } else {
          }
          %mul3A_138 = arith.constant 2 : i32
          %mul3A_139 = arith.muli %mul3A_138, %scan3A_99 : i32
          %add3A_140 = arith.constant 1 : i32
          %add3A_141 = arith.addi %mul3A_139, %add3A_140 : i32
          %mul3A_142 = arith.constant 2 : i32
          %mul3A_143 = arith.muli %mul3A_142, %add3A_141 : i32
          %dma_wait3A_144 = arith.constant 0 : i32
          %dma_wait3A_145 = tpu.memref_slice %arg7[%mul3A_143, %dma_wait3A_144] : memref<40x64xi32, #tpu.memory_space<vmem>> -> memref<1x64xi32, #tpu.memory_space<vmem>>
          %dma_wait3A_146 = tpu.memref_squeeze %dma_wait3A_145 : memref<1x64xi32, #tpu.memory_space<vmem>> -> memref<64xi32, #tpu.memory_space<vmem>>
          %dma_wait3A_147 = arith.constant 0 : i32
          %dma_wait3A_148 = arith.constant 0 : i32
          %dma_wait3A_149 = tpu.memref_slice %arg2[%dma_wait3A_147, %dma_wait3A_148] : memref<120008x128xf32, #tpu.memory_space<hbm>> -> memref<120008x128xf32, #tpu.memory_space<hbm>>
          tpu.wait_indirect_dma semaphore(%arg15 : memref<!tpu.dma_semaphore, #tpu.memory_space<semaphore_mem>>) src(%dma_wait3A_149 : memref<120008x128xf32, #tpu.memory_space<hbm>>) dst(%arg11 : memref<64x128xf32, #tpu.memory_space<vmem>>)
          %add3A_150 = arith.constant 1 : i32
          %add3A_151 = arith.addi %mul3A_143, %add3A_150 : i32
          %dma_wait3A_152 = arith.constant 0 : i32
          %dma_wait3A_153 = tpu.memref_slice %arg7[%add3A_151, %dma_wait3A_152] : memref<40x64xi32, #tpu.memory_space<vmem>> -> memref<1x64xi32, #tpu.memory_space<vmem>>
          %dma_wait3A_154 = tpu.memref_squeeze %dma_wait3A_153 : memref<1x64xi32, #tpu.memory_space<vmem>> -> memref<64xi32, #tpu.memory_space<vmem>>
          %dma_wait3A_155 = arith.constant 0 : i32
          %dma_wait3A_156 = arith.constant 0 : i32
          %dma_wait3A_157 = tpu.memref_slice %arg2[%dma_wait3A_155, %dma_wait3A_156] : memref<120008x128xf32, #tpu.memory_space<hbm>> -> memref<120008x128xf32, #tpu.memory_space<hbm>>
          tpu.wait_indirect_dma semaphore(%arg16 : memref<!tpu.dma_semaphore, #tpu.memory_space<semaphore_mem>>) src(%dma_wait3A_157 : memref<120008x128xf32, #tpu.memory_space<hbm>>) dst(%arg12 : memref<64x128xf32, #tpu.memory_space<vmem>>)
          %dma_start3A_158 = arith.constant 0 : i32
          %dma_start3A_159 = tpu.memref_slice %arg8[%mul3A_143, %dma_start3A_158] : memref<40x64xi32, #tpu.memory_space<vmem>> -> memref<1x64xi32, #tpu.memory_space<vmem>>
          %dma_start3A_160 = tpu.memref_squeeze %dma_start3A_159 : memref<1x64xi32, #tpu.memory_space<vmem>> -> memref<64xi32, #tpu.memory_space<vmem>>
          %dma_start3A_161 = arith.constant 0 : i32
          %dma_start3A_162 = arith.constant 0 : i32
          %dma_start3A_163 = tpu.memref_slice %arg21[%dma_start3A_161, %dma_start3A_162] : memref<10112x128xf32, #tpu.memory_space<vmem_shared>> -> memref<10112x128xf32, #tpu.memory_space<vmem_shared>>
          tpu.enqueue_indirect_dma source(%arg11 : memref<64x128xf32, #tpu.memory_space<vmem>>) target(%dma_start3A_163 : memref<10112x128xf32, #tpu.memory_space<vmem_shared>>) offsets(%dma_start3A_160 : memref<64xi32, #tpu.memory_space<vmem>>) semaphore(%arg19 : memref<!tpu.dma_semaphore, #tpu.memory_space<semaphore_mem>>) {add = true}
          %add3A_164 = arith.constant 1 : i32
          %add3A_165 = arith.addi %mul3A_143, %add3A_164 : i32
          %dma_start3A_166 = arith.constant 0 : i32
          %dma_start3A_167 = tpu.memref_slice %arg8[%add3A_165, %dma_start3A_166] : memref<40x64xi32, #tpu.memory_space<vmem>> -> memref<1x64xi32, #tpu.memory_space<vmem>>
          %dma_start3A_168 = tpu.memref_squeeze %dma_start3A_167 : memref<1x64xi32, #tpu.memory_space<vmem>> -> memref<64xi32, #tpu.memory_space<vmem>>
          %dma_start3A_169 = arith.constant 0 : i32
          %dma_start3A_170 = arith.constant 0 : i32
          %dma_start3A_171 = tpu.memref_slice %arg21[%dma_start3A_169, %dma_start3A_170] : memref<10112x128xf32, #tpu.memory_space<vmem_shared>> -> memref<10112x128xf32, #tpu.memory_space<vmem_shared>>
          tpu.enqueue_indirect_dma source(%arg12 : memref<64x128xf32, #tpu.memory_space<vmem>>) target(%dma_start3A_171 : memref<10112x128xf32, #tpu.memory_space<vmem_shared>>) offsets(%dma_start3A_168 : memref<64xi32, #tpu.memory_space<vmem>>) semaphore(%arg20 : memref<!tpu.dma_semaphore, #tpu.memory_space<semaphore_mem>>) {add = true}
          %add3A_172 = arith.constant 1 : i32
          %add3A_173 = arith.addi %add3A_141, %add3A_172 : i32
          %lt3A_174 = arith.constant 20 : i32
          %lt3A_175 = arith.cmpi slt, %add3A_173, %lt3A_174 : i32
          %convert_element_type3A_176 = arith.extui %lt3A_175 : i1 to i32
          %cond3A_177 = arith.constant 0 : i32
          %cond3A_178 = arith.cmpi ne, %convert_element_type3A_176, %cond3A_177 : i32
          scf.if %cond3A_178 {
            %ge3A = arith.constant 1 : i32
            %ge3A_179 = arith.cmpi sge, %add3A_141, %ge3A : i32
            %convert_element_type3A_180 = arith.extui %ge3A_179 : i1 to i32
            %cond3A_181 = arith.constant 0 : i32
            %cond3A_182 = arith.cmpi ne, %convert_element_type3A_180, %cond3A_181 : i32
            scf.if %cond3A_182 {
              %sub3A = arith.constant 1 : i32
              %sub3A_205 = arith.subi %add3A_141, %sub3A : i32
              %mul3A_206 = arith.constant 2 : i32
              %mul3A_207 = arith.muli %mul3A_206, %sub3A_205 : i32
              %dma_wait3A_208 = arith.constant 0 : i32
              %dma_wait3A_209 = tpu.memref_slice %arg8[%mul3A_207, %dma_wait3A_208] : memref<40x64xi32, #tpu.memory_space<vmem>> -> memref<1x64xi32, #tpu.memory_space<vmem>>
              %dma_wait3A_210 = tpu.memref_squeeze %dma_wait3A_209 : memref<1x64xi32, #tpu.memory_space<vmem>> -> memref<64xi32, #tpu.memory_space<vmem>>
              %dma_wait3A_211 = arith.constant 0 : i32
              %dma_wait3A_212 = arith.constant 0 : i32
              %dma_wait3A_213 = tpu.memref_slice %arg21[%dma_wait3A_211, %dma_wait3A_212] : memref<10112x128xf32, #tpu.memory_space<vmem_shared>> -> memref<10112x128xf32, #tpu.memory_space<vmem_shared>>
              tpu.wait_indirect_dma semaphore(%arg17 : memref<!tpu.dma_semaphore, #tpu.memory_space<semaphore_mem>>) src(%arg9 : memref<64x128xf32, #tpu.memory_space<vmem>>) dst(%dma_wait3A_213 : memref<10112x128xf32, #tpu.memory_space<vmem_shared>>)
              %sub3A_214 = arith.constant 1 : i32
              %sub3A_215 = arith.subi %add3A_141, %sub3A_214 : i32
              %mul3A_216 = arith.constant 2 : i32
              %mul3A_217 = arith.muli %mul3A_216, %sub3A_215 : i32
              %add3A_218 = arith.constant 1 : i32
              %add3A_219 = arith.addi %mul3A_217, %add3A_218 : i32
              %dma_wait3A_220 = arith.constant 0 : i32
              %dma_wait3A_221 = tpu.memref_slice %arg8[%add3A_219, %dma_wait3A_220] : memref<40x64xi32, #tpu.memory_space<vmem>> -> memref<1x64xi32, #tpu.memory_space<vmem>>
              %dma_wait3A_222 = tpu.memref_squeeze %dma_wait3A_221 : memref<1x64xi32, #tpu.memory_space<vmem>> -> memref<64xi32, #tpu.memory_space<vmem>>
              %dma_wait3A_223 = arith.constant 0 : i32
              %dma_wait3A_224 = arith.constant 0 : i32
              %dma_wait3A_225 = tpu.memref_slice %arg21[%dma_wait3A_223, %dma_wait3A_224] : memref<10112x128xf32, #tpu.memory_space<vmem_shared>> -> memref<10112x128xf32, #tpu.memory_space<vmem_shared>>
              tpu.wait_indirect_dma semaphore(%arg18 : memref<!tpu.dma_semaphore, #tpu.memory_space<semaphore_mem>>) src(%arg10 : memref<64x128xf32, #tpu.memory_space<vmem>>) dst(%dma_wait3A_225 : memref<10112x128xf32, #tpu.memory_space<vmem_shared>>)
            } else {
            }
            %add3A_183 = arith.constant 1 : i32
            %add3A_184 = arith.addi %add3A_141, %add3A_183 : i32
            %mul3A_185 = arith.constant 2 : i32
            %mul3A_186 = arith.muli %mul3A_185, %add3A_184 : i32
            %dma_start3A_187 = arith.constant 0 : i32
            %dma_start3A_188 = tpu.memref_slice %arg7[%mul3A_186, %dma_start3A_187] : memref<40x64xi32, #tpu.memory_space<vmem>> -> memref<1x64xi32, #tpu.memory_space<vmem>>
            %dma_start3A_189 = tpu.memref_squeeze %dma_start3A_188 : memref<1x64xi32, #tpu.memory_space<vmem>> -> memref<64xi32, #tpu.memory_space<vmem>>
            %dma_start3A_190 = arith.constant 0 : i32
            %dma_start3A_191 = arith.constant 0 : i32
            %dma_start3A_192 = tpu.memref_slice %arg2[%dma_start3A_190, %dma_start3A_191] : memref<120008x128xf32, #tpu.memory_space<hbm>> -> memref<120008x128xf32, #tpu.memory_space<hbm>>
            tpu.enqueue_indirect_dma source(%dma_start3A_192 : memref<120008x128xf32, #tpu.memory_space<hbm>>) target(%arg9 : memref<64x128xf32, #tpu.memory_space<vmem>>) offsets(%dma_start3A_189 : memref<64xi32, #tpu.memory_space<vmem>>) semaphore(%arg13 : memref<!tpu.dma_semaphore, #tpu.memory_space<semaphore_mem>>)
            %add3A_193 = arith.constant 1 : i32
            %add3A_194 = arith.addi %add3A_141, %add3A_193 : i32
            %mul3A_195 = arith.constant 2 : i32
            %mul3A_196 = arith.muli %mul3A_195, %add3A_194 : i32
            %add3A_197 = arith.constant 1 : i32
            %add3A_198 = arith.addi %mul3A_196, %add3A_197 : i32
            %dma_start3A_199 = arith.constant 0 : i32
            %dma_start3A_200 = tpu.memref_slice %arg7[%add3A_198, %dma_start3A_199] : memref<40x64xi32, #tpu.memory_space<vmem>> -> memref<1x64xi32, #tpu.memory_space<vmem>>
            %dma_start3A_201 = tpu.memref_squeeze %dma_start3A_200 : memref<1x64xi32, #tpu.memory_space<vmem>> -> memref<64xi32, #tpu.memory_space<vmem>>
            %dma_start3A_202 = arith.constant 0 : i32
            %dma_start3A_203 = arith.constant 0 : i32
            %dma_start3A_204 = tpu.memref_slice %arg2[%dma_start3A_202, %dma_start3A_203] : memref<120008x128xf32, #tpu.memory_space<hbm>> -> memref<120008x128xf32, #tpu.memory_space<hbm>>
            tpu.enqueue_indirect_dma source(%dma_start3A_204 : memref<120008x128xf32, #tpu.memory_space<hbm>>) target(%arg10 : memref<64x128xf32, #tpu.memory_space<vmem>>) offsets(%dma_start3A_201 : memref<64xi32, #tpu.memory_space<vmem>>) semaphore(%arg14 : memref<!tpu.dma_semaphore, #tpu.memory_space<semaphore_mem>>)
          } else {
          }
        }
        %scan3A_70 = arith.constant 10 : i32
        %dma_wait3A_71 = arith.constant 36 : i32
        %dma_wait3A_72 = arith.constant 0 : i32
        %dma_wait3A_73 = tpu.memref_slice %arg8[%dma_wait3A_71, %dma_wait3A_72] : memref<40x64xi32, #tpu.memory_space<vmem>> -> memref<1x64xi32, #tpu.memory_space<vmem>>
        %dma_wait3A_74 = tpu.memref_squeeze %dma_wait3A_73 : memref<1x64xi32, #tpu.memory_space<vmem>> -> memref<64xi32, #tpu.memory_space<vmem>>
        %dma_wait3A_75 = arith.constant 0 : i32
        %dma_wait3A_76 = arith.constant 0 : i32
        %dma_wait3A_77 = tpu.memref_slice %arg21[%dma_wait3A_75, %dma_wait3A_76] : memref<10112x128xf32, #tpu.memory_space<vmem_shared>> -> memref<10112x128xf32, #tpu.memory_space<vmem_shared>>
        tpu.wait_indirect_dma semaphore(%arg17 : memref<!tpu.dma_semaphore, #tpu.memory_space<semaphore_mem>>) src(%arg9 : memref<64x128xf32, #tpu.memory_space<vmem>>) dst(%dma_wait3A_77 : memref<10112x128xf32, #tpu.memory_space<vmem_shared>>)
        %dma_wait3A_78 = arith.constant 37 : i32
        %dma_wait3A_79 = arith.constant 0 : i32
        %dma_wait3A_80 = tpu.memref_slice %arg8[%dma_wait3A_78, %dma_wait3A_79] : memref<40x64xi32, #tpu.memory_space<vmem>> -> memref<1x64xi32, #tpu.memory_space<vmem>>
        %dma_wait3A_81 = tpu.memref_squeeze %dma_wait3A_80 : memref<1x64xi32, #tpu.memory_space<vmem>> -> memref<64xi32, #tpu.memory_space<vmem>>
        %dma_wait3A_82 = arith.constant 0 : i32
        %dma_wait3A_83 = arith.constant 0 : i32
        %dma_wait3A_84 = tpu.memref_slice %arg21[%dma_wait3A_82, %dma_wait3A_83] : memref<10112x128xf32, #tpu.memory_space<vmem_shared>> -> memref<10112x128xf32, #tpu.memory_space<vmem_shared>>
        tpu.wait_indirect_dma semaphore(%arg18 : memref<!tpu.dma_semaphore, #tpu.memory_space<semaphore_mem>>) src(%arg10 : memref<64x128xf32, #tpu.memory_space<vmem>>) dst(%dma_wait3A_84 : memref<10112x128xf32, #tpu.memory_space<vmem_shared>>)
        %dma_wait3A_85 = arith.constant 38 : i32
        %dma_wait3A_86 = arith.constant 0 : i32
        %dma_wait3A_87 = tpu.memref_slice %arg8[%dma_wait3A_85, %dma_wait3A_86] : memref<40x64xi32, #tpu.memory_space<vmem>> -> memref<1x64xi32, #tpu.memory_space<vmem>>
        %dma_wait3A_88 = tpu.memref_squeeze %dma_wait3A_87 : memref<1x64xi32, #tpu.memory_space<vmem>> -> memref<64xi32, #tpu.memory_space<vmem>>
        %dma_wait3A_89 = arith.constant 0 : i32
        %dma_wait3A_90 = arith.constant 0 : i32
        %dma_wait3A_91 = tpu.memref_slice %arg21[%dma_wait3A_89, %dma_wait3A_90] : memref<10112x128xf32, #tpu.memory_space<vmem_shared>> -> memref<10112x128xf32, #tpu.memory_space<vmem_shared>>
        tpu.wait_indirect_dma semaphore(%arg19 : memref<!tpu.dma_semaphore, #tpu.memory_space<semaphore_mem>>) src(%arg11 : memref<64x128xf32, #tpu.memory_space<vmem>>) dst(%dma_wait3A_91 : memref<10112x128xf32, #tpu.memory_space<vmem_shared>>)
        %dma_wait3A_92 = arith.constant 39 : i32
        %dma_wait3A_93 = arith.constant 0 : i32
        %dma_wait3A_94 = tpu.memref_slice %arg8[%dma_wait3A_92, %dma_wait3A_93] : memref<40x64xi32, #tpu.memory_space<vmem>> -> memref<1x64xi32, #tpu.memory_space<vmem>>
        %dma_wait3A_95 = tpu.memref_squeeze %dma_wait3A_94 : memref<1x64xi32, #tpu.memory_space<vmem>> -> memref<64xi32, #tpu.memory_space<vmem>>
        %dma_wait3A_96 = arith.constant 0 : i32
        %dma_wait3A_97 = arith.constant 0 : i32
        %dma_wait3A_98 = tpu.memref_slice %arg21[%dma_wait3A_96, %dma_wait3A_97] : memref<10112x128xf32, #tpu.memory_space<vmem_shared>> -> memref<10112x128xf32, #tpu.memory_space<vmem_shared>>
        tpu.wait_indirect_dma semaphore(%arg20 : memref<!tpu.dma_semaphore, #tpu.memory_space<semaphore_mem>>) src(%arg12 : memref<64x128xf32, #tpu.memory_space<vmem>>) dst(%dma_wait3A_98 : memref<10112x128xf32, #tpu.memory_space<vmem_shared>>)
      }
      %scan3A_43 = arith.constant 4 : i32
      %barrier3A_44 = arith.constant 0 : index
      tpu.barrier barrier_id(%barrier3A_44)
      %mul3A_45 = arith.constant 632 : i32
      %mul3A_46 = arith.muli %arg1, %mul3A_45 : i32
      %mul3A_47 = arith.constant 632 : i32
      %mul3A_48 = arith.muli %arg1, %mul3A_47 : i32
      "tpu.region"() ({
        %run_scoped3A_50 = tpu.sem_alloc : memref<!tpu.dma_semaphore, #tpu.memory_space<semaphore_mem>>
        %dma_start3A_51 = arith.constant 0 : i32
        %dma_start3A_52 = tpu.memref_slice %arg6[%arg0, %scan3A_34, %mul3A_48, %dma_start3A_51] : memref<2x13x10112x128xf32, #tpu.memory_space<hbm>> -> memref<1x1x632x128xf32, #tpu.memory_space<hbm>>
        %dma_start3A_53 = tpu.memref_squeeze %dma_start3A_52 : memref<1x1x632x128xf32, #tpu.memory_space<hbm>> -> memref<632x128xf32, #tpu.memory_space<hbm>>
        %dma_start3A_54 = arith.constant 0 : i32
        %dma_start3A_55 = tpu.memref_slice %arg21[%mul3A_46, %dma_start3A_54] : memref<10112x128xf32, #tpu.memory_space<vmem_shared>> -> memref<632x128xf32, #tpu.memory_space<vmem_shared>>
        tpu.enqueue_dma source(%dma_start3A_55 : memref<632x128xf32, #tpu.memory_space<vmem_shared>>) target(%dma_start3A_53 : memref<632x128xf32, #tpu.memory_space<hbm>>) target_semaphore(%run_scoped3A_50 : memref<!tpu.dma_semaphore, #tpu.memory_space<semaphore_mem>>)
        %dma_wait3A_56 = arith.constant 0 : i32
        %dma_wait3A_57 = tpu.memref_slice %arg6[%arg0, %scan3A_34, %mul3A_48, %dma_wait3A_56] : memref<2x13x10112x128xf32, #tpu.memory_space<hbm>> -> memref<1x1x632x128xf32, #tpu.memory_space<hbm>>
        %dma_wait3A_58 = tpu.memref_squeeze %dma_wait3A_57 : memref<1x1x632x128xf32, #tpu.memory_space<hbm>> -> memref<632x128xf32, #tpu.memory_space<hbm>>
        %dma_wait3A_59 = arith.constant 0 : i32
        %dma_wait3A_60 = tpu.memref_slice %arg21[%mul3A_46, %dma_wait3A_59] : memref<10112x128xf32, #tpu.memory_space<vmem_shared>> -> memref<632x128xf32, #tpu.memory_space<vmem_shared>>
        tpu.wait_dma2 semaphore(%run_scoped3A_50 : memref<!tpu.dma_semaphore, #tpu.memory_space<semaphore_mem>>) src(%dma_wait3A_60 : memref<632x128xf32, #tpu.memory_space<vmem_shared>>) dst(%dma_wait3A_58 : memref<632x128xf32, #tpu.memory_space<hbm>>)
        tpu.yield
      }) : () -> ()
      %barrier3A_49 = arith.constant 0 : index
      tpu.barrier barrier_id(%barrier3A_49)
    }
    %scan3A_5 = arith.constant 12 : i32
    %mul3A_6 = arith.constant 632 : i32
    %mul3A_7 = arith.muli %arg1, %mul3A_6 : i32
    "tpu.region"() ({
      %run_scoped3A_34 = tpu.sem_alloc : memref<!tpu.dma_semaphore, #tpu.memory_space<semaphore_mem>>
      %dma_start3A_35 = arith.constant 0 : i32
      %dma_start3A_36 = tpu.memref_slice %arg21[%mul3A_7, %dma_start3A_35] : memref<10112x128xf32, #tpu.memory_space<vmem_shared>> -> memref<632x128xf32, #tpu.memory_space<vmem_shared>>
      tpu.enqueue_dma source(%arg5 : memref<632x128xf32, #tpu.memory_space<hbm>>) target(%dma_start3A_36 : memref<632x128xf32, #tpu.memory_space<vmem_shared>>) target_semaphore(%run_scoped3A_34 : memref<!tpu.dma_semaphore, #tpu.memory_space<semaphore_mem>>)
      %dma_wait3A_37 = arith.constant 0 : i32
      %dma_wait3A_38 = tpu.memref_slice %arg21[%mul3A_7, %dma_wait3A_37] : memref<10112x128xf32, #tpu.memory_space<vmem_shared>> -> memref<632x128xf32, #tpu.memory_space<vmem_shared>>
      tpu.wait_dma2 semaphore(%run_scoped3A_34 : memref<!tpu.dma_semaphore, #tpu.memory_space<semaphore_mem>>) src(%arg5 : memref<632x128xf32, #tpu.memory_space<hbm>>) dst(%dma_wait3A_38 : memref<632x128xf32, #tpu.memory_space<vmem_shared>>)
      tpu.yield
    }) : () -> ()
    %run_scoped3A = arith.constant 12 : i32
    %run_scoped3A_8 = arith.constant 0 : i32
    "tpu.region"() ({
      %run_scoped3A_34 = tpu.sem_alloc : memref<!tpu.dma_semaphore, #tpu.memory_space<semaphore_mem>>
      %dma_start3A_35 = arith.constant 0 : i32
      %dma_start3A_36 = arith.constant 0 : i32
      %dma_start3A_37 = tpu.memref_slice %arg3[%run_scoped3A, %add3A, %run_scoped3A_8, %dma_start3A_35, %dma_start3A_36] : memref<13x32x4x40x64xi32, #tpu.memory_space<hbm>> -> memref<1x1x1x40x64xi32, #tpu.memory_space<hbm>>
      %dma_start3A_38 = tpu.memref_squeeze %dma_start3A_37 : memref<1x1x1x40x64xi32, #tpu.memory_space<hbm>> -> memref<40x64xi32, #tpu.memory_space<hbm>>
      %dma_start3A_39 = arith.constant 0 : i32
      %dma_start3A_40 = arith.constant 0 : i32
      %dma_start3A_41 = tpu.memref_slice %arg3[%run_scoped3A, %add3A, %run_scoped3A_8, %dma_start3A_39, %dma_start3A_40] : memref<13x32x4x40x64xi32, #tpu.memory_space<hbm>> -> memref<1x1x1x40x64xi32, #tpu.memory_space<hbm>>
      %dma_start3A_42 = tpu.memref_squeeze %dma_start3A_41 : memref<1x1x1x40x64xi32, #tpu.memory_space<hbm>> -> memref<40x64xi32, #tpu.memory_space<hbm>>
      tpu.enqueue_dma source(%dma_start3A_42 : memref<40x64xi32, #tpu.memory_space<hbm>>) target(%arg7 : memref<40x64xi32, #tpu.memory_space<vmem>>) target_semaphore(%run_scoped3A_34 : memref<!tpu.dma_semaphore, #tpu.memory_space<semaphore_mem>>)
      %dma_wait3A_43 = arith.constant 0 : i32
      %dma_wait3A_44 = arith.constant 0 : i32
      %dma_wait3A_45 = tpu.memref_slice %arg3[%run_scoped3A, %add3A, %run_scoped3A_8, %dma_wait3A_43, %dma_wait3A_44] : memref<13x32x4x40x64xi32, #tpu.memory_space<hbm>> -> memref<1x1x1x40x64xi32, #tpu.memory_space<hbm>>
      %dma_wait3A_46 = tpu.memref_squeeze %dma_wait3A_45 : memref<1x1x1x40x64xi32, #tpu.memory_space<hbm>> -> memref<40x64xi32, #tpu.memory_space<hbm>>
      %dma_wait3A_47 = arith.constant 0 : i32
      %dma_wait3A_48 = arith.constant 0 : i32
      %dma_wait3A_49 = tpu.memref_slice %arg3[%run_scoped3A, %add3A, %run_scoped3A_8, %dma_wait3A_47, %dma_wait3A_48] : memref<13x32x4x40x64xi32, #tpu.memory_space<hbm>> -> memref<1x1x1x40x64xi32, #tpu.memory_space<hbm>>
      %dma_wait3A_50 = tpu.memref_squeeze %dma_wait3A_49 : memref<1x1x1x40x64xi32, #tpu.memory_space<hbm>> -> memref<40x64xi32, #tpu.memory_space<hbm>>
      tpu.wait_dma2 semaphore(%run_scoped3A_34 : memref<!tpu.dma_semaphore, #tpu.memory_space<semaphore_mem>>) src(%dma_wait3A_50 : memref<40x64xi32, #tpu.memory_space<hbm>>) dst(%arg7 : memref<40x64xi32, #tpu.memory_space<vmem>>)
      tpu.yield
    }) : () -> ()
    %barrier3A = arith.constant 0 : index
    tpu.barrier barrier_id(%barrier3A)
    %dma_start3A = arith.constant 0 : i32
    %dma_start3A_9 = arith.constant 0 : i32
    %dma_start3A_10 = tpu.memref_slice %arg7[%dma_start3A, %dma_start3A_9] : memref<40x64xi32, #tpu.memory_space<vmem>> -> memref<1x64xi32, #tpu.memory_space<vmem>>
    %dma_start3A_11 = tpu.memref_squeeze %dma_start3A_10 : memref<1x64xi32, #tpu.memory_space<vmem>> -> memref<64xi32, #tpu.memory_space<vmem>>
    %dma_start3A_12 = arith.constant 0 : i32
    %dma_start3A_13 = arith.constant 0 : i32
    %dma_start3A_14 = tpu.memref_slice %arg2[%dma_start3A_12, %dma_start3A_13] : memref<120008x128xf32, #tpu.memory_space<hbm>> -> memref<120008x128xf32, #tpu.memory_space<hbm>>
    tpu.enqueue_indirect_dma source(%dma_start3A_14 : memref<120008x128xf32, #tpu.memory_space<hbm>>) target(%arg9 : memref<64x128xf32, #tpu.memory_space<vmem>>) offsets(%dma_start3A_11 : memref<64xi32, #tpu.memory_space<vmem>>) semaphore(%arg13 : memref<!tpu.dma_semaphore, #tpu.memory_space<semaphore_mem>>)
    %dma_wait3A = arith.constant 0 : i32
    %dma_wait3A_15 = arith.constant 0 : i32
    %dma_wait3A_16 = tpu.memref_slice %arg7[%dma_wait3A, %dma_wait3A_15] : memref<40x64xi32, #tpu.memory_space<vmem>> -> memref<1x64xi32, #tpu.memory_space<vmem>>
    %dma_wait3A_17 = tpu.memref_squeeze %dma_wait3A_16 : memref<1x64xi32, #tpu.memory_space<vmem>> -> memref<64xi32, #tpu.memory_space<vmem>>
    %dma_wait3A_18 = arith.constant 0 : i32
    %dma_wait3A_19 = arith.constant 0 : i32
    %dma_wait3A_20 = tpu.memref_slice %arg2[%dma_wait3A_18, %dma_wait3A_19] : memref<120008x128xf32, #tpu.memory_space<hbm>> -> memref<120008x128xf32, #tpu.memory_space<hbm>>
    tpu.wait_indirect_dma semaphore(%arg13 : memref<!tpu.dma_semaphore, #tpu.memory_space<semaphore_mem>>) src(%dma_wait3A_20 : memref<120008x128xf32, #tpu.memory_space<hbm>>) dst(%arg9 : memref<64x128xf32, #tpu.memory_space<vmem>>)
    %scan3A_21 = arith.constant 0 : i32
    %scan3A_22 = arith.constant 0 : i32
    %scan3A_23 = arith.constant 4 : i32
    %scan3A_24 = arith.addi %scan3A_22, %scan3A_23 : i32
    %scan3A_25 = arith.constant 1 : i32
    scf.for %scan3A_34 = %scan3A_22 to %scan3A_24 step %scan3A_25  : i32 {
      "tpu.region"() ({
        %run_scoped3A_41 = tpu.sem_alloc : memref<!tpu.dma_semaphore, #tpu.memory_space<semaphore_mem>>
        %dma_start3A_42 = arith.constant 0 : i32
        %dma_start3A_43 = arith.constant 0 : i32
        %dma_start3A_44 = tpu.memref_slice %arg4[%add3A, %scan3A_34, %dma_start3A_42, %dma_start3A_43] : memref<32x4x40x64xi32, #tpu.memory_space<hbm>> -> memref<1x1x40x64xi32, #tpu.memory_space<hbm>>
        %dma_start3A_45 = tpu.memref_squeeze %dma_start3A_44 : memref<1x1x40x64xi32, #tpu.memory_space<hbm>> -> memref<40x64xi32, #tpu.memory_space<hbm>>
        %dma_start3A_46 = arith.constant 0 : i32
        %dma_start3A_47 = arith.constant 0 : i32
        %dma_start3A_48 = tpu.memref_slice %arg4[%add3A, %scan3A_34, %dma_start3A_46, %dma_start3A_47] : memref<32x4x40x64xi32, #tpu.memory_space<hbm>> -> memref<1x1x40x64xi32, #tpu.memory_space<hbm>>
        %dma_start3A_49 = tpu.memref_squeeze %dma_start3A_48 : memref<1x1x40x64xi32, #tpu.memory_space<hbm>> -> memref<40x64xi32, #tpu.memory_space<hbm>>
        tpu.enqueue_dma source(%dma_start3A_49 : memref<40x64xi32, #tpu.memory_space<hbm>>) target(%arg8 : memref<40x64xi32, #tpu.memory_space<vmem>>) target_semaphore(%run_scoped3A_41 : memref<!tpu.dma_semaphore, #tpu.memory_space<semaphore_mem>>)
        %dma_wait3A_50 = arith.constant 0 : i32
        %dma_wait3A_51 = arith.constant 0 : i32
        %dma_wait3A_52 = tpu.memref_slice %arg4[%add3A, %scan3A_34, %dma_wait3A_50, %dma_wait3A_51] : memref<32x4x40x64xi32, #tpu.memory_space<hbm>> -> memref<1x1x40x64xi32, #tpu.memory_space<hbm>>
        %dma_wait3A_53 = tpu.memref_squeeze %dma_wait3A_52 : memref<1x1x40x64xi32, #tpu.memory_space<hbm>> -> memref<40x64xi32, #tpu.memory_space<hbm>>
        %dma_wait3A_54 = arith.constant 0 : i32
        %dma_wait3A_55 = arith.constant 0 : i32
        %dma_wait3A_56 = tpu.memref_slice %arg4[%add3A, %scan3A_34, %dma_wait3A_54, %dma_wait3A_55] : memref<32x4x40x64xi32, #tpu.memory_space<hbm>> -> memref<1x1x40x64xi32, #tpu.memory_space<hbm>>
        %dma_wait3A_57 = tpu.memref_squeeze %dma_wait3A_56 : memref<1x1x40x64xi32, #tpu.memory_space<hbm>> -> memref<40x64xi32, #tpu.memory_space<hbm>>
        tpu.wait_dma2 semaphore(%run_scoped3A_41 : memref<!tpu.dma_semaphore, #tpu.memory_space<semaphore_mem>>) src(%dma_wait3A_57 : memref<40x64xi32, #tpu.memory_space<hbm>>) dst(%arg8 : memref<40x64xi32, #tpu.memory_space<vmem>>)
        tpu.yield
      }) : () -> ()
      %scan3A_35 = arith.constant 0 : i32
      %scan3A_36 = arith.constant 0 : i32
      %scan3A_37 = arith.constant 10 : i32
      %scan3A_38 = arith.addi %scan3A_36, %scan3A_37 : i32
      %scan3A_39 = arith.constant 1 : i32
      scf.for %scan3A_41 = %scan3A_36 to %scan3A_38 step %scan3A_39  : i32 {
        %mul3A_42 = arith.constant 4 : i32
        %mul3A_43 = arith.muli %mul3A_42, %scan3A_41 : i32
        %add3A_44 = arith.constant 0 : i32
        %add3A_45 = arith.addi %mul3A_43, %add3A_44 : i32
        %dma_start3A_46 = arith.constant 0 : i32
        %dma_start3A_47 = tpu.memref_slice %arg8[%add3A_45, %dma_start3A_46] : memref<40x64xi32, #tpu.memory_space<vmem>> -> memref<1x64xi32, #tpu.memory_space<vmem>>
        %dma_start3A_48 = tpu.memref_squeeze %dma_start3A_47 : memref<1x64xi32, #tpu.memory_space<vmem>> -> memref<64xi32, #tpu.memory_space<vmem>>
        %dma_start3A_49 = arith.constant 0 : i32
        %dma_start3A_50 = arith.constant 0 : i32
        %dma_start3A_51 = tpu.memref_slice %arg21[%dma_start3A_49, %dma_start3A_50] : memref<10112x128xf32, #tpu.memory_space<vmem_shared>> -> memref<10112x128xf32, #tpu.memory_space<vmem_shared>>
        tpu.enqueue_indirect_dma source(%arg9 : memref<64x128xf32, #tpu.memory_space<vmem>>) target(%dma_start3A_51 : memref<10112x128xf32, #tpu.memory_space<vmem_shared>>) offsets(%dma_start3A_48 : memref<64xi32, #tpu.memory_space<vmem>>) semaphore(%arg17 : memref<!tpu.dma_semaphore, #tpu.memory_space<semaphore_mem>>) {add = true}
        %add3A_52 = arith.constant 1 : i32
        %add3A_53 = arith.addi %mul3A_43, %add3A_52 : i32
        %dma_start3A_54 = arith.constant 0 : i32
        %dma_start3A_55 = tpu.memref_slice %arg8[%add3A_53, %dma_start3A_54] : memref<40x64xi32, #tpu.memory_space<vmem>> -> memref<1x64xi32, #tpu.memory_space<vmem>>
        %dma_start3A_56 = tpu.memref_squeeze %dma_start3A_55 : memref<1x64xi32, #tpu.memory_space<vmem>> -> memref<64xi32, #tpu.memory_space<vmem>>
        %dma_start3A_57 = arith.constant 0 : i32
        %dma_start3A_58 = arith.constant 0 : i32
        %dma_start3A_59 = tpu.memref_slice %arg21[%dma_start3A_57, %dma_start3A_58] : memref<10112x128xf32, #tpu.memory_space<vmem_shared>> -> memref<10112x128xf32, #tpu.memory_space<vmem_shared>>
        tpu.enqueue_indirect_dma source(%arg9 : memref<64x128xf32, #tpu.memory_space<vmem>>) target(%dma_start3A_59 : memref<10112x128xf32, #tpu.memory_space<vmem_shared>>) offsets(%dma_start3A_56 : memref<64xi32, #tpu.memory_space<vmem>>) semaphore(%arg18 : memref<!tpu.dma_semaphore, #tpu.memory_space<semaphore_mem>>) {add = true}
        %add3A_60 = arith.constant 2 : i32
        %add3A_61 = arith.addi %mul3A_43, %add3A_60 : i32
        %dma_start3A_62 = arith.constant 0 : i32
        %dma_start3A_63 = tpu.memref_slice %arg8[%add3A_61, %dma_start3A_62] : memref<40x64xi32, #tpu.memory_space<vmem>> -> memref<1x64xi32, #tpu.memory_space<vmem>>
        %dma_start3A_64 = tpu.memref_squeeze %dma_start3A_63 : memref<1x64xi32, #tpu.memory_space<vmem>> -> memref<64xi32, #tpu.memory_space<vmem>>
        %dma_start3A_65 = arith.constant 0 : i32
        %dma_start3A_66 = arith.constant 0 : i32
        %dma_start3A_67 = tpu.memref_slice %arg21[%dma_start3A_65, %dma_start3A_66] : memref<10112x128xf32, #tpu.memory_space<vmem_shared>> -> memref<10112x128xf32, #tpu.memory_space<vmem_shared>>
        tpu.enqueue_indirect_dma source(%arg9 : memref<64x128xf32, #tpu.memory_space<vmem>>) target(%dma_start3A_67 : memref<10112x128xf32, #tpu.memory_space<vmem_shared>>) offsets(%dma_start3A_64 : memref<64xi32, #tpu.memory_space<vmem>>) semaphore(%arg19 : memref<!tpu.dma_semaphore, #tpu.memory_space<semaphore_mem>>) {add = true}
        %add3A_68 = arith.constant 3 : i32
        %add3A_69 = arith.addi %mul3A_43, %add3A_68 : i32
        %dma_start3A_70 = arith.constant 0 : i32
        %dma_start3A_71 = tpu.memref_slice %arg8[%add3A_69, %dma_start3A_70] : memref<40x64xi32, #tpu.memory_space<vmem>> -> memref<1x64xi32, #tpu.memory_space<vmem>>
        %dma_start3A_72 = tpu.memref_squeeze %dma_start3A_71 : memref<1x64xi32, #tpu.memory_space<vmem>> -> memref<64xi32, #tpu.memory_space<vmem>>
        %dma_start3A_73 = arith.constant 0 : i32
        %dma_start3A_74 = arith.constant 0 : i32
        %dma_start3A_75 = tpu.memref_slice %arg21[%dma_start3A_73, %dma_start3A_74] : memref<10112x128xf32, #tpu.memory_space<vmem_shared>> -> memref<10112x128xf32, #tpu.memory_space<vmem_shared>>
        tpu.enqueue_indirect_dma source(%arg9 : memref<64x128xf32, #tpu.memory_space<vmem>>) target(%dma_start3A_75 : memref<10112x128xf32, #tpu.memory_space<vmem_shared>>) offsets(%dma_start3A_72 : memref<64xi32, #tpu.memory_space<vmem>>) semaphore(%arg20 : memref<!tpu.dma_semaphore, #tpu.memory_space<semaphore_mem>>) {add = true}
        %add3A_76 = arith.constant 0 : i32
        %add3A_77 = arith.addi %mul3A_43, %add3A_76 : i32
        %dma_wait3A_78 = arith.constant 0 : i32
        %dma_wait3A_79 = tpu.memref_slice %arg8[%add3A_77, %dma_wait3A_78] : memref<40x64xi32, #tpu.memory_space<vmem>> -> memref<1x64xi32, #tpu.memory_space<vmem>>
        %dma_wait3A_80 = tpu.memref_squeeze %dma_wait3A_79 : memref<1x64xi32, #tpu.memory_space<vmem>> -> memref<64xi32, #tpu.memory_space<vmem>>
        %dma_wait3A_81 = arith.constant 0 : i32
        %dma_wait3A_82 = arith.constant 0 : i32
        %dma_wait3A_83 = tpu.memref_slice %arg21[%dma_wait3A_81, %dma_wait3A_82] : memref<10112x128xf32, #tpu.memory_space<vmem_shared>> -> memref<10112x128xf32, #tpu.memory_space<vmem_shared>>
        tpu.wait_indirect_dma semaphore(%arg17 : memref<!tpu.dma_semaphore, #tpu.memory_space<semaphore_mem>>) src(%arg9 : memref<64x128xf32, #tpu.memory_space<vmem>>) dst(%dma_wait3A_83 : memref<10112x128xf32, #tpu.memory_space<vmem_shared>>)
        %add3A_84 = arith.constant 1 : i32
        %add3A_85 = arith.addi %mul3A_43, %add3A_84 : i32
        %dma_wait3A_86 = arith.constant 0 : i32
        %dma_wait3A_87 = tpu.memref_slice %arg8[%add3A_85, %dma_wait3A_86] : memref<40x64xi32, #tpu.memory_space<vmem>> -> memref<1x64xi32, #tpu.memory_space<vmem>>
        %dma_wait3A_88 = tpu.memref_squeeze %dma_wait3A_87 : memref<1x64xi32, #tpu.memory_space<vmem>> -> memref<64xi32, #tpu.memory_space<vmem>>
        %dma_wait3A_89 = arith.constant 0 : i32
        %dma_wait3A_90 = arith.constant 0 : i32
        %dma_wait3A_91 = tpu.memref_slice %arg21[%dma_wait3A_89, %dma_wait3A_90] : memref<10112x128xf32, #tpu.memory_space<vmem_shared>> -> memref<10112x128xf32, #tpu.memory_space<vmem_shared>>
        tpu.wait_indirect_dma semaphore(%arg18 : memref<!tpu.dma_semaphore, #tpu.memory_space<semaphore_mem>>) src(%arg9 : memref<64x128xf32, #tpu.memory_space<vmem>>) dst(%dma_wait3A_91 : memref<10112x128xf32, #tpu.memory_space<vmem_shared>>)
        %add3A_92 = arith.constant 2 : i32
        %add3A_93 = arith.addi %mul3A_43, %add3A_92 : i32
        %dma_wait3A_94 = arith.constant 0 : i32
        %dma_wait3A_95 = tpu.memref_slice %arg8[%add3A_93, %dma_wait3A_94] : memref<40x64xi32, #tpu.memory_space<vmem>> -> memref<1x64xi32, #tpu.memory_space<vmem>>
        %dma_wait3A_96 = tpu.memref_squeeze %dma_wait3A_95 : memref<1x64xi32, #tpu.memory_space<vmem>> -> memref<64xi32, #tpu.memory_space<vmem>>
        %dma_wait3A_97 = arith.constant 0 : i32
        %dma_wait3A_98 = arith.constant 0 : i32
        %dma_wait3A_99 = tpu.memref_slice %arg21[%dma_wait3A_97, %dma_wait3A_98] : memref<10112x128xf32, #tpu.memory_space<vmem_shared>> -> memref<10112x128xf32, #tpu.memory_space<vmem_shared>>
        tpu.wait_indirect_dma semaphore(%arg19 : memref<!tpu.dma_semaphore, #tpu.memory_space<semaphore_mem>>) src(%arg9 : memref<64x128xf32, #tpu.memory_space<vmem>>) dst(%dma_wait3A_99 : memref<10112x128xf32, #tpu.memory_space<vmem_shared>>)
        %add3A_100 = arith.constant 3 : i32
        %add3A_101 = arith.addi %mul3A_43, %add3A_100 : i32
        %dma_wait3A_102 = arith.constant 0 : i32
        %dma_wait3A_103 = tpu.memref_slice %arg8[%add3A_101, %dma_wait3A_102] : memref<40x64xi32, #tpu.memory_space<vmem>> -> memref<1x64xi32, #tpu.memory_space<vmem>>
        %dma_wait3A_104 = tpu.memref_squeeze %dma_wait3A_103 : memref<1x64xi32, #tpu.memory_space<vmem>> -> memref<64xi32, #tpu.memory_space<vmem>>
        %dma_wait3A_105 = arith.constant 0 : i32
        %dma_wait3A_106 = arith.constant 0 : i32
        %dma_wait3A_107 = tpu.memref_slice %arg21[%dma_wait3A_105, %dma_wait3A_106] : memref<10112x128xf32, #tpu.memory_space<vmem_shared>> -> memref<10112x128xf32, #tpu.memory_space<vmem_shared>>
        tpu.wait_indirect_dma semaphore(%arg20 : memref<!tpu.dma_semaphore, #tpu.memory_space<semaphore_mem>>) src(%arg9 : memref<64x128xf32, #tpu.memory_space<vmem>>) dst(%dma_wait3A_107 : memref<10112x128xf32, #tpu.memory_space<vmem_shared>>)
      }
      %scan3A_40 = arith.constant 10 : i32
    }
    %scan3A_26 = arith.constant 4 : i32
    %barrier3A_27 = arith.constant 0 : index
    tpu.barrier barrier_id(%barrier3A_27)
    %mul3A_28 = arith.constant 632 : i32
    %mul3A_29 = arith.muli %arg1, %mul3A_28 : i32
    %mul3A_30 = arith.constant 632 : i32
    %mul3A_31 = arith.muli %arg1, %mul3A_30 : i32
    %run_scoped3A_32 = arith.constant 12 : i32
    "tpu.region"() ({
      %run_scoped3A_34 = tpu.sem_alloc : memref<!tpu.dma_semaphore, #tpu.memory_space<semaphore_mem>>
      %dma_start3A_35 = arith.constant 0 : i32
      %dma_start3A_36 = tpu.memref_slice %arg6[%arg0, %run_scoped3A_32, %mul3A_31, %dma_start3A_35] : memref<2x13x10112x128xf32, #tpu.memory_space<hbm>> -> memref<1x1x632x128xf32, #tpu.memory_space<hbm>>
      %dma_start3A_37 = tpu.memref_squeeze %dma_start3A_36 : memref<1x1x632x128xf32, #tpu.memory_space<hbm>> -> memref<632x128xf32, #tpu.memory_space<hbm>>
      %dma_start3A_38 = arith.constant 0 : i32
      %dma_start3A_39 = tpu.memref_slice %arg21[%mul3A_29, %dma_start3A_38] : memref<10112x128xf32, #tpu.memory_space<vmem_shared>> -> memref<632x128xf32, #tpu.memory_space<vmem_shared>>
      tpu.enqueue_dma source(%dma_start3A_39 : memref<632x128xf32, #tpu.memory_space<vmem_shared>>) target(%dma_start3A_37 : memref<632x128xf32, #tpu.memory_space<hbm>>) target_semaphore(%run_scoped3A_34 : memref<!tpu.dma_semaphore, #tpu.memory_space<semaphore_mem>>)
      %dma_wait3A_40 = arith.constant 0 : i32
      %dma_wait3A_41 = tpu.memref_slice %arg6[%arg0, %run_scoped3A_32, %mul3A_31, %dma_wait3A_40] : memref<2x13x10112x128xf32, #tpu.memory_space<hbm>> -> memref<1x1x632x128xf32, #tpu.memory_space<hbm>>
      %dma_wait3A_42 = tpu.memref_squeeze %dma_wait3A_41 : memref<1x1x632x128xf32, #tpu.memory_space<hbm>> -> memref<632x128xf32, #tpu.memory_space<hbm>>
      %dma_wait3A_43 = arith.constant 0 : i32
      %dma_wait3A_44 = tpu.memref_slice %arg21[%mul3A_29, %dma_wait3A_43] : memref<10112x128xf32, #tpu.memory_space<vmem_shared>> -> memref<632x128xf32, #tpu.memory_space<vmem_shared>>
      tpu.wait_dma2 semaphore(%run_scoped3A_34 : memref<!tpu.dma_semaphore, #tpu.memory_space<semaphore_mem>>) src(%dma_wait3A_44 : memref<632x128xf32, #tpu.memory_space<vmem_shared>>) dst(%dma_wait3A_42 : memref<632x128xf32, #tpu.memory_space<hbm>>)
      tpu.yield
    }) : () -> ()
    %barrier3A_33 = arith.constant 0 : index
    tpu.barrier barrier_id(%barrier3A_33)
    return
  }
}

module attributes {stable_mosaic.version = 14 : i64} {
  func.func @_tc_body(%arg0: i32, %arg1: memref<400x12x128xf32, #tpu.memory_space<vmem>>, %arg2: memref<2x13x400x128xf32, #tpu.memory_space<vmem>>, %arg3: memref<128x128xf32, #tpu.memory_space<vmem>>, %arg4: memref<1x128xf32, #tpu.memory_space<vmem>>, %arg5: memref<128x128xf32, #tpu.memory_space<vmem>>, %arg6: memref<128x384xf32, #tpu.memory_space<vmem>>, %arg7: memref<128x384xf32, #tpu.memory_space<vmem>>, %arg8: memref<1x384xf32, #tpu.memory_space<vmem>>, %arg9: memref<1x384xf32, #tpu.memory_space<vmem>>, %arg10: memref<128x128xf32, #tpu.memory_space<vmem>>, %arg11: memref<1x128xf32, #tpu.memory_space<vmem>>, %arg12: memref<128x64xf32, #tpu.memory_space<vmem>>, %arg13: memref<1x64xf32, #tpu.memory_space<vmem>>, %arg14: memref<1x64xf32, #tpu.memory_space<vmem>>, %arg15: memref<1x1xf32, #tpu.memory_space<vmem>>, %arg16: memref<400x12x128xf32, #tpu.memory_space<vmem>>, %arg17: memref<400x12xf32, #tpu.memory_space<vmem>>) attributes {dimension_semantics = [#tpu.dimension_semantics<arbitrary>], iteration_bounds = array<i64: 25>, scalar_prefetch = 0 : i64, scratch_operands = 0 : i64, tpu.core_type = #tpu.core_type<tc>, window_params = [{transform_indices = @transform_0, window_bounds = array<i64: 400, 12, 128>}, {transform_indices = @transform_1, window_bounds = array<i64: 2, 13, 400, 128>}, {pipeline_mode = #tpu.pipeline_mode<synchronous>, transform_indices = @transform_2, window_bounds = array<i64: 128, 128>}, {pipeline_mode = #tpu.pipeline_mode<synchronous>, transform_indices = @transform_3, window_bounds = array<i64: 1, 128>}, {pipeline_mode = #tpu.pipeline_mode<synchronous>, transform_indices = @transform_4, window_bounds = array<i64: 128, 128>}, {pipeline_mode = #tpu.pipeline_mode<synchronous>, transform_indices = @transform_5, window_bounds = array<i64: 128, 384>}, {pipeline_mode = #tpu.pipeline_mode<synchronous>, transform_indices = @transform_6, window_bounds = array<i64: 128, 384>}, {pipeline_mode = #tpu.pipeline_mode<synchronous>, transform_indices = @transform_7, window_bounds = array<i64: 1, 384>}, {pipeline_mode = #tpu.pipeline_mode<synchronous>, transform_indices = @transform_8, window_bounds = array<i64: 1, 384>}, {pipeline_mode = #tpu.pipeline_mode<synchronous>, transform_indices = @transform_9, window_bounds = array<i64: 128, 128>}, {pipeline_mode = #tpu.pipeline_mode<synchronous>, transform_indices = @transform_10, window_bounds = array<i64: 1, 128>}, {pipeline_mode = #tpu.pipeline_mode<synchronous>, transform_indices = @transform_11, window_bounds = array<i64: 128, 64>}, {pipeline_mode = #tpu.pipeline_mode<synchronous>, transform_indices = @transform_12, window_bounds = array<i64: 1, 64>}, {pipeline_mode = #tpu.pipeline_mode<synchronous>, transform_indices = @transform_13, window_bounds = array<i64: 1, 64>}, {pipeline_mode = #tpu.pipeline_mode<synchronous>, transform_indices = @transform_14, window_bounds = array<i64: 1, 1>}, {transform_indices = @transform_15, window_bounds = array<i64: 400, 12, 128>}, {transform_indices = @transform_16, window_bounds = array<i64: 400, 12>}]} {
    %get3A = arith.constant 0 : index
    %get3A_0 = arith.constant 12 : index
    %get3A_1 = arith.constant 0 : index
    %get3A_2 = arith.constant 0 : index
    %get3A_3 = vector.load %arg2[%get3A, %get3A_0, %get3A_1, %get3A_2] : memref<2x13x400x128xf32, #tpu.memory_space<vmem>>, vector<1x1x400x1xf32>
    %get3A_4 = vector.shape_cast %get3A_3 : vector<1x1x400x1xf32> to vector<400xf32>
    %get3A_5 = arith.constant 1 : index
    %get3A_6 = arith.constant 12 : index
    %get3A_7 = arith.constant 0 : index
    %get3A_8 = arith.constant 0 : index
    %get3A_9 = vector.load %arg2[%get3A_5, %get3A_6, %get3A_7, %get3A_8] : memref<2x13x400x128xf32, #tpu.memory_space<vmem>>, vector<1x1x400x1xf32>
    %get3A_10 = vector.shape_cast %get3A_9 : vector<1x1x400x1xf32> to vector<400xf32>
    %add3A = arith.addf %get3A_4, %get3A_10 : vector<400xf32>
    %max3A = arith.constant 1.000000e+00 : f32
    %max3A_11 = vector.broadcast %max3A : f32 to vector<400xf32>
    %max3A_12 = arith.maximumf %add3A, %max3A_11 : vector<400xf32>
    %div3A = arith.constant 1.000000e+00 : f32
    %div3A_13 = vector.broadcast %div3A : f32 to vector<400xf32>
    %div3A_14 = arith.divf %div3A_13, %max3A_12 : vector<400xf32>
    %broadcast_in_dim3A = vector.shape_cast %div3A_14 : vector<400xf32> to vector<400x1xf32>
    %get3A_15 = arith.constant 0 : index
    %get3A_16 = arith.constant 0 : index
    %get3A_17 = vector.load %arg3[%get3A_15, %get3A_16] : memref<128x128xf32, #tpu.memory_space<vmem>>, vector<128x128xf32>
    %get3A_18 = arith.constant 0 : index
    %get3A_19 = arith.constant 0 : index
    %get3A_20 = vector.load %arg5[%get3A_18, %get3A_19] : memref<128x128xf32, #tpu.memory_space<vmem>>, vector<128x128xf32>
    %get3A_21 = arith.constant 0 : index
    %get3A_22 = arith.constant 0 : index
    %get3A_23 = vector.load %arg6[%get3A_21, %get3A_22] : memref<128x384xf32, #tpu.memory_space<vmem>>, vector<128x384xf32>
    %get3A_24 = arith.constant 0 : index
    %get3A_25 = arith.constant 0 : index
    %get3A_26 = vector.load %arg7[%get3A_24, %get3A_25] : memref<128x384xf32, #tpu.memory_space<vmem>>, vector<128x384xf32>
    %get3A_27 = arith.constant 0 : index
    %get3A_28 = arith.constant 0 : index
    %get3A_29 = vector.load %arg8[%get3A_27, %get3A_28] : memref<1x384xf32, #tpu.memory_space<vmem>>, vector<1x384xf32>
    %get3A_30 = arith.constant 0 : index
    %get3A_31 = arith.constant 0 : index
    %get3A_32 = vector.load %arg9[%get3A_30, %get3A_31] : memref<1x384xf32, #tpu.memory_space<vmem>>, vector<1x384xf32>
    %get3A_33 = arith.constant 0 : index
    %get3A_34 = arith.constant 0 : index
    %get3A_35 = vector.load %arg10[%get3A_33, %get3A_34] : memref<128x128xf32, #tpu.memory_space<vmem>>, vector<128x128xf32>
    %get3A_36 = arith.constant 0 : index
    %get3A_37 = arith.constant 0 : index
    %get3A_38 = vector.load %arg11[%get3A_36, %get3A_37] : memref<1x128xf32, #tpu.memory_space<vmem>>, vector<1x128xf32>
    %get3A_39 = arith.constant 0 : index
    %get3A_40 = arith.constant 0 : index
    %get3A_41 = vector.load %arg12[%get3A_39, %get3A_40] : memref<128x64xf32, #tpu.memory_space<vmem>>, vector<128x64xf32>
    %get3A_42 = arith.constant 0 : index
    %get3A_43 = arith.constant 0 : index
    %get3A_44 = vector.load %arg13[%get3A_42, %get3A_43] : memref<1x64xf32, #tpu.memory_space<vmem>>, vector<1x64xf32>
    %get3A_45 = arith.constant 0 : index
    %get3A_46 = arith.constant 0 : index
    %get3A_47 = vector.load %arg14[%get3A_45, %get3A_46] : memref<1x64xf32, #tpu.memory_space<vmem>>, vector<1x64xf32>
    %get3A_48 = arith.constant 0 : index
    %get3A_49 = arith.constant 0 : index
    %get3A_50 = vector.load %arg15[%get3A_48, %get3A_49] : memref<1x1xf32, #tpu.memory_space<vmem>>, vector<1x1xf32>
    %get3A_51 = vector.extract %get3A_50[0, 0] : f32 from vector<1x1xf32>
    %get3A_52 = arith.constant 0 : index
    %get3A_53 = arith.constant 0 : index
    %get3A_54 = vector.load %arg4[%get3A_52, %get3A_53] : memref<1x128xf32, #tpu.memory_space<vmem>>, vector<1x128xf32>
    %broadcast_in_dim3A_55 = arith.constant 0.000000e+00 : f32
    %broadcast_in_dim3A_56 = vector.broadcast %broadcast_in_dim3A_55 : f32 to vector<400x128xf32>
    %get3A_57 = arith.constant 0 : index
    %get3A_58 = arith.constant 0 : index
    %get3A_59 = arith.constant 0 : index
    %get3A_60 = vector.load %arg1[%get3A_57, %get3A_58, %get3A_59] : memref<400x12x128xf32, #tpu.memory_space<vmem>>, vector<400x1x128xf32>
    %get3A_61 = vector.shape_cast %get3A_60 : vector<400x1x128xf32> to vector<400x128xf32>
    %get3A_62 = arith.constant 0 : index
    %get3A_63 = arith.constant 0 : index
    %get3A_64 = arith.constant 0 : index
    %get3A_65 = arith.constant 0 : index
    %get3A_66 = vector.load %arg2[%get3A_62, %get3A_63, %get3A_64, %get3A_65] : memref<2x13x400x128xf32, #tpu.memory_space<vmem>>, vector<1x1x400x128xf32>
    %get3A_67 = vector.shape_cast %get3A_66 : vector<1x1x400x128xf32> to vector<400x128xf32>
    %get3A_68 = arith.constant 1 : index
    %get3A_69 = arith.constant 0 : index
    %get3A_70 = arith.constant 0 : index
    %get3A_71 = arith.constant 0 : index
    %get3A_72 = vector.load %arg2[%get3A_68, %get3A_69, %get3A_70, %get3A_71] : memref<2x13x400x128xf32, #tpu.memory_space<vmem>>, vector<1x1x400x128xf32>
    %get3A_73 = vector.shape_cast %get3A_72 : vector<1x1x400x128xf32> to vector<400x128xf32>
    %add3A_74 = arith.addf %get3A_67, %get3A_73 : vector<400x128xf32>
    %mul3A = vector.broadcast %broadcast_in_dim3A : vector<400x1xf32> to vector<400x128xf32>
    %mul3A_75 = arith.mulf %add3A_74, %mul3A : vector<400x128xf32>
    %dot_general3A = arith.constant dense<0.000000e+00> : vector<400x128xf32>
    %dot_general3A_76 = tpu.matmul %mul3A_75, %get3A_17, %dot_general3A {dimension_numbers = #tpu.dot_dimension_numbers<[1], [0], [0], [1], [0, 0, 1, 1], [], []>, transpose_lhs_hint = false} : vector<400x128xf32>, vector<128x128xf32>, vector<400x128xf32> -> vector<400x128xf32>
    %dot_general3A_77 = arith.constant dense<0.000000e+00> : vector<400x128xf32>
    %dot_general3A_78 = tpu.matmul %get3A_61, %get3A_20, %dot_general3A_77 {dimension_numbers = #tpu.dot_dimension_numbers<[1], [0], [0], [1], [0, 0, 1, 1], [], []>, transpose_lhs_hint = false} : vector<400x128xf32>, vector<128x128xf32>, vector<400x128xf32> -> vector<400x128xf32>
    %add3A_79 = arith.addf %dot_general3A_76, %dot_general3A_78 : vector<400x128xf32>
    %add3A_80 = vector.broadcast %get3A_54 : vector<1x128xf32> to vector<400x128xf32>
    %add3A_81 = arith.addf %add3A_79, %add3A_80 : vector<400x128xf32>
    %max3A_82 = arith.constant 0.000000e+00 : f32
    %max3A_83 = vector.broadcast %max3A_82 : f32 to vector<400x128xf32>
    %max3A_84 = arith.maximumf %add3A_81, %max3A_83 : vector<400x128xf32>
    %dot_general3A_85 = arith.constant dense<0.000000e+00> : vector<400x384xf32>
    %dot_general3A_86 = tpu.matmul %max3A_84, %get3A_23, %dot_general3A_85 {dimension_numbers = #tpu.dot_dimension_numbers<[1], [0], [0], [1], [0, 0, 1, 1], [], []>, transpose_lhs_hint = false} : vector<400x128xf32>, vector<128x384xf32>, vector<400x384xf32> -> vector<400x384xf32>
    %add3A_87 = vector.broadcast %get3A_29 : vector<1x384xf32> to vector<400x384xf32>
    %add3A_88 = arith.addf %dot_general3A_86, %add3A_87 : vector<400x384xf32>
    %dot_general3A_89 = arith.constant dense<0.000000e+00> : vector<400x384xf32>
    %dot_general3A_90 = tpu.matmul %broadcast_in_dim3A_56, %get3A_26, %dot_general3A_89 {dimension_numbers = #tpu.dot_dimension_numbers<[1], [0], [0], [1], [0, 0, 1, 1], [], []>, transpose_lhs_hint = false} : vector<400x128xf32>, vector<128x384xf32>, vector<400x384xf32> -> vector<400x384xf32>
    %add3A_91 = vector.broadcast %get3A_32 : vector<1x384xf32> to vector<400x384xf32>
    %add3A_92 = arith.addf %dot_general3A_90, %add3A_91 : vector<400x384xf32>
    %slice3A = vector.extract_strided_slice %add3A_88 {offsets = [0, 0], sizes = [400, 128], strides = [1, 1]} : vector<400x384xf32> to vector<400x128xf32>
    %slice3A_93 = vector.extract_strided_slice %add3A_92 {offsets = [0, 0], sizes = [400, 128], strides = [1, 1]} : vector<400x384xf32> to vector<400x128xf32>
    %add3A_94 = arith.addf %slice3A, %slice3A_93 : vector<400x128xf32>
    %logistic3A = arith.negf %add3A_94 : vector<400x128xf32>
    %logistic3A_95 = math.exp %logistic3A : vector<400x128xf32>
    %logistic3A_96 = arith.constant 1.000000e+00 : f32
    %logistic3A_97 = vector.broadcast %logistic3A_96 : f32 to vector<400x128xf32>
    %logistic3A_98 = arith.addf %logistic3A_97, %logistic3A_95 : vector<400x128xf32>
    %logistic3A_99 = arith.divf %logistic3A_97, %logistic3A_98 : vector<400x128xf32>
    %slice3A_100 = vector.extract_strided_slice %add3A_88 {offsets = [0, 128], sizes = [400, 128], strides = [1, 1]} : vector<400x384xf32> to vector<400x128xf32>
    %slice3A_101 = vector.extract_strided_slice %add3A_92 {offsets = [0, 128], sizes = [400, 128], strides = [1, 1]} : vector<400x384xf32> to vector<400x128xf32>
    %add3A_102 = arith.addf %slice3A_100, %slice3A_101 : vector<400x128xf32>
    %logistic3A_103 = arith.negf %add3A_102 : vector<400x128xf32>
    %logistic3A_104 = math.exp %logistic3A_103 : vector<400x128xf32>
    %logistic3A_105 = arith.constant 1.000000e+00 : f32
    %logistic3A_106 = vector.broadcast %logistic3A_105 : f32 to vector<400x128xf32>
    %logistic3A_107 = arith.addf %logistic3A_106, %logistic3A_104 : vector<400x128xf32>
    %logistic3A_108 = arith.divf %logistic3A_106, %logistic3A_107 : vector<400x128xf32>
    %slice3A_109 = vector.extract_strided_slice %add3A_88 {offsets = [0, 256], sizes = [400, 128], strides = [1, 1]} : vector<400x384xf32> to vector<400x128xf32>
    %slice3A_110 = vector.extract_strided_slice %add3A_92 {offsets = [0, 256], sizes = [400, 128], strides = [1, 1]} : vector<400x384xf32> to vector<400x128xf32>
    %mul3A_111 = arith.mulf %logistic3A_99, %slice3A_110 : vector<400x128xf32>
    %add3A_112 = arith.addf %slice3A_109, %mul3A_111 : vector<400x128xf32>
    %tanh3A = math.tanh %add3A_112 : vector<400x128xf32>
    %sub3A = arith.constant 1.000000e+00 : f32
    %sub3A_113 = vector.broadcast %sub3A : f32 to vector<400x128xf32>
    %sub3A_114 = arith.subf %sub3A_113, %logistic3A_108 : vector<400x128xf32>
    %mul3A_115 = arith.mulf %sub3A_114, %tanh3A : vector<400x128xf32>
    %mul3A_116 = arith.mulf %logistic3A_108, %broadcast_in_dim3A_56 : vector<400x128xf32>
    %add3A_117 = arith.addf %mul3A_115, %mul3A_116 : vector<400x128xf32>
    %dot_general3A_118 = arith.constant dense<0.000000e+00> : vector<400x128xf32>
    %dot_general3A_119 = tpu.matmul %add3A_117, %get3A_35, %dot_general3A_118 {dimension_numbers = #tpu.dot_dimension_numbers<[1], [0], [0], [1], [0, 0, 1, 1], [], []>, transpose_lhs_hint = false} : vector<400x128xf32>, vector<128x128xf32>, vector<400x128xf32> -> vector<400x128xf32>
    %add3A_120 = vector.broadcast %get3A_38 : vector<1x128xf32> to vector<400x128xf32>
    %add3A_121 = arith.addf %dot_general3A_119, %add3A_120 : vector<400x128xf32>
    %swap3A = arith.constant 0 : index
    %swap3A_122 = arith.constant 0 : index
    %swap3A_123 = arith.constant 0 : index
    %swap3A_124 = vector.load %arg16[%swap3A, %swap3A_122, %swap3A_123] : memref<400x12x128xf32, #tpu.memory_space<vmem>>, vector<400x1x128xf32>
    %swap3A_125 = vector.shape_cast %swap3A_124 : vector<400x1x128xf32> to vector<400x128xf32>
    %swap3A_126 = vector.shape_cast %add3A_121 : vector<400x128xf32> to vector<400x1x128xf32>
    tpu.vector_store %arg16[%swap3A, %swap3A_122, %swap3A_123], %swap3A_126 {strides = array<i32>} : memref<400x12x128xf32, #tpu.memory_space<vmem>>, vector<400x1x128xf32>,
    %dot_general3A_127 = arith.constant dense<0.000000e+00> : vector<400x64xf32>
    %dot_general3A_128 = tpu.matmul %add3A_117, %get3A_41, %dot_general3A_127 {dimension_numbers = #tpu.dot_dimension_numbers<[1], [0], [0], [1], [0, 0, 1, 1], [], []>, transpose_lhs_hint = false} : vector<400x128xf32>, vector<128x64xf32>, vector<400x64xf32> -> vector<400x64xf32>
    %add3A_129 = vector.broadcast %get3A_44 : vector<1x64xf32> to vector<400x64xf32>
    %add3A_130 = arith.addf %dot_general3A_128, %add3A_129 : vector<400x64xf32>
    %max3A_131 = arith.constant 0.000000e+00 : f32
    %max3A_132 = vector.broadcast %max3A_131 : f32 to vector<400x64xf32>
    %max3A_133 = arith.maximumf %add3A_130, %max3A_132 : vector<400x64xf32>
    %mul3A_134 = vector.broadcast %get3A_47 : vector<1x64xf32> to vector<400x64xf32>
    %mul3A_135 = arith.mulf %max3A_133, %mul3A_134 : vector<400x64xf32>
    %reduce_sum3A = arith.constant dense<0.000000e+00> : vector<400xf32>
    %reduce_sum3A_136 = vector.multi_reduction <add>, %mul3A_135, %reduce_sum3A [1] : vector<400x64xf32> to vector<400xf32>
    %add3A_137 = vector.broadcast %get3A_51 : f32 to vector<400xf32>
    %add3A_138 = arith.addf %reduce_sum3A_136, %add3A_137 : vector<400xf32>
    %logistic3A_139 = arith.negf %add3A_138 : vector<400xf32>
    %logistic3A_140 = math.exp %logistic3A_139 : vector<400xf32>
    %logistic3A_141 = arith.constant 1.000000e+00 : f32
    %logistic3A_142 = vector.broadcast %logistic3A_141 : f32 to vector<400xf32>
    %logistic3A_143 = arith.addf %logistic3A_142, %logistic3A_140 : vector<400xf32>
    %logistic3A_144 = arith.divf %logistic3A_142, %logistic3A_143 : vector<400xf32>
    %broadcast_in_dim3A_145 = vector.shape_cast %logistic3A_144 : vector<400xf32> to vector<400x1xf32>
    %swap3A_146 = arith.constant 0 : index
    %swap3A_147 = arith.constant 0 : index
    %swap3A_148 = vector.load %arg17[%swap3A_146, %swap3A_147] : memref<400x12xf32, #tpu.memory_space<vmem>>, vector<400x1xf32>
    tpu.vector_store %arg17[%swap3A_146, %swap3A_147], %broadcast_in_dim3A_145 {strides = array<i32>} : memref<400x12xf32, #tpu.memory_space<vmem>>, vector<400x1xf32>,
    %get3A_149 = arith.constant 0 : index
    %get3A_150 = arith.constant 1 : index
    %get3A_151 = arith.constant 0 : index
    %get3A_152 = vector.load %arg1[%get3A_149, %get3A_150, %get3A_151] : memref<400x12x128xf32, #tpu.memory_space<vmem>>, vector<400x1x128xf32>
    %get3A_153 = vector.shape_cast %get3A_152 : vector<400x1x128xf32> to vector<400x128xf32>
    %get3A_154 = arith.constant 0 : index
    %get3A_155 = arith.constant 1 : index
    %get3A_156 = arith.constant 0 : index
    %get3A_157 = arith.constant 0 : index
    %get3A_158 = vector.load %arg2[%get3A_154, %get3A_155, %get3A_156, %get3A_157] : memref<2x13x400x128xf32, #tpu.memory_space<vmem>>, vector<1x1x400x128xf32>
    %get3A_159 = vector.shape_cast %get3A_158 : vector<1x1x400x128xf32> to vector<400x128xf32>
    %get3A_160 = arith.constant 1 : index
    %get3A_161 = arith.constant 1 : index
    %get3A_162 = arith.constant 0 : index
    %get3A_163 = arith.constant 0 : index
    %get3A_164 = vector.load %arg2[%get3A_160, %get3A_161, %get3A_162, %get3A_163] : memref<2x13x400x128xf32, #tpu.memory_space<vmem>>, vector<1x1x400x128xf32>
    %get3A_165 = vector.shape_cast %get3A_164 : vector<1x1x400x128xf32> to vector<400x128xf32>
    %add3A_166 = arith.addf %get3A_159, %get3A_165 : vector<400x128xf32>
    %mul3A_167 = vector.broadcast %broadcast_in_dim3A : vector<400x1xf32> to vector<400x128xf32>
    %mul3A_168 = arith.mulf %add3A_166, %mul3A_167 : vector<400x128xf32>
    %dot_general3A_169 = arith.constant dense<0.000000e+00> : vector<400x128xf32>
    %dot_general3A_170 = tpu.matmul %mul3A_168, %get3A_17, %dot_general3A_169 {dimension_numbers = #tpu.dot_dimension_numbers<[1], [0], [0], [1], [0, 0, 1, 1], [], []>, transpose_lhs_hint = false} : vector<400x128xf32>, vector<128x128xf32>, vector<400x128xf32> -> vector<400x128xf32>
    %dot_general3A_171 = arith.constant dense<0.000000e+00> : vector<400x128xf32>
    %dot_general3A_172 = tpu.matmul %get3A_153, %get3A_20, %dot_general3A_171 {dimension_numbers = #tpu.dot_dimension_numbers<[1], [0], [0], [1], [0, 0, 1, 1], [], []>, transpose_lhs_hint = false} : vector<400x128xf32>, vector<128x128xf32>, vector<400x128xf32> -> vector<400x128xf32>
    %add3A_173 = arith.addf %dot_general3A_170, %dot_general3A_172 : vector<400x128xf32>
    %add3A_174 = vector.broadcast %get3A_54 : vector<1x128xf32> to vector<400x128xf32>
    %add3A_175 = arith.addf %add3A_173, %add3A_174 : vector<400x128xf32>
    %max3A_176 = arith.constant 0.000000e+00 : f32
    %max3A_177 = vector.broadcast %max3A_176 : f32 to vector<400x128xf32>
    %max3A_178 = arith.maximumf %add3A_175, %max3A_177 : vector<400x128xf32>
    %dot_general3A_179 = arith.constant dense<0.000000e+00> : vector<400x384xf32>
    %dot_general3A_180 = tpu.matmul %max3A_178, %get3A_23, %dot_general3A_179 {dimension_numbers = #tpu.dot_dimension_numbers<[1], [0], [0], [1], [0, 0, 1, 1], [], []>, transpose_lhs_hint = false} : vector<400x128xf32>, vector<128x384xf32>, vector<400x384xf32> -> vector<400x384xf32>
    %add3A_181 = vector.broadcast %get3A_29 : vector<1x384xf32> to vector<400x384xf32>
    %add3A_182 = arith.addf %dot_general3A_180, %add3A_181 : vector<400x384xf32>
    %dot_general3A_183 = arith.constant dense<0.000000e+00> : vector<400x384xf32>
    %dot_general3A_184 = tpu.matmul %add3A_117, %get3A_26, %dot_general3A_183 {dimension_numbers = #tpu.dot_dimension_numbers<[1], [0], [0], [1], [0, 0, 1, 1], [], []>, transpose_lhs_hint = false} : vector<400x128xf32>, vector<128x384xf32>, vector<400x384xf32> -> vector<400x384xf32>
    %add3A_185 = vector.broadcast %get3A_32 : vector<1x384xf32> to vector<400x384xf32>
    %add3A_186 = arith.addf %dot_general3A_184, %add3A_185 : vector<400x384xf32>
    %slice3A_187 = vector.extract_strided_slice %add3A_182 {offsets = [0, 0], sizes = [400, 128], strides = [1, 1]} : vector<400x384xf32> to vector<400x128xf32>
    %slice3A_188 = vector.extract_strided_slice %add3A_186 {offsets = [0, 0], sizes = [400, 128], strides = [1, 1]} : vector<400x384xf32> to vector<400x128xf32>
    %add3A_189 = arith.addf %slice3A_187, %slice3A_188 : vector<400x128xf32>
    %logistic3A_190 = arith.negf %add3A_189 : vector<400x128xf32>
    %logistic3A_191 = math.exp %logistic3A_190 : vector<400x128xf32>
    %logistic3A_192 = arith.constant 1.000000e+00 : f32
    %logistic3A_193 = vector.broadcast %logistic3A_192 : f32 to vector<400x128xf32>
    %logistic3A_194 = arith.addf %logistic3A_193, %logistic3A_191 : vector<400x128xf32>
    %logistic3A_195 = arith.divf %logistic3A_193, %logistic3A_194 : vector<400x128xf32>
    %slice3A_196 = vector.extract_strided_slice %add3A_182 {offsets = [0, 128], sizes = [400, 128], strides = [1, 1]} : vector<400x384xf32> to vector<400x128xf32>
    %slice3A_197 = vector.extract_strided_slice %add3A_186 {offsets = [0, 128], sizes = [400, 128], strides = [1, 1]} : vector<400x384xf32> to vector<400x128xf32>
    %add3A_198 = arith.addf %slice3A_196, %slice3A_197 : vector<400x128xf32>
    %logistic3A_199 = arith.negf %add3A_198 : vector<400x128xf32>
    %logistic3A_200 = math.exp %logistic3A_199 : vector<400x128xf32>
    %logistic3A_201 = arith.constant 1.000000e+00 : f32
    %logistic3A_202 = vector.broadcast %logistic3A_201 : f32 to vector<400x128xf32>
    %logistic3A_203 = arith.addf %logistic3A_202, %logistic3A_200 : vector<400x128xf32>
    %logistic3A_204 = arith.divf %logistic3A_202, %logistic3A_203 : vector<400x128xf32>
    %slice3A_205 = vector.extract_strided_slice %add3A_182 {offsets = [0, 256], sizes = [400, 128], strides = [1, 1]} : vector<400x384xf32> to vector<400x128xf32>
    %slice3A_206 = vector.extract_strided_slice %add3A_186 {offsets = [0, 256], sizes = [400, 128], strides = [1, 1]} : vector<400x384xf32> to vector<400x128xf32>
    %mul3A_207 = arith.mulf %logistic3A_195, %slice3A_206 : vector<400x128xf32>
    %add3A_208 = arith.addf %slice3A_205, %mul3A_207 : vector<400x128xf32>
    %tanh3A_209 = math.tanh %add3A_208 : vector<400x128xf32>
    %sub3A_210 = arith.constant 1.000000e+00 : f32
    %sub3A_211 = vector.broadcast %sub3A_210 : f32 to vector<400x128xf32>
    %sub3A_212 = arith.subf %sub3A_211, %logistic3A_204 : vector<400x128xf32>
    %mul3A_213 = arith.mulf %sub3A_212, %tanh3A_209 : vector<400x128xf32>
    %mul3A_214 = arith.mulf %logistic3A_204, %add3A_117 : vector<400x128xf32>
    %add3A_215 = arith.addf %mul3A_213, %mul3A_214 : vector<400x128xf32>
    %dot_general3A_216 = arith.constant dense<0.000000e+00> : vector<400x128xf32>
    %dot_general3A_217 = tpu.matmul %add3A_215, %get3A_35, %dot_general3A_216 {dimension_numbers = #tpu.dot_dimension_numbers<[1], [0], [0], [1], [0, 0, 1, 1], [], []>, transpose_lhs_hint = false} : vector<400x128xf32>, vector<128x128xf32>, vector<400x128xf32> -> vector<400x128xf32>
    %add3A_218 = vector.broadcast %get3A_38 : vector<1x128xf32> to vector<400x128xf32>
    %add3A_219 = arith.addf %dot_general3A_217, %add3A_218 : vector<400x128xf32>
    %swap3A_220 = arith.constant 0 : index
    %swap3A_221 = arith.constant 1 : index
    %swap3A_222 = arith.constant 0 : index
    %swap3A_223 = vector.load %arg16[%swap3A_220, %swap3A_221, %swap3A_222] : memref<400x12x128xf32, #tpu.memory_space<vmem>>, vector<400x1x128xf32>
    %swap3A_224 = vector.shape_cast %swap3A_223 : vector<400x1x128xf32> to vector<400x128xf32>
    %swap3A_225 = vector.shape_cast %add3A_219 : vector<400x128xf32> to vector<400x1x128xf32>
    tpu.vector_store %arg16[%swap3A_220, %swap3A_221, %swap3A_222], %swap3A_225 {strides = array<i32>} : memref<400x12x128xf32, #tpu.memory_space<vmem>>, vector<400x1x128xf32>,
    %dot_general3A_226 = arith.constant dense<0.000000e+00> : vector<400x64xf32>
    %dot_general3A_227 = tpu.matmul %add3A_215, %get3A_41, %dot_general3A_226 {dimension_numbers = #tpu.dot_dimension_numbers<[1], [0], [0], [1], [0, 0, 1, 1], [], []>, transpose_lhs_hint = false} : vector<400x128xf32>, vector<128x64xf32>, vector<400x64xf32> -> vector<400x64xf32>
    %add3A_228 = vector.broadcast %get3A_44 : vector<1x64xf32> to vector<400x64xf32>
    %add3A_229 = arith.addf %dot_general3A_227, %add3A_228 : vector<400x64xf32>
    %max3A_230 = arith.constant 0.000000e+00 : f32
    %max3A_231 = vector.broadcast %max3A_230 : f32 to vector<400x64xf32>
    %max3A_232 = arith.maximumf %add3A_229, %max3A_231 : vector<400x64xf32>
    %mul3A_233 = vector.broadcast %get3A_47 : vector<1x64xf32> to vector<400x64xf32>
    %mul3A_234 = arith.mulf %max3A_232, %mul3A_233 : vector<400x64xf32>
    %reduce_sum3A_235 = arith.constant dense<0.000000e+00> : vector<400xf32>
    %reduce_sum3A_236 = vector.multi_reduction <add>, %mul3A_234, %reduce_sum3A_235 [1] : vector<400x64xf32> to vector<400xf32>
    %add3A_237 = vector.broadcast %get3A_51 : f32 to vector<400xf32>
    %add3A_238 = arith.addf %reduce_sum3A_236, %add3A_237 : vector<400xf32>
    %logistic3A_239 = arith.negf %add3A_238 : vector<400xf32>
    %logistic3A_240 = math.exp %logistic3A_239 : vector<400xf32>
    %logistic3A_241 = arith.constant 1.000000e+00 : f32
    %logistic3A_242 = vector.broadcast %logistic3A_241 : f32 to vector<400xf32>
    %logistic3A_243 = arith.addf %logistic3A_242, %logistic3A_240 : vector<400xf32>
    %logistic3A_244 = arith.divf %logistic3A_242, %logistic3A_243 : vector<400xf32>
    %broadcast_in_dim3A_245 = vector.shape_cast %logistic3A_244 : vector<400xf32> to vector<400x1xf32>
    %swap3A_246 = arith.constant 0 : index
    %swap3A_247 = arith.constant 1 : index
    %swap3A_248 = vector.load %arg17[%swap3A_246, %swap3A_247] : memref<400x12xf32, #tpu.memory_space<vmem>>, vector<400x1xf32>
    tpu.vector_store %arg17[%swap3A_246, %swap3A_247], %broadcast_in_dim3A_245 {strides = array<i32>} : memref<400x12xf32, #tpu.memory_space<vmem>>, vector<400x1xf32>,
    %get3A_249 = arith.constant 0 : index
    %get3A_250 = arith.constant 2 : index
    %get3A_251 = arith.constant 0 : index
    %get3A_252 = vector.load %arg1[%get3A_249, %get3A_250, %get3A_251] : memref<400x12x128xf32, #tpu.memory_space<vmem>>, vector<400x1x128xf32>
    %get3A_253 = vector.shape_cast %get3A_252 : vector<400x1x128xf32> to vector<400x128xf32>
    %get3A_254 = arith.constant 0 : index
    %get3A_255 = arith.constant 2 : index
    %get3A_256 = arith.constant 0 : index
    %get3A_257 = arith.constant 0 : index
    %get3A_258 = vector.load %arg2[%get3A_254, %get3A_255, %get3A_256, %get3A_257] : memref<2x13x400x128xf32, #tpu.memory_space<vmem>>, vector<1x1x400x128xf32>
    %get3A_259 = vector.shape_cast %get3A_258 : vector<1x1x400x128xf32> to vector<400x128xf32>
    %get3A_260 = arith.constant 1 : index
    %get3A_261 = arith.constant 2 : index
    %get3A_262 = arith.constant 0 : index
    %get3A_263 = arith.constant 0 : index
    %get3A_264 = vector.load %arg2[%get3A_260, %get3A_261, %get3A_262, %get3A_263] : memref<2x13x400x128xf32, #tpu.memory_space<vmem>>, vector<1x1x400x128xf32>
    %get3A_265 = vector.shape_cast %get3A_264 : vector<1x1x400x128xf32> to vector<400x128xf32>
    %add3A_266 = arith.addf %get3A_259, %get3A_265 : vector<400x128xf32>
    %mul3A_267 = vector.broadcast %broadcast_in_dim3A : vector<400x1xf32> to vector<400x128xf32>
    %mul3A_268 = arith.mulf %add3A_266, %mul3A_267 : vector<400x128xf32>
    %dot_general3A_269 = arith.constant dense<0.000000e+00> : vector<400x128xf32>
    %dot_general3A_270 = tpu.matmul %mul3A_268, %get3A_17, %dot_general3A_269 {dimension_numbers = #tpu.dot_dimension_numbers<[1], [0], [0], [1], [0, 0, 1, 1], [], []>, transpose_lhs_hint = false} : vector<400x128xf32>, vector<128x128xf32>, vector<400x128xf32> -> vector<400x128xf32>
    %dot_general3A_271 = arith.constant dense<0.000000e+00> : vector<400x128xf32>
    %dot_general3A_272 = tpu.matmul %get3A_253, %get3A_20, %dot_general3A_271 {dimension_numbers = #tpu.dot_dimension_numbers<[1], [0], [0], [1], [0, 0, 1, 1], [], []>, transpose_lhs_hint = false} : vector<400x128xf32>, vector<128x128xf32>, vector<400x128xf32> -> vector<400x128xf32>
    %add3A_273 = arith.addf %dot_general3A_270, %dot_general3A_272 : vector<400x128xf32>
    %add3A_274 = vector.broadcast %get3A_54 : vector<1x128xf32> to vector<400x128xf32>
    %add3A_275 = arith.addf %add3A_273, %add3A_274 : vector<400x128xf32>
    %max3A_276 = arith.constant 0.000000e+00 : f32
    %max3A_277 = vector.broadcast %max3A_276 : f32 to vector<400x128xf32>
    %max3A_278 = arith.maximumf %add3A_275, %max3A_277 : vector<400x128xf32>
    %dot_general3A_279 = arith.constant dense<0.000000e+00> : vector<400x384xf32>
    %dot_general3A_280 = tpu.matmul %max3A_278, %get3A_23, %dot_general3A_279 {dimension_numbers = #tpu.dot_dimension_numbers<[1], [0], [0], [1], [0, 0, 1, 1], [], []>, transpose_lhs_hint = false} : vector<400x128xf32>, vector<128x384xf32>, vector<400x384xf32> -> vector<400x384xf32>
    %add3A_281 = vector.broadcast %get3A_29 : vector<1x384xf32> to vector<400x384xf32>
    %add3A_282 = arith.addf %dot_general3A_280, %add3A_281 : vector<400x384xf32>
    %dot_general3A_283 = arith.constant dense<0.000000e+00> : vector<400x384xf32>
    %dot_general3A_284 = tpu.matmul %add3A_215, %get3A_26, %dot_general3A_283 {dimension_numbers = #tpu.dot_dimension_numbers<[1], [0], [0], [1], [0, 0, 1, 1], [], []>, transpose_lhs_hint = false} : vector<400x128xf32>, vector<128x384xf32>, vector<400x384xf32> -> vector<400x384xf32>
    %add3A_285 = vector.broadcast %get3A_32 : vector<1x384xf32> to vector<400x384xf32>
    %add3A_286 = arith.addf %dot_general3A_284, %add3A_285 : vector<400x384xf32>
    %slice3A_287 = vector.extract_strided_slice %add3A_282 {offsets = [0, 0], sizes = [400, 128], strides = [1, 1]} : vector<400x384xf32> to vector<400x128xf32>
    %slice3A_288 = vector.extract_strided_slice %add3A_286 {offsets = [0, 0], sizes = [400, 128], strides = [1, 1]} : vector<400x384xf32> to vector<400x128xf32>
    %add3A_289 = arith.addf %slice3A_287, %slice3A_288 : vector<400x128xf32>
    %logistic3A_290 = arith.negf %add3A_289 : vector<400x128xf32>
    %logistic3A_291 = math.exp %logistic3A_290 : vector<400x128xf32>
    %logistic3A_292 = arith.constant 1.000000e+00 : f32
    %logistic3A_293 = vector.broadcast %logistic3A_292 : f32 to vector<400x128xf32>
    %logistic3A_294 = arith.addf %logistic3A_293, %logistic3A_291 : vector<400x128xf32>
    %logistic3A_295 = arith.divf %logistic3A_293, %logistic3A_294 : vector<400x128xf32>
    %slice3A_296 = vector.extract_strided_slice %add3A_282 {offsets = [0, 128], sizes = [400, 128], strides = [1, 1]} : vector<400x384xf32> to vector<400x128xf32>
    %slice3A_297 = vector.extract_strided_slice %add3A_286 {offsets = [0, 128], sizes = [400, 128], strides = [1, 1]} : vector<400x384xf32> to vector<400x128xf32>
    %add3A_298 = arith.addf %slice3A_296, %slice3A_297 : vector<400x128xf32>
    %logistic3A_299 = arith.negf %add3A_298 : vector<400x128xf32>
    %logistic3A_300 = math.exp %logistic3A_299 : vector<400x128xf32>
    %logistic3A_301 = arith.constant 1.000000e+00 : f32
    %logistic3A_302 = vector.broadcast %logistic3A_301 : f32 to vector<400x128xf32>
    %logistic3A_303 = arith.addf %logistic3A_302, %logistic3A_300 : vector<400x128xf32>
    %logistic3A_304 = arith.divf %logistic3A_302, %logistic3A_303 : vector<400x128xf32>
    %slice3A_305 = vector.extract_strided_slice %add3A_282 {offsets = [0, 256], sizes = [400, 128], strides = [1, 1]} : vector<400x384xf32> to vector<400x128xf32>
    %slice3A_306 = vector.extract_strided_slice %add3A_286 {offsets = [0, 256], sizes = [400, 128], strides = [1, 1]} : vector<400x384xf32> to vector<400x128xf32>
    %mul3A_307 = arith.mulf %logistic3A_295, %slice3A_306 : vector<400x128xf32>
    %add3A_308 = arith.addf %slice3A_305, %mul3A_307 : vector<400x128xf32>
    %tanh3A_309 = math.tanh %add3A_308 : vector<400x128xf32>
    %sub3A_310 = arith.constant 1.000000e+00 : f32
    %sub3A_311 = vector.broadcast %sub3A_310 : f32 to vector<400x128xf32>
    %sub3A_312 = arith.subf %sub3A_311, %logistic3A_304 : vector<400x128xf32>
    %mul3A_313 = arith.mulf %sub3A_312, %tanh3A_309 : vector<400x128xf32>
    %mul3A_314 = arith.mulf %logistic3A_304, %add3A_215 : vector<400x128xf32>
    %add3A_315 = arith.addf %mul3A_313, %mul3A_314 : vector<400x128xf32>
    %dot_general3A_316 = arith.constant dense<0.000000e+00> : vector<400x128xf32>
    %dot_general3A_317 = tpu.matmul %add3A_315, %get3A_35, %dot_general3A_316 {dimension_numbers = #tpu.dot_dimension_numbers<[1], [0], [0], [1], [0, 0, 1, 1], [], []>, transpose_lhs_hint = false} : vector<400x128xf32>, vector<128x128xf32>, vector<400x128xf32> -> vector<400x128xf32>
    %add3A_318 = vector.broadcast %get3A_38 : vector<1x128xf32> to vector<400x128xf32>
    %add3A_319 = arith.addf %dot_general3A_317, %add3A_318 : vector<400x128xf32>
    %swap3A_320 = arith.constant 0 : index
    %swap3A_321 = arith.constant 2 : index
    %swap3A_322 = arith.constant 0 : index
    %swap3A_323 = vector.load %arg16[%swap3A_320, %swap3A_321, %swap3A_322] : memref<400x12x128xf32, #tpu.memory_space<vmem>>, vector<400x1x128xf32>
    %swap3A_324 = vector.shape_cast %swap3A_323 : vector<400x1x128xf32> to vector<400x128xf32>
    %swap3A_325 = vector.shape_cast %add3A_319 : vector<400x128xf32> to vector<400x1x128xf32>
    tpu.vector_store %arg16[%swap3A_320, %swap3A_321, %swap3A_322], %swap3A_325 {strides = array<i32>} : memref<400x12x128xf32, #tpu.memory_space<vmem>>, vector<400x1x128xf32>,
    %dot_general3A_326 = arith.constant dense<0.000000e+00> : vector<400x64xf32>
    %dot_general3A_327 = tpu.matmul %add3A_315, %get3A_41, %dot_general3A_326 {dimension_numbers = #tpu.dot_dimension_numbers<[1], [0], [0], [1], [0, 0, 1, 1], [], []>, transpose_lhs_hint = false} : vector<400x128xf32>, vector<128x64xf32>, vector<400x64xf32> -> vector<400x64xf32>
    %add3A_328 = vector.broadcast %get3A_44 : vector<1x64xf32> to vector<400x64xf32>
    %add3A_329 = arith.addf %dot_general3A_327, %add3A_328 : vector<400x64xf32>
    %max3A_330 = arith.constant 0.000000e+00 : f32
    %max3A_331 = vector.broadcast %max3A_330 : f32 to vector<400x64xf32>
    %max3A_332 = arith.maximumf %add3A_329, %max3A_331 : vector<400x64xf32>
    %mul3A_333 = vector.broadcast %get3A_47 : vector<1x64xf32> to vector<400x64xf32>
    %mul3A_334 = arith.mulf %max3A_332, %mul3A_333 : vector<400x64xf32>
    %reduce_sum3A_335 = arith.constant dense<0.000000e+00> : vector<400xf32>
    %reduce_sum3A_336 = vector.multi_reduction <add>, %mul3A_334, %reduce_sum3A_335 [1] : vector<400x64xf32> to vector<400xf32>
    %add3A_337 = vector.broadcast %get3A_51 : f32 to vector<400xf32>
    %add3A_338 = arith.addf %reduce_sum3A_336, %add3A_337 : vector<400xf32>
    %logistic3A_339 = arith.negf %add3A_338 : vector<400xf32>
    %logistic3A_340 = math.exp %logistic3A_339 : vector<400xf32>
    %logistic3A_341 = arith.constant 1.000000e+00 : f32
    %logistic3A_342 = vector.broadcast %logistic3A_341 : f32 to vector<400xf32>
    %logistic3A_343 = arith.addf %logistic3A_342, %logistic3A_340 : vector<400xf32>
    %logistic3A_344 = arith.divf %logistic3A_342, %logistic3A_343 : vector<400xf32>
    %broadcast_in_dim3A_345 = vector.shape_cast %logistic3A_344 : vector<400xf32> to vector<400x1xf32>
    %swap3A_346 = arith.constant 0 : index
    %swap3A_347 = arith.constant 2 : index
    %swap3A_348 = vector.load %arg17[%swap3A_346, %swap3A_347] : memref<400x12xf32, #tpu.memory_space<vmem>>, vector<400x1xf32>
    tpu.vector_store %arg17[%swap3A_346, %swap3A_347], %broadcast_in_dim3A_345 {strides = array<i32>} : memref<400x12xf32, #tpu.memory_space<vmem>>, vector<400x1xf32>,
    %get3A_349 = arith.constant 0 : index
    %get3A_350 = arith.constant 3 : index
    %get3A_351 = arith.constant 0 : index
    %get3A_352 = vector.load %arg1[%get3A_349, %get3A_350, %get3A_351] : memref<400x12x128xf32, #tpu.memory_space<vmem>>, vector<400x1x128xf32>
    %get3A_353 = vector.shape_cast %get3A_352 : vector<400x1x128xf32> to vector<400x128xf32>
    %get3A_354 = arith.constant 0 : index
    %get3A_355 = arith.constant 3 : index
    %get3A_356 = arith.constant 0 : index
    %get3A_357 = arith.constant 0 : index
    %get3A_358 = vector.load %arg2[%get3A_354, %get3A_355, %get3A_356, %get3A_357] : memref<2x13x400x128xf32, #tpu.memory_space<vmem>>, vector<1x1x400x128xf32>
    %get3A_359 = vector.shape_cast %get3A_358 : vector<1x1x400x128xf32> to vector<400x128xf32>
    %get3A_360 = arith.constant 1 : index
    %get3A_361 = arith.constant 3 : index
    %get3A_362 = arith.constant 0 : index
    %get3A_363 = arith.constant 0 : index
    %get3A_364 = vector.load %arg2[%get3A_360, %get3A_361, %get3A_362, %get3A_363] : memref<2x13x400x128xf32, #tpu.memory_space<vmem>>, vector<1x1x400x128xf32>
    %get3A_365 = vector.shape_cast %get3A_364 : vector<1x1x400x128xf32> to vector<400x128xf32>
    %add3A_366 = arith.addf %get3A_359, %get3A_365 : vector<400x128xf32>
    %mul3A_367 = vector.broadcast %broadcast_in_dim3A : vector<400x1xf32> to vector<400x128xf32>
    %mul3A_368 = arith.mulf %add3A_366, %mul3A_367 : vector<400x128xf32>
    %dot_general3A_369 = arith.constant dense<0.000000e+00> : vector<400x128xf32>
    %dot_general3A_370 = tpu.matmul %mul3A_368, %get3A_17, %dot_general3A_369 {dimension_numbers = #tpu.dot_dimension_numbers<[1], [0], [0], [1], [0, 0, 1, 1], [], []>, transpose_lhs_hint = false} : vector<400x128xf32>, vector<128x128xf32>, vector<400x128xf32> -> vector<400x128xf32>
    %dot_general3A_371 = arith.constant dense<0.000000e+00> : vector<400x128xf32>
    %dot_general3A_372 = tpu.matmul %get3A_353, %get3A_20, %dot_general3A_371 {dimension_numbers = #tpu.dot_dimension_numbers<[1], [0], [0], [1], [0, 0, 1, 1], [], []>, transpose_lhs_hint = false} : vector<400x128xf32>, vector<128x128xf32>, vector<400x128xf32> -> vector<400x128xf32>
    %add3A_373 = arith.addf %dot_general3A_370, %dot_general3A_372 : vector<400x128xf32>
    %add3A_374 = vector.broadcast %get3A_54 : vector<1x128xf32> to vector<400x128xf32>
    %add3A_375 = arith.addf %add3A_373, %add3A_374 : vector<400x128xf32>
    %max3A_376 = arith.constant 0.000000e+00 : f32
    %max3A_377 = vector.broadcast %max3A_376 : f32 to vector<400x128xf32>
    %max3A_378 = arith.maximumf %add3A_375, %max3A_377 : vector<400x128xf32>
    %dot_general3A_379 = arith.constant dense<0.000000e+00> : vector<400x384xf32>
    %dot_general3A_380 = tpu.matmul %max3A_378, %get3A_23, %dot_general3A_379 {dimension_numbers = #tpu.dot_dimension_numbers<[1], [0], [0], [1], [0, 0, 1, 1], [], []>, transpose_lhs_hint = false} : vector<400x128xf32>, vector<128x384xf32>, vector<400x384xf32> -> vector<400x384xf32>
    %add3A_381 = vector.broadcast %get3A_29 : vector<1x384xf32> to vector<400x384xf32>
    %add3A_382 = arith.addf %dot_general3A_380, %add3A_381 : vector<400x384xf32>
    %dot_general3A_383 = arith.constant dense<0.000000e+00> : vector<400x384xf32>
    %dot_general3A_384 = tpu.matmul %add3A_315, %get3A_26, %dot_general3A_383 {dimension_numbers = #tpu.dot_dimension_numbers<[1], [0], [0], [1], [0, 0, 1, 1], [], []>, transpose_lhs_hint = false} : vector<400x128xf32>, vector<128x384xf32>, vector<400x384xf32> -> vector<400x384xf32>
    %add3A_385 = vector.broadcast %get3A_32 : vector<1x384xf32> to vector<400x384xf32>
    %add3A_386 = arith.addf %dot_general3A_384, %add3A_385 : vector<400x384xf32>
    %slice3A_387 = vector.extract_strided_slice %add3A_382 {offsets = [0, 0], sizes = [400, 128], strides = [1, 1]} : vector<400x384xf32> to vector<400x128xf32>
    %slice3A_388 = vector.extract_strided_slice %add3A_386 {offsets = [0, 0], sizes = [400, 128], strides = [1, 1]} : vector<400x384xf32> to vector<400x128xf32>
    %add3A_389 = arith.addf %slice3A_387, %slice3A_388 : vector<400x128xf32>
    %logistic3A_390 = arith.negf %add3A_389 : vector<400x128xf32>
    %logistic3A_391 = math.exp %logistic3A_390 : vector<400x128xf32>
    %logistic3A_392 = arith.constant 1.000000e+00 : f32
    %logistic3A_393 = vector.broadcast %logistic3A_392 : f32 to vector<400x128xf32>
    %logistic3A_394 = arith.addf %logistic3A_393, %logistic3A_391 : vector<400x128xf32>
    %logistic3A_395 = arith.divf %logistic3A_393, %logistic3A_394 : vector<400x128xf32>
    %slice3A_396 = vector.extract_strided_slice %add3A_382 {offsets = [0, 128], sizes = [400, 128], strides = [1, 1]} : vector<400x384xf32> to vector<400x128xf32>
    %slice3A_397 = vector.extract_strided_slice %add3A_386 {offsets = [0, 128], sizes = [400, 128], strides = [1, 1]} : vector<400x384xf32> to vector<400x128xf32>
    %add3A_398 = arith.addf %slice3A_396, %slice3A_397 : vector<400x128xf32>
    %logistic3A_399 = arith.negf %add3A_398 : vector<400x128xf32>
    %logistic3A_400 = math.exp %logistic3A_399 : vector<400x128xf32>
    %logistic3A_401 = arith.constant 1.000000e+00 : f32
    %logistic3A_402 = vector.broadcast %logistic3A_401 : f32 to vector<400x128xf32>
    %logistic3A_403 = arith.addf %logistic3A_402, %logistic3A_400 : vector<400x128xf32>
    %logistic3A_404 = arith.divf %logistic3A_402, %logistic3A_403 : vector<400x128xf32>
    %slice3A_405 = vector.extract_strided_slice %add3A_382 {offsets = [0, 256], sizes = [400, 128], strides = [1, 1]} : vector<400x384xf32> to vector<400x128xf32>
    %slice3A_406 = vector.extract_strided_slice %add3A_386 {offsets = [0, 256], sizes = [400, 128], strides = [1, 1]} : vector<400x384xf32> to vector<400x128xf32>
    %mul3A_407 = arith.mulf %logistic3A_395, %slice3A_406 : vector<400x128xf32>
    %add3A_408 = arith.addf %slice3A_405, %mul3A_407 : vector<400x128xf32>
    %tanh3A_409 = math.tanh %add3A_408 : vector<400x128xf32>
    %sub3A_410 = arith.constant 1.000000e+00 : f32
    %sub3A_411 = vector.broadcast %sub3A_410 : f32 to vector<400x128xf32>
    %sub3A_412 = arith.subf %sub3A_411, %logistic3A_404 : vector<400x128xf32>
    %mul3A_413 = arith.mulf %sub3A_412, %tanh3A_409 : vector<400x128xf32>
    %mul3A_414 = arith.mulf %logistic3A_404, %add3A_315 : vector<400x128xf32>
    %add3A_415 = arith.addf %mul3A_413, %mul3A_414 : vector<400x128xf32>
    %dot_general3A_416 = arith.constant dense<0.000000e+00> : vector<400x128xf32>
    %dot_general3A_417 = tpu.matmul %add3A_415, %get3A_35, %dot_general3A_416 {dimension_numbers = #tpu.dot_dimension_numbers<[1], [0], [0], [1], [0, 0, 1, 1], [], []>, transpose_lhs_hint = false} : vector<400x128xf32>, vector<128x128xf32>, vector<400x128xf32> -> vector<400x128xf32>
    %add3A_418 = vector.broadcast %get3A_38 : vector<1x128xf32> to vector<400x128xf32>
    %add3A_419 = arith.addf %dot_general3A_417, %add3A_418 : vector<400x128xf32>
    %swap3A_420 = arith.constant 0 : index
    %swap3A_421 = arith.constant 3 : index
    %swap3A_422 = arith.constant 0 : index
    %swap3A_423 = vector.load %arg16[%swap3A_420, %swap3A_421, %swap3A_422] : memref<400x12x128xf32, #tpu.memory_space<vmem>>, vector<400x1x128xf32>
    %swap3A_424 = vector.shape_cast %swap3A_423 : vector<400x1x128xf32> to vector<400x128xf32>
    %swap3A_425 = vector.shape_cast %add3A_419 : vector<400x128xf32> to vector<400x1x128xf32>
    tpu.vector_store %arg16[%swap3A_420, %swap3A_421, %swap3A_422], %swap3A_425 {strides = array<i32>} : memref<400x12x128xf32, #tpu.memory_space<vmem>>, vector<400x1x128xf32>,
    %dot_general3A_426 = arith.constant dense<0.000000e+00> : vector<400x64xf32>
    %dot_general3A_427 = tpu.matmul %add3A_415, %get3A_41, %dot_general3A_426 {dimension_numbers = #tpu.dot_dimension_numbers<[1], [0], [0], [1], [0, 0, 1, 1], [], []>, transpose_lhs_hint = false} : vector<400x128xf32>, vector<128x64xf32>, vector<400x64xf32> -> vector<400x64xf32>
    %add3A_428 = vector.broadcast %get3A_44 : vector<1x64xf32> to vector<400x64xf32>
    %add3A_429 = arith.addf %dot_general3A_427, %add3A_428 : vector<400x64xf32>
    %max3A_430 = arith.constant 0.000000e+00 : f32
    %max3A_431 = vector.broadcast %max3A_430 : f32 to vector<400x64xf32>
    %max3A_432 = arith.maximumf %add3A_429, %max3A_431 : vector<400x64xf32>
    %mul3A_433 = vector.broadcast %get3A_47 : vector<1x64xf32> to vector<400x64xf32>
    %mul3A_434 = arith.mulf %max3A_432, %mul3A_433 : vector<400x64xf32>
    %reduce_sum3A_435 = arith.constant dense<0.000000e+00> : vector<400xf32>
    %reduce_sum3A_436 = vector.multi_reduction <add>, %mul3A_434, %reduce_sum3A_435 [1] : vector<400x64xf32> to vector<400xf32>
    %add3A_437 = vector.broadcast %get3A_51 : f32 to vector<400xf32>
    %add3A_438 = arith.addf %reduce_sum3A_436, %add3A_437 : vector<400xf32>
    %logistic3A_439 = arith.negf %add3A_438 : vector<400xf32>
    %logistic3A_440 = math.exp %logistic3A_439 : vector<400xf32>
    %logistic3A_441 = arith.constant 1.000000e+00 : f32
    %logistic3A_442 = vector.broadcast %logistic3A_441 : f32 to vector<400xf32>
    %logistic3A_443 = arith.addf %logistic3A_442, %logistic3A_440 : vector<400xf32>
    %logistic3A_444 = arith.divf %logistic3A_442, %logistic3A_443 : vector<400xf32>
    %broadcast_in_dim3A_445 = vector.shape_cast %logistic3A_444 : vector<400xf32> to vector<400x1xf32>
    %swap3A_446 = arith.constant 0 : index
    %swap3A_447 = arith.constant 3 : index
    %swap3A_448 = vector.load %arg17[%swap3A_446, %swap3A_447] : memref<400x12xf32, #tpu.memory_space<vmem>>, vector<400x1xf32>
    tpu.vector_store %arg17[%swap3A_446, %swap3A_447], %broadcast_in_dim3A_445 {strides = array<i32>} : memref<400x12xf32, #tpu.memory_space<vmem>>, vector<400x1xf32>,
    %get3A_449 = arith.constant 0 : index
    %get3A_450 = arith.constant 4 : index
    %get3A_451 = arith.constant 0 : index
    %get3A_452 = vector.load %arg1[%get3A_449, %get3A_450, %get3A_451] : memref<400x12x128xf32, #tpu.memory_space<vmem>>, vector<400x1x128xf32>
    %get3A_453 = vector.shape_cast %get3A_452 : vector<400x1x128xf32> to vector<400x128xf32>
    %get3A_454 = arith.constant 0 : index
    %get3A_455 = arith.constant 4 : index
    %get3A_456 = arith.constant 0 : index
    %get3A_457 = arith.constant 0 : index
    %get3A_458 = vector.load %arg2[%get3A_454, %get3A_455, %get3A_456, %get3A_457] : memref<2x13x400x128xf32, #tpu.memory_space<vmem>>, vector<1x1x400x128xf32>
    %get3A_459 = vector.shape_cast %get3A_458 : vector<1x1x400x128xf32> to vector<400x128xf32>
    %get3A_460 = arith.constant 1 : index
    %get3A_461 = arith.constant 4 : index
    %get3A_462 = arith.constant 0 : index
    %get3A_463 = arith.constant 0 : index
    %get3A_464 = vector.load %arg2[%get3A_460, %get3A_461, %get3A_462, %get3A_463] : memref<2x13x400x128xf32, #tpu.memory_space<vmem>>, vector<1x1x400x128xf32>
    %get3A_465 = vector.shape_cast %get3A_464 : vector<1x1x400x128xf32> to vector<400x128xf32>
    %add3A_466 = arith.addf %get3A_459, %get3A_465 : vector<400x128xf32>
    %mul3A_467 = vector.broadcast %broadcast_in_dim3A : vector<400x1xf32> to vector<400x128xf32>
    %mul3A_468 = arith.mulf %add3A_466, %mul3A_467 : vector<400x128xf32>
    %dot_general3A_469 = arith.constant dense<0.000000e+00> : vector<400x128xf32>
    %dot_general3A_470 = tpu.matmul %mul3A_468, %get3A_17, %dot_general3A_469 {dimension_numbers = #tpu.dot_dimension_numbers<[1], [0], [0], [1], [0, 0, 1, 1], [], []>, transpose_lhs_hint = false} : vector<400x128xf32>, vector<128x128xf32>, vector<400x128xf32> -> vector<400x128xf32>
    %dot_general3A_471 = arith.constant dense<0.000000e+00> : vector<400x128xf32>
    %dot_general3A_472 = tpu.matmul %get3A_453, %get3A_20, %dot_general3A_471 {dimension_numbers = #tpu.dot_dimension_numbers<[1], [0], [0], [1], [0, 0, 1, 1], [], []>, transpose_lhs_hint = false} : vector<400x128xf32>, vector<128x128xf32>, vector<400x128xf32> -> vector<400x128xf32>
    %add3A_473 = arith.addf %dot_general3A_470, %dot_general3A_472 : vector<400x128xf32>
    %add3A_474 = vector.broadcast %get3A_54 : vector<1x128xf32> to vector<400x128xf32>
    %add3A_475 = arith.addf %add3A_473, %add3A_474 : vector<400x128xf32>
    %max3A_476 = arith.constant 0.000000e+00 : f32
    %max3A_477 = vector.broadcast %max3A_476 : f32 to vector<400x128xf32>
    %max3A_478 = arith.maximumf %add3A_475, %max3A_477 : vector<400x128xf32>
    %dot_general3A_479 = arith.constant dense<0.000000e+00> : vector<400x384xf32>
    %dot_general3A_480 = tpu.matmul %max3A_478, %get3A_23, %dot_general3A_479 {dimension_numbers = #tpu.dot_dimension_numbers<[1], [0], [0], [1], [0, 0, 1, 1], [], []>, transpose_lhs_hint = false} : vector<400x128xf32>, vector<128x384xf32>, vector<400x384xf32> -> vector<400x384xf32>
    %add3A_481 = vector.broadcast %get3A_29 : vector<1x384xf32> to vector<400x384xf32>
    %add3A_482 = arith.addf %dot_general3A_480, %add3A_481 : vector<400x384xf32>
    %dot_general3A_483 = arith.constant dense<0.000000e+00> : vector<400x384xf32>
    %dot_general3A_484 = tpu.matmul %add3A_415, %get3A_26, %dot_general3A_483 {dimension_numbers = #tpu.dot_dimension_numbers<[1], [0], [0], [1], [0, 0, 1, 1], [], []>, transpose_lhs_hint = false} : vector<400x128xf32>, vector<128x384xf32>, vector<400x384xf32> -> vector<400x384xf32>
    %add3A_485 = vector.broadcast %get3A_32 : vector<1x384xf32> to vector<400x384xf32>
    %add3A_486 = arith.addf %dot_general3A_484, %add3A_485 : vector<400x384xf32>
    %slice3A_487 = vector.extract_strided_slice %add3A_482 {offsets = [0, 0], sizes = [400, 128], strides = [1, 1]} : vector<400x384xf32> to vector<400x128xf32>
    %slice3A_488 = vector.extract_strided_slice %add3A_486 {offsets = [0, 0], sizes = [400, 128], strides = [1, 1]} : vector<400x384xf32> to vector<400x128xf32>
    %add3A_489 = arith.addf %slice3A_487, %slice3A_488 : vector<400x128xf32>
    %logistic3A_490 = arith.negf %add3A_489 : vector<400x128xf32>
    %logistic3A_491 = math.exp %logistic3A_490 : vector<400x128xf32>
    %logistic3A_492 = arith.constant 1.000000e+00 : f32
    %logistic3A_493 = vector.broadcast %logistic3A_492 : f32 to vector<400x128xf32>
    %logistic3A_494 = arith.addf %logistic3A_493, %logistic3A_491 : vector<400x128xf32>
    %logistic3A_495 = arith.divf %logistic3A_493, %logistic3A_494 : vector<400x128xf32>
    %slice3A_496 = vector.extract_strided_slice %add3A_482 {offsets = [0, 128], sizes = [400, 128], strides = [1, 1]} : vector<400x384xf32> to vector<400x128xf32>
    %slice3A_497 = vector.extract_strided_slice %add3A_486 {offsets = [0, 128], sizes = [400, 128], strides = [1, 1]} : vector<400x384xf32> to vector<400x128xf32>
    %add3A_498 = arith.addf %slice3A_496, %slice3A_497 : vector<400x128xf32>
    %logistic3A_499 = arith.negf %add3A_498 : vector<400x128xf32>
    %logistic3A_500 = math.exp %logistic3A_499 : vector<400x128xf32>
    %logistic3A_501 = arith.constant 1.000000e+00 : f32
    %logistic3A_502 = vector.broadcast %logistic3A_501 : f32 to vector<400x128xf32>
    %logistic3A_503 = arith.addf %logistic3A_502, %logistic3A_500 : vector<400x128xf32>
    %logistic3A_504 = arith.divf %logistic3A_502, %logistic3A_503 : vector<400x128xf32>
    %slice3A_505 = vector.extract_strided_slice %add3A_482 {offsets = [0, 256], sizes = [400, 128], strides = [1, 1]} : vector<400x384xf32> to vector<400x128xf32>
    %slice3A_506 = vector.extract_strided_slice %add3A_486 {offsets = [0, 256], sizes = [400, 128], strides = [1, 1]} : vector<400x384xf32> to vector<400x128xf32>
    %mul3A_507 = arith.mulf %logistic3A_495, %slice3A_506 : vector<400x128xf32>
    %add3A_508 = arith.addf %slice3A_505, %mul3A_507 : vector<400x128xf32>
    %tanh3A_509 = math.tanh %add3A_508 : vector<400x128xf32>
    %sub3A_510 = arith.constant 1.000000e+00 : f32
    %sub3A_511 = vector.broadcast %sub3A_510 : f32 to vector<400x128xf32>
    %sub3A_512 = arith.subf %sub3A_511, %logistic3A_504 : vector<400x128xf32>
    %mul3A_513 = arith.mulf %sub3A_512, %tanh3A_509 : vector<400x128xf32>
    %mul3A_514 = arith.mulf %logistic3A_504, %add3A_415 : vector<400x128xf32>
    %add3A_515 = arith.addf %mul3A_513, %mul3A_514 : vector<400x128xf32>
    %dot_general3A_516 = arith.constant dense<0.000000e+00> : vector<400x128xf32>
    %dot_general3A_517 = tpu.matmul %add3A_515, %get3A_35, %dot_general3A_516 {dimension_numbers = #tpu.dot_dimension_numbers<[1], [0], [0], [1], [0, 0, 1, 1], [], []>, transpose_lhs_hint = false} : vector<400x128xf32>, vector<128x128xf32>, vector<400x128xf32> -> vector<400x128xf32>
    %add3A_518 = vector.broadcast %get3A_38 : vector<1x128xf32> to vector<400x128xf32>
    %add3A_519 = arith.addf %dot_general3A_517, %add3A_518 : vector<400x128xf32>
    %swap3A_520 = arith.constant 0 : index
    %swap3A_521 = arith.constant 4 : index
    %swap3A_522 = arith.constant 0 : index
    %swap3A_523 = vector.load %arg16[%swap3A_520, %swap3A_521, %swap3A_522] : memref<400x12x128xf32, #tpu.memory_space<vmem>>, vector<400x1x128xf32>
    %swap3A_524 = vector.shape_cast %swap3A_523 : vector<400x1x128xf32> to vector<400x128xf32>
    %swap3A_525 = vector.shape_cast %add3A_519 : vector<400x128xf32> to vector<400x1x128xf32>
    tpu.vector_store %arg16[%swap3A_520, %swap3A_521, %swap3A_522], %swap3A_525 {strides = array<i32>} : memref<400x12x128xf32, #tpu.memory_space<vmem>>, vector<400x1x128xf32>,
    %dot_general3A_526 = arith.constant dense<0.000000e+00> : vector<400x64xf32>
    %dot_general3A_527 = tpu.matmul %add3A_515, %get3A_41, %dot_general3A_526 {dimension_numbers = #tpu.dot_dimension_numbers<[1], [0], [0], [1], [0, 0, 1, 1], [], []>, transpose_lhs_hint = false} : vector<400x128xf32>, vector<128x64xf32>, vector<400x64xf32> -> vector<400x64xf32>
    %add3A_528 = vector.broadcast %get3A_44 : vector<1x64xf32> to vector<400x64xf32>
    %add3A_529 = arith.addf %dot_general3A_527, %add3A_528 : vector<400x64xf32>
    %max3A_530 = arith.constant 0.000000e+00 : f32
    %max3A_531 = vector.broadcast %max3A_530 : f32 to vector<400x64xf32>
    %max3A_532 = arith.maximumf %add3A_529, %max3A_531 : vector<400x64xf32>
    %mul3A_533 = vector.broadcast %get3A_47 : vector<1x64xf32> to vector<400x64xf32>
    %mul3A_534 = arith.mulf %max3A_532, %mul3A_533 : vector<400x64xf32>
    %reduce_sum3A_535 = arith.constant dense<0.000000e+00> : vector<400xf32>
    %reduce_sum3A_536 = vector.multi_reduction <add>, %mul3A_534, %reduce_sum3A_535 [1] : vector<400x64xf32> to vector<400xf32>
    %add3A_537 = vector.broadcast %get3A_51 : f32 to vector<400xf32>
    %add3A_538 = arith.addf %reduce_sum3A_536, %add3A_537 : vector<400xf32>
    %logistic3A_539 = arith.negf %add3A_538 : vector<400xf32>
    %logistic3A_540 = math.exp %logistic3A_539 : vector<400xf32>
    %logistic3A_541 = arith.constant 1.000000e+00 : f32
    %logistic3A_542 = vector.broadcast %logistic3A_541 : f32 to vector<400xf32>
    %logistic3A_543 = arith.addf %logistic3A_542, %logistic3A_540 : vector<400xf32>
    %logistic3A_544 = arith.divf %logistic3A_542, %logistic3A_543 : vector<400xf32>
    %broadcast_in_dim3A_545 = vector.shape_cast %logistic3A_544 : vector<400xf32> to vector<400x1xf32>
    %swap3A_546 = arith.constant 0 : index
    %swap3A_547 = arith.constant 4 : index
    %swap3A_548 = vector.load %arg17[%swap3A_546, %swap3A_547] : memref<400x12xf32, #tpu.memory_space<vmem>>, vector<400x1xf32>
    tpu.vector_store %arg17[%swap3A_546, %swap3A_547], %broadcast_in_dim3A_545 {strides = array<i32>} : memref<400x12xf32, #tpu.memory_space<vmem>>, vector<400x1xf32>,
    %get3A_549 = arith.constant 0 : index
    %get3A_550 = arith.constant 5 : index
    %get3A_551 = arith.constant 0 : index
    %get3A_552 = vector.load %arg1[%get3A_549, %get3A_550, %get3A_551] : memref<400x12x128xf32, #tpu.memory_space<vmem>>, vector<400x1x128xf32>
    %get3A_553 = vector.shape_cast %get3A_552 : vector<400x1x128xf32> to vector<400x128xf32>
    %get3A_554 = arith.constant 0 : index
    %get3A_555 = arith.constant 5 : index
    %get3A_556 = arith.constant 0 : index
    %get3A_557 = arith.constant 0 : index
    %get3A_558 = vector.load %arg2[%get3A_554, %get3A_555, %get3A_556, %get3A_557] : memref<2x13x400x128xf32, #tpu.memory_space<vmem>>, vector<1x1x400x128xf32>
    %get3A_559 = vector.shape_cast %get3A_558 : vector<1x1x400x128xf32> to vector<400x128xf32>
    %get3A_560 = arith.constant 1 : index
    %get3A_561 = arith.constant 5 : index
    %get3A_562 = arith.constant 0 : index
    %get3A_563 = arith.constant 0 : index
    %get3A_564 = vector.load %arg2[%get3A_560, %get3A_561, %get3A_562, %get3A_563] : memref<2x13x400x128xf32, #tpu.memory_space<vmem>>, vector<1x1x400x128xf32>
    %get3A_565 = vector.shape_cast %get3A_564 : vector<1x1x400x128xf32> to vector<400x128xf32>
    %add3A_566 = arith.addf %get3A_559, %get3A_565 : vector<400x128xf32>
    %mul3A_567 = vector.broadcast %broadcast_in_dim3A : vector<400x1xf32> to vector<400x128xf32>
    %mul3A_568 = arith.mulf %add3A_566, %mul3A_567 : vector<400x128xf32>
    %dot_general3A_569 = arith.constant dense<0.000000e+00> : vector<400x128xf32>
    %dot_general3A_570 = tpu.matmul %mul3A_568, %get3A_17, %dot_general3A_569 {dimension_numbers = #tpu.dot_dimension_numbers<[1], [0], [0], [1], [0, 0, 1, 1], [], []>, transpose_lhs_hint = false} : vector<400x128xf32>, vector<128x128xf32>, vector<400x128xf32> -> vector<400x128xf32>
    %dot_general3A_571 = arith.constant dense<0.000000e+00> : vector<400x128xf32>
    %dot_general3A_572 = tpu.matmul %get3A_553, %get3A_20, %dot_general3A_571 {dimension_numbers = #tpu.dot_dimension_numbers<[1], [0], [0], [1], [0, 0, 1, 1], [], []>, transpose_lhs_hint = false} : vector<400x128xf32>, vector<128x128xf32>, vector<400x128xf32> -> vector<400x128xf32>
    %add3A_573 = arith.addf %dot_general3A_570, %dot_general3A_572 : vector<400x128xf32>
    %add3A_574 = vector.broadcast %get3A_54 : vector<1x128xf32> to vector<400x128xf32>
    %add3A_575 = arith.addf %add3A_573, %add3A_574 : vector<400x128xf32>
    %max3A_576 = arith.constant 0.000000e+00 : f32
    %max3A_577 = vector.broadcast %max3A_576 : f32 to vector<400x128xf32>
    %max3A_578 = arith.maximumf %add3A_575, %max3A_577 : vector<400x128xf32>
    %dot_general3A_579 = arith.constant dense<0.000000e+00> : vector<400x384xf32>
    %dot_general3A_580 = tpu.matmul %max3A_578, %get3A_23, %dot_general3A_579 {dimension_numbers = #tpu.dot_dimension_numbers<[1], [0], [0], [1], [0, 0, 1, 1], [], []>, transpose_lhs_hint = false} : vector<400x128xf32>, vector<128x384xf32>, vector<400x384xf32> -> vector<400x384xf32>
    %add3A_581 = vector.broadcast %get3A_29 : vector<1x384xf32> to vector<400x384xf32>
    %add3A_582 = arith.addf %dot_general3A_580, %add3A_581 : vector<400x384xf32>
    %dot_general3A_583 = arith.constant dense<0.000000e+00> : vector<400x384xf32>
    %dot_general3A_584 = tpu.matmul %add3A_515, %get3A_26, %dot_general3A_583 {dimension_numbers = #tpu.dot_dimension_numbers<[1], [0], [0], [1], [0, 0, 1, 1], [], []>, transpose_lhs_hint = false} : vector<400x128xf32>, vector<128x384xf32>, vector<400x384xf32> -> vector<400x384xf32>
    %add3A_585 = vector.broadcast %get3A_32 : vector<1x384xf32> to vector<400x384xf32>
    %add3A_586 = arith.addf %dot_general3A_584, %add3A_585 : vector<400x384xf32>
    %slice3A_587 = vector.extract_strided_slice %add3A_582 {offsets = [0, 0], sizes = [400, 128], strides = [1, 1]} : vector<400x384xf32> to vector<400x128xf32>
    %slice3A_588 = vector.extract_strided_slice %add3A_586 {offsets = [0, 0], sizes = [400, 128], strides = [1, 1]} : vector<400x384xf32> to vector<400x128xf32>
    %add3A_589 = arith.addf %slice3A_587, %slice3A_588 : vector<400x128xf32>
    %logistic3A_590 = arith.negf %add3A_589 : vector<400x128xf32>
    %logistic3A_591 = math.exp %logistic3A_590 : vector<400x128xf32>
    %logistic3A_592 = arith.constant 1.000000e+00 : f32
    %logistic3A_593 = vector.broadcast %logistic3A_592 : f32 to vector<400x128xf32>
    %logistic3A_594 = arith.addf %logistic3A_593, %logistic3A_591 : vector<400x128xf32>
    %logistic3A_595 = arith.divf %logistic3A_593, %logistic3A_594 : vector<400x128xf32>
    %slice3A_596 = vector.extract_strided_slice %add3A_582 {offsets = [0, 128], sizes = [400, 128], strides = [1, 1]} : vector<400x384xf32> to vector<400x128xf32>
    %slice3A_597 = vector.extract_strided_slice %add3A_586 {offsets = [0, 128], sizes = [400, 128], strides = [1, 1]} : vector<400x384xf32> to vector<400x128xf32>
    %add3A_598 = arith.addf %slice3A_596, %slice3A_597 : vector<400x128xf32>
    %logistic3A_599 = arith.negf %add3A_598 : vector<400x128xf32>
    %logistic3A_600 = math.exp %logistic3A_599 : vector<400x128xf32>
    %logistic3A_601 = arith.constant 1.000000e+00 : f32
    %logistic3A_602 = vector.broadcast %logistic3A_601 : f32 to vector<400x128xf32>
    %logistic3A_603 = arith.addf %logistic3A_602, %logistic3A_600 : vector<400x128xf32>
    %logistic3A_604 = arith.divf %logistic3A_602, %logistic3A_603 : vector<400x128xf32>
    %slice3A_605 = vector.extract_strided_slice %add3A_582 {offsets = [0, 256], sizes = [400, 128], strides = [1, 1]} : vector<400x384xf32> to vector<400x128xf32>
    %slice3A_606 = vector.extract_strided_slice %add3A_586 {offsets = [0, 256], sizes = [400, 128], strides = [1, 1]} : vector<400x384xf32> to vector<400x128xf32>
    %mul3A_607 = arith.mulf %logistic3A_595, %slice3A_606 : vector<400x128xf32>
    %add3A_608 = arith.addf %slice3A_605, %mul3A_607 : vector<400x128xf32>
    %tanh3A_609 = math.tanh %add3A_608 : vector<400x128xf32>
    %sub3A_610 = arith.constant 1.000000e+00 : f32
    %sub3A_611 = vector.broadcast %sub3A_610 : f32 to vector<400x128xf32>
    %sub3A_612 = arith.subf %sub3A_611, %logistic3A_604 : vector<400x128xf32>
    %mul3A_613 = arith.mulf %sub3A_612, %tanh3A_609 : vector<400x128xf32>
    %mul3A_614 = arith.mulf %logistic3A_604, %add3A_515 : vector<400x128xf32>
    %add3A_615 = arith.addf %mul3A_613, %mul3A_614 : vector<400x128xf32>
    %dot_general3A_616 = arith.constant dense<0.000000e+00> : vector<400x128xf32>
    %dot_general3A_617 = tpu.matmul %add3A_615, %get3A_35, %dot_general3A_616 {dimension_numbers = #tpu.dot_dimension_numbers<[1], [0], [0], [1], [0, 0, 1, 1], [], []>, transpose_lhs_hint = false} : vector<400x128xf32>, vector<128x128xf32>, vector<400x128xf32> -> vector<400x128xf32>
    %add3A_618 = vector.broadcast %get3A_38 : vector<1x128xf32> to vector<400x128xf32>
    %add3A_619 = arith.addf %dot_general3A_617, %add3A_618 : vector<400x128xf32>
    %swap3A_620 = arith.constant 0 : index
    %swap3A_621 = arith.constant 5 : index
    %swap3A_622 = arith.constant 0 : index
    %swap3A_623 = vector.load %arg16[%swap3A_620, %swap3A_621, %swap3A_622] : memref<400x12x128xf32, #tpu.memory_space<vmem>>, vector<400x1x128xf32>
    %swap3A_624 = vector.shape_cast %swap3A_623 : vector<400x1x128xf32> to vector<400x128xf32>
    %swap3A_625 = vector.shape_cast %add3A_619 : vector<400x128xf32> to vector<400x1x128xf32>
    tpu.vector_store %arg16[%swap3A_620, %swap3A_621, %swap3A_622], %swap3A_625 {strides = array<i32>} : memref<400x12x128xf32, #tpu.memory_space<vmem>>, vector<400x1x128xf32>,
    %dot_general3A_626 = arith.constant dense<0.000000e+00> : vector<400x64xf32>
    %dot_general3A_627 = tpu.matmul %add3A_615, %get3A_41, %dot_general3A_626 {dimension_numbers = #tpu.dot_dimension_numbers<[1], [0], [0], [1], [0, 0, 1, 1], [], []>, transpose_lhs_hint = false} : vector<400x128xf32>, vector<128x64xf32>, vector<400x64xf32> -> vector<400x64xf32>
    %add3A_628 = vector.broadcast %get3A_44 : vector<1x64xf32> to vector<400x64xf32>
    %add3A_629 = arith.addf %dot_general3A_627, %add3A_628 : vector<400x64xf32>
    %max3A_630 = arith.constant 0.000000e+00 : f32
    %max3A_631 = vector.broadcast %max3A_630 : f32 to vector<400x64xf32>
    %max3A_632 = arith.maximumf %add3A_629, %max3A_631 : vector<400x64xf32>
    %mul3A_633 = vector.broadcast %get3A_47 : vector<1x64xf32> to vector<400x64xf32>
    %mul3A_634 = arith.mulf %max3A_632, %mul3A_633 : vector<400x64xf32>
    %reduce_sum3A_635 = arith.constant dense<0.000000e+00> : vector<400xf32>
    %reduce_sum3A_636 = vector.multi_reduction <add>, %mul3A_634, %reduce_sum3A_635 [1] : vector<400x64xf32> to vector<400xf32>
    %add3A_637 = vector.broadcast %get3A_51 : f32 to vector<400xf32>
    %add3A_638 = arith.addf %reduce_sum3A_636, %add3A_637 : vector<400xf32>
    %logistic3A_639 = arith.negf %add3A_638 : vector<400xf32>
    %logistic3A_640 = math.exp %logistic3A_639 : vector<400xf32>
    %logistic3A_641 = arith.constant 1.000000e+00 : f32
    %logistic3A_642 = vector.broadcast %logistic3A_641 : f32 to vector<400xf32>
    %logistic3A_643 = arith.addf %logistic3A_642, %logistic3A_640 : vector<400xf32>
    %logistic3A_644 = arith.divf %logistic3A_642, %logistic3A_643 : vector<400xf32>
    %broadcast_in_dim3A_645 = vector.shape_cast %logistic3A_644 : vector<400xf32> to vector<400x1xf32>
    %swap3A_646 = arith.constant 0 : index
    %swap3A_647 = arith.constant 5 : index
    %swap3A_648 = vector.load %arg17[%swap3A_646, %swap3A_647] : memref<400x12xf32, #tpu.memory_space<vmem>>, vector<400x1xf32>
    tpu.vector_store %arg17[%swap3A_646, %swap3A_647], %broadcast_in_dim3A_645 {strides = array<i32>} : memref<400x12xf32, #tpu.memory_space<vmem>>, vector<400x1xf32>,
    %get3A_649 = arith.constant 0 : index
    %get3A_650 = arith.constant 6 : index
    %get3A_651 = arith.constant 0 : index
    %get3A_652 = vector.load %arg1[%get3A_649, %get3A_650, %get3A_651] : memref<400x12x128xf32, #tpu.memory_space<vmem>>, vector<400x1x128xf32>
    %get3A_653 = vector.shape_cast %get3A_652 : vector<400x1x128xf32> to vector<400x128xf32>
    %get3A_654 = arith.constant 0 : index
    %get3A_655 = arith.constant 6 : index
    %get3A_656 = arith.constant 0 : index
    %get3A_657 = arith.constant 0 : index
    %get3A_658 = vector.load %arg2[%get3A_654, %get3A_655, %get3A_656, %get3A_657] : memref<2x13x400x128xf32, #tpu.memory_space<vmem>>, vector<1x1x400x128xf32>
    %get3A_659 = vector.shape_cast %get3A_658 : vector<1x1x400x128xf32> to vector<400x128xf32>
    %get3A_660 = arith.constant 1 : index
    %get3A_661 = arith.constant 6 : index
    %get3A_662 = arith.constant 0 : index
    %get3A_663 = arith.constant 0 : index
    %get3A_664 = vector.load %arg2[%get3A_660, %get3A_661, %get3A_662, %get3A_663] : memref<2x13x400x128xf32, #tpu.memory_space<vmem>>, vector<1x1x400x128xf32>
    %get3A_665 = vector.shape_cast %get3A_664 : vector<1x1x400x128xf32> to vector<400x128xf32>
    %add3A_666 = arith.addf %get3A_659, %get3A_665 : vector<400x128xf32>
    %mul3A_667 = vector.broadcast %broadcast_in_dim3A : vector<400x1xf32> to vector<400x128xf32>
    %mul3A_668 = arith.mulf %add3A_666, %mul3A_667 : vector<400x128xf32>
    %dot_general3A_669 = arith.constant dense<0.000000e+00> : vector<400x128xf32>
    %dot_general3A_670 = tpu.matmul %mul3A_668, %get3A_17, %dot_general3A_669 {dimension_numbers = #tpu.dot_dimension_numbers<[1], [0], [0], [1], [0, 0, 1, 1], [], []>, transpose_lhs_hint = false} : vector<400x128xf32>, vector<128x128xf32>, vector<400x128xf32> -> vector<400x128xf32>
    %dot_general3A_671 = arith.constant dense<0.000000e+00> : vector<400x128xf32>
    %dot_general3A_672 = tpu.matmul %get3A_653, %get3A_20, %dot_general3A_671 {dimension_numbers = #tpu.dot_dimension_numbers<[1], [0], [0], [1], [0, 0, 1, 1], [], []>, transpose_lhs_hint = false} : vector<400x128xf32>, vector<128x128xf32>, vector<400x128xf32> -> vector<400x128xf32>
    %add3A_673 = arith.addf %dot_general3A_670, %dot_general3A_672 : vector<400x128xf32>
    %add3A_674 = vector.broadcast %get3A_54 : vector<1x128xf32> to vector<400x128xf32>
    %add3A_675 = arith.addf %add3A_673, %add3A_674 : vector<400x128xf32>
    %max3A_676 = arith.constant 0.000000e+00 : f32
    %max3A_677 = vector.broadcast %max3A_676 : f32 to vector<400x128xf32>
    %max3A_678 = arith.maximumf %add3A_675, %max3A_677 : vector<400x128xf32>
    %dot_general3A_679 = arith.constant dense<0.000000e+00> : vector<400x384xf32>
    %dot_general3A_680 = tpu.matmul %max3A_678, %get3A_23, %dot_general3A_679 {dimension_numbers = #tpu.dot_dimension_numbers<[1], [0], [0], [1], [0, 0, 1, 1], [], []>, transpose_lhs_hint = false} : vector<400x128xf32>, vector<128x384xf32>, vector<400x384xf32> -> vector<400x384xf32>
    %add3A_681 = vector.broadcast %get3A_29 : vector<1x384xf32> to vector<400x384xf32>
    %add3A_682 = arith.addf %dot_general3A_680, %add3A_681 : vector<400x384xf32>
    %dot_general3A_683 = arith.constant dense<0.000000e+00> : vector<400x384xf32>
    %dot_general3A_684 = tpu.matmul %add3A_615, %get3A_26, %dot_general3A_683 {dimension_numbers = #tpu.dot_dimension_numbers<[1], [0], [0], [1], [0, 0, 1, 1], [], []>, transpose_lhs_hint = false} : vector<400x128xf32>, vector<128x384xf32>, vector<400x384xf32> -> vector<400x384xf32>
    %add3A_685 = vector.broadcast %get3A_32 : vector<1x384xf32> to vector<400x384xf32>
    %add3A_686 = arith.addf %dot_general3A_684, %add3A_685 : vector<400x384xf32>
    %slice3A_687 = vector.extract_strided_slice %add3A_682 {offsets = [0, 0], sizes = [400, 128], strides = [1, 1]} : vector<400x384xf32> to vector<400x128xf32>
    %slice3A_688 = vector.extract_strided_slice %add3A_686 {offsets = [0, 0], sizes = [400, 128], strides = [1, 1]} : vector<400x384xf32> to vector<400x128xf32>
    %add3A_689 = arith.addf %slice3A_687, %slice3A_688 : vector<400x128xf32>
    %logistic3A_690 = arith.negf %add3A_689 : vector<400x128xf32>
    %logistic3A_691 = math.exp %logistic3A_690 : vector<400x128xf32>
    %logistic3A_692 = arith.constant 1.000000e+00 : f32
    %logistic3A_693 = vector.broadcast %logistic3A_692 : f32 to vector<400x128xf32>
    %logistic3A_694 = arith.addf %logistic3A_693, %logistic3A_691 : vector<400x128xf32>
    %logistic3A_695 = arith.divf %logistic3A_693, %logistic3A_694 : vector<400x128xf32>
    %slice3A_696 = vector.extract_strided_slice %add3A_682 {offsets = [0, 128], sizes = [400, 128], strides = [1, 1]} : vector<400x384xf32> to vector<400x128xf32>
    %slice3A_697 = vector.extract_strided_slice %add3A_686 {offsets = [0, 128], sizes = [400, 128], strides = [1, 1]} : vector<400x384xf32> to vector<400x128xf32>
    %add3A_698 = arith.addf %slice3A_696, %slice3A_697 : vector<400x128xf32>
    %logistic3A_699 = arith.negf %add3A_698 : vector<400x128xf32>
    %logistic3A_700 = math.exp %logistic3A_699 : vector<400x128xf32>
    %logistic3A_701 = arith.constant 1.000000e+00 : f32
    %logistic3A_702 = vector.broadcast %logistic3A_701 : f32 to vector<400x128xf32>
    %logistic3A_703 = arith.addf %logistic3A_702, %logistic3A_700 : vector<400x128xf32>
    %logistic3A_704 = arith.divf %logistic3A_702, %logistic3A_703 : vector<400x128xf32>
    %slice3A_705 = vector.extract_strided_slice %add3A_682 {offsets = [0, 256], sizes = [400, 128], strides = [1, 1]} : vector<400x384xf32> to vector<400x128xf32>
    %slice3A_706 = vector.extract_strided_slice %add3A_686 {offsets = [0, 256], sizes = [400, 128], strides = [1, 1]} : vector<400x384xf32> to vector<400x128xf32>
    %mul3A_707 = arith.mulf %logistic3A_695, %slice3A_706 : vector<400x128xf32>
    %add3A_708 = arith.addf %slice3A_705, %mul3A_707 : vector<400x128xf32>
    %tanh3A_709 = math.tanh %add3A_708 : vector<400x128xf32>
    %sub3A_710 = arith.constant 1.000000e+00 : f32
    %sub3A_711 = vector.broadcast %sub3A_710 : f32 to vector<400x128xf32>
    %sub3A_712 = arith.subf %sub3A_711, %logistic3A_704 : vector<400x128xf32>
    %mul3A_713 = arith.mulf %sub3A_712, %tanh3A_709 : vector<400x128xf32>
    %mul3A_714 = arith.mulf %logistic3A_704, %add3A_615 : vector<400x128xf32>
    %add3A_715 = arith.addf %mul3A_713, %mul3A_714 : vector<400x128xf32>
    %dot_general3A_716 = arith.constant dense<0.000000e+00> : vector<400x128xf32>
    %dot_general3A_717 = tpu.matmul %add3A_715, %get3A_35, %dot_general3A_716 {dimension_numbers = #tpu.dot_dimension_numbers<[1], [0], [0], [1], [0, 0, 1, 1], [], []>, transpose_lhs_hint = false} : vector<400x128xf32>, vector<128x128xf32>, vector<400x128xf32> -> vector<400x128xf32>
    %add3A_718 = vector.broadcast %get3A_38 : vector<1x128xf32> to vector<400x128xf32>
    %add3A_719 = arith.addf %dot_general3A_717, %add3A_718 : vector<400x128xf32>
    %swap3A_720 = arith.constant 0 : index
    %swap3A_721 = arith.constant 6 : index
    %swap3A_722 = arith.constant 0 : index
    %swap3A_723 = vector.load %arg16[%swap3A_720, %swap3A_721, %swap3A_722] : memref<400x12x128xf32, #tpu.memory_space<vmem>>, vector<400x1x128xf32>
    %swap3A_724 = vector.shape_cast %swap3A_723 : vector<400x1x128xf32> to vector<400x128xf32>
    %swap3A_725 = vector.shape_cast %add3A_719 : vector<400x128xf32> to vector<400x1x128xf32>
    tpu.vector_store %arg16[%swap3A_720, %swap3A_721, %swap3A_722], %swap3A_725 {strides = array<i32>} : memref<400x12x128xf32, #tpu.memory_space<vmem>>, vector<400x1x128xf32>,
    %dot_general3A_726 = arith.constant dense<0.000000e+00> : vector<400x64xf32>
    %dot_general3A_727 = tpu.matmul %add3A_715, %get3A_41, %dot_general3A_726 {dimension_numbers = #tpu.dot_dimension_numbers<[1], [0], [0], [1], [0, 0, 1, 1], [], []>, transpose_lhs_hint = false} : vector<400x128xf32>, vector<128x64xf32>, vector<400x64xf32> -> vector<400x64xf32>
    %add3A_728 = vector.broadcast %get3A_44 : vector<1x64xf32> to vector<400x64xf32>
    %add3A_729 = arith.addf %dot_general3A_727, %add3A_728 : vector<400x64xf32>
    %max3A_730 = arith.constant 0.000000e+00 : f32
    %max3A_731 = vector.broadcast %max3A_730 : f32 to vector<400x64xf32>
    %max3A_732 = arith.maximumf %add3A_729, %max3A_731 : vector<400x64xf32>
    %mul3A_733 = vector.broadcast %get3A_47 : vector<1x64xf32> to vector<400x64xf32>
    %mul3A_734 = arith.mulf %max3A_732, %mul3A_733 : vector<400x64xf32>
    %reduce_sum3A_735 = arith.constant dense<0.000000e+00> : vector<400xf32>
    %reduce_sum3A_736 = vector.multi_reduction <add>, %mul3A_734, %reduce_sum3A_735 [1] : vector<400x64xf32> to vector<400xf32>
    %add3A_737 = vector.broadcast %get3A_51 : f32 to vector<400xf32>
    %add3A_738 = arith.addf %reduce_sum3A_736, %add3A_737 : vector<400xf32>
    %logistic3A_739 = arith.negf %add3A_738 : vector<400xf32>
    %logistic3A_740 = math.exp %logistic3A_739 : vector<400xf32>
    %logistic3A_741 = arith.constant 1.000000e+00 : f32
    %logistic3A_742 = vector.broadcast %logistic3A_741 : f32 to vector<400xf32>
    %logistic3A_743 = arith.addf %logistic3A_742, %logistic3A_740 : vector<400xf32>
    %logistic3A_744 = arith.divf %logistic3A_742, %logistic3A_743 : vector<400xf32>
    %broadcast_in_dim3A_745 = vector.shape_cast %logistic3A_744 : vector<400xf32> to vector<400x1xf32>
    %swap3A_746 = arith.constant 0 : index
    %swap3A_747 = arith.constant 6 : index
    %swap3A_748 = vector.load %arg17[%swap3A_746, %swap3A_747] : memref<400x12xf32, #tpu.memory_space<vmem>>, vector<400x1xf32>
    tpu.vector_store %arg17[%swap3A_746, %swap3A_747], %broadcast_in_dim3A_745 {strides = array<i32>} : memref<400x12xf32, #tpu.memory_space<vmem>>, vector<400x1xf32>,
    %get3A_749 = arith.constant 0 : index
    %get3A_750 = arith.constant 7 : index
    %get3A_751 = arith.constant 0 : index
    %get3A_752 = vector.load %arg1[%get3A_749, %get3A_750, %get3A_751] : memref<400x12x128xf32, #tpu.memory_space<vmem>>, vector<400x1x128xf32>
    %get3A_753 = vector.shape_cast %get3A_752 : vector<400x1x128xf32> to vector<400x128xf32>
    %get3A_754 = arith.constant 0 : index
    %get3A_755 = arith.constant 7 : index
    %get3A_756 = arith.constant 0 : index
    %get3A_757 = arith.constant 0 : index
    %get3A_758 = vector.load %arg2[%get3A_754, %get3A_755, %get3A_756, %get3A_757] : memref<2x13x400x128xf32, #tpu.memory_space<vmem>>, vector<1x1x400x128xf32>
    %get3A_759 = vector.shape_cast %get3A_758 : vector<1x1x400x128xf32> to vector<400x128xf32>
    %get3A_760 = arith.constant 1 : index
    %get3A_761 = arith.constant 7 : index
    %get3A_762 = arith.constant 0 : index
    %get3A_763 = arith.constant 0 : index
    %get3A_764 = vector.load %arg2[%get3A_760, %get3A_761, %get3A_762, %get3A_763] : memref<2x13x400x128xf32, #tpu.memory_space<vmem>>, vector<1x1x400x128xf32>
    %get3A_765 = vector.shape_cast %get3A_764 : vector<1x1x400x128xf32> to vector<400x128xf32>
    %add3A_766 = arith.addf %get3A_759, %get3A_765 : vector<400x128xf32>
    %mul3A_767 = vector.broadcast %broadcast_in_dim3A : vector<400x1xf32> to vector<400x128xf32>
    %mul3A_768 = arith.mulf %add3A_766, %mul3A_767 : vector<400x128xf32>
    %dot_general3A_769 = arith.constant dense<0.000000e+00> : vector<400x128xf32>
    %dot_general3A_770 = tpu.matmul %mul3A_768, %get3A_17, %dot_general3A_769 {dimension_numbers = #tpu.dot_dimension_numbers<[1], [0], [0], [1], [0, 0, 1, 1], [], []>, transpose_lhs_hint = false} : vector<400x128xf32>, vector<128x128xf32>, vector<400x128xf32> -> vector<400x128xf32>
    %dot_general3A_771 = arith.constant dense<0.000000e+00> : vector<400x128xf32>
    %dot_general3A_772 = tpu.matmul %get3A_753, %get3A_20, %dot_general3A_771 {dimension_numbers = #tpu.dot_dimension_numbers<[1], [0], [0], [1], [0, 0, 1, 1], [], []>, transpose_lhs_hint = false} : vector<400x128xf32>, vector<128x128xf32>, vector<400x128xf32> -> vector<400x128xf32>
    %add3A_773 = arith.addf %dot_general3A_770, %dot_general3A_772 : vector<400x128xf32>
    %add3A_774 = vector.broadcast %get3A_54 : vector<1x128xf32> to vector<400x128xf32>
    %add3A_775 = arith.addf %add3A_773, %add3A_774 : vector<400x128xf32>
    %max3A_776 = arith.constant 0.000000e+00 : f32
    %max3A_777 = vector.broadcast %max3A_776 : f32 to vector<400x128xf32>
    %max3A_778 = arith.maximumf %add3A_775, %max3A_777 : vector<400x128xf32>
    %dot_general3A_779 = arith.constant dense<0.000000e+00> : vector<400x384xf32>
    %dot_general3A_780 = tpu.matmul %max3A_778, %get3A_23, %dot_general3A_779 {dimension_numbers = #tpu.dot_dimension_numbers<[1], [0], [0], [1], [0, 0, 1, 1], [], []>, transpose_lhs_hint = false} : vector<400x128xf32>, vector<128x384xf32>, vector<400x384xf32> -> vector<400x384xf32>
    %add3A_781 = vector.broadcast %get3A_29 : vector<1x384xf32> to vector<400x384xf32>
    %add3A_782 = arith.addf %dot_general3A_780, %add3A_781 : vector<400x384xf32>
    %dot_general3A_783 = arith.constant dense<0.000000e+00> : vector<400x384xf32>
    %dot_general3A_784 = tpu.matmul %add3A_715, %get3A_26, %dot_general3A_783 {dimension_numbers = #tpu.dot_dimension_numbers<[1], [0], [0], [1], [0, 0, 1, 1], [], []>, transpose_lhs_hint = false} : vector<400x128xf32>, vector<128x384xf32>, vector<400x384xf32> -> vector<400x384xf32>
    %add3A_785 = vector.broadcast %get3A_32 : vector<1x384xf32> to vector<400x384xf32>
    %add3A_786 = arith.addf %dot_general3A_784, %add3A_785 : vector<400x384xf32>
    %slice3A_787 = vector.extract_strided_slice %add3A_782 {offsets = [0, 0], sizes = [400, 128], strides = [1, 1]} : vector<400x384xf32> to vector<400x128xf32>
    %slice3A_788 = vector.extract_strided_slice %add3A_786 {offsets = [0, 0], sizes = [400, 128], strides = [1, 1]} : vector<400x384xf32> to vector<400x128xf32>
    %add3A_789 = arith.addf %slice3A_787, %slice3A_788 : vector<400x128xf32>
    %logistic3A_790 = arith.negf %add3A_789 : vector<400x128xf32>
    %logistic3A_791 = math.exp %logistic3A_790 : vector<400x128xf32>
    %logistic3A_792 = arith.constant 1.000000e+00 : f32
    %logistic3A_793 = vector.broadcast %logistic3A_792 : f32 to vector<400x128xf32>
    %logistic3A_794 = arith.addf %logistic3A_793, %logistic3A_791 : vector<400x128xf32>
    %logistic3A_795 = arith.divf %logistic3A_793, %logistic3A_794 : vector<400x128xf32>
    %slice3A_796 = vector.extract_strided_slice %add3A_782 {offsets = [0, 128], sizes = [400, 128], strides = [1, 1]} : vector<400x384xf32> to vector<400x128xf32>
    %slice3A_797 = vector.extract_strided_slice %add3A_786 {offsets = [0, 128], sizes = [400, 128], strides = [1, 1]} : vector<400x384xf32> to vector<400x128xf32>
    %add3A_798 = arith.addf %slice3A_796, %slice3A_797 : vector<400x128xf32>
    %logistic3A_799 = arith.negf %add3A_798 : vector<400x128xf32>
    %logistic3A_800 = math.exp %logistic3A_799 : vector<400x128xf32>
    %logistic3A_801 = arith.constant 1.000000e+00 : f32
    %logistic3A_802 = vector.broadcast %logistic3A_801 : f32 to vector<400x128xf32>
    %logistic3A_803 = arith.addf %logistic3A_802, %logistic3A_800 : vector<400x128xf32>
    %logistic3A_804 = arith.divf %logistic3A_802, %logistic3A_803 : vector<400x128xf32>
    %slice3A_805 = vector.extract_strided_slice %add3A_782 {offsets = [0, 256], sizes = [400, 128], strides = [1, 1]} : vector<400x384xf32> to vector<400x128xf32>
    %slice3A_806 = vector.extract_strided_slice %add3A_786 {offsets = [0, 256], sizes = [400, 128], strides = [1, 1]} : vector<400x384xf32> to vector<400x128xf32>
    %mul3A_807 = arith.mulf %logistic3A_795, %slice3A_806 : vector<400x128xf32>
    %add3A_808 = arith.addf %slice3A_805, %mul3A_807 : vector<400x128xf32>
    %tanh3A_809 = math.tanh %add3A_808 : vector<400x128xf32>
    %sub3A_810 = arith.constant 1.000000e+00 : f32
    %sub3A_811 = vector.broadcast %sub3A_810 : f32 to vector<400x128xf32>
    %sub3A_812 = arith.subf %sub3A_811, %logistic3A_804 : vector<400x128xf32>
    %mul3A_813 = arith.mulf %sub3A_812, %tanh3A_809 : vector<400x128xf32>
    %mul3A_814 = arith.mulf %logistic3A_804, %add3A_715 : vector<400x128xf32>
    %add3A_815 = arith.addf %mul3A_813, %mul3A_814 : vector<400x128xf32>
    %dot_general3A_816 = arith.constant dense<0.000000e+00> : vector<400x128xf32>
    %dot_general3A_817 = tpu.matmul %add3A_815, %get3A_35, %dot_general3A_816 {dimension_numbers = #tpu.dot_dimension_numbers<[1], [0], [0], [1], [0, 0, 1, 1], [], []>, transpose_lhs_hint = false} : vector<400x128xf32>, vector<128x128xf32>, vector<400x128xf32> -> vector<400x128xf32>
    %add3A_818 = vector.broadcast %get3A_38 : vector<1x128xf32> to vector<400x128xf32>
    %add3A_819 = arith.addf %dot_general3A_817, %add3A_818 : vector<400x128xf32>
    %swap3A_820 = arith.constant 0 : index
    %swap3A_821 = arith.constant 7 : index
    %swap3A_822 = arith.constant 0 : index
    %swap3A_823 = vector.load %arg16[%swap3A_820, %swap3A_821, %swap3A_822] : memref<400x12x128xf32, #tpu.memory_space<vmem>>, vector<400x1x128xf32>
    %swap3A_824 = vector.shape_cast %swap3A_823 : vector<400x1x128xf32> to vector<400x128xf32>
    %swap3A_825 = vector.shape_cast %add3A_819 : vector<400x128xf32> to vector<400x1x128xf32>
    tpu.vector_store %arg16[%swap3A_820, %swap3A_821, %swap3A_822], %swap3A_825 {strides = array<i32>} : memref<400x12x128xf32, #tpu.memory_space<vmem>>, vector<400x1x128xf32>,
    %dot_general3A_826 = arith.constant dense<0.000000e+00> : vector<400x64xf32>
    %dot_general3A_827 = tpu.matmul %add3A_815, %get3A_41, %dot_general3A_826 {dimension_numbers = #tpu.dot_dimension_numbers<[1], [0], [0], [1], [0, 0, 1, 1], [], []>, transpose_lhs_hint = false} : vector<400x128xf32>, vector<128x64xf32>, vector<400x64xf32> -> vector<400x64xf32>
    %add3A_828 = vector.broadcast %get3A_44 : vector<1x64xf32> to vector<400x64xf32>
    %add3A_829 = arith.addf %dot_general3A_827, %add3A_828 : vector<400x64xf32>
    %max3A_830 = arith.constant 0.000000e+00 : f32
    %max3A_831 = vector.broadcast %max3A_830 : f32 to vector<400x64xf32>
    %max3A_832 = arith.maximumf %add3A_829, %max3A_831 : vector<400x64xf32>
    %mul3A_833 = vector.broadcast %get3A_47 : vector<1x64xf32> to vector<400x64xf32>
    %mul3A_834 = arith.mulf %max3A_832, %mul3A_833 : vector<400x64xf32>
    %reduce_sum3A_835 = arith.constant dense<0.000000e+00> : vector<400xf32>
    %reduce_sum3A_836 = vector.multi_reduction <add>, %mul3A_834, %reduce_sum3A_835 [1] : vector<400x64xf32> to vector<400xf32>
    %add3A_837 = vector.broadcast %get3A_51 : f32 to vector<400xf32>
    %add3A_838 = arith.addf %reduce_sum3A_836, %add3A_837 : vector<400xf32>
    %logistic3A_839 = arith.negf %add3A_838 : vector<400xf32>
    %logistic3A_840 = math.exp %logistic3A_839 : vector<400xf32>
    %logistic3A_841 = arith.constant 1.000000e+00 : f32
    %logistic3A_842 = vector.broadcast %logistic3A_841 : f32 to vector<400xf32>
    %logistic3A_843 = arith.addf %logistic3A_842, %logistic3A_840 : vector<400xf32>
    %logistic3A_844 = arith.divf %logistic3A_842, %logistic3A_843 : vector<400xf32>
    %broadcast_in_dim3A_845 = vector.shape_cast %logistic3A_844 : vector<400xf32> to vector<400x1xf32>
    %swap3A_846 = arith.constant 0 : index
    %swap3A_847 = arith.constant 7 : index
    %swap3A_848 = vector.load %arg17[%swap3A_846, %swap3A_847] : memref<400x12xf32, #tpu.memory_space<vmem>>, vector<400x1xf32>
    tpu.vector_store %arg17[%swap3A_846, %swap3A_847], %broadcast_in_dim3A_845 {strides = array<i32>} : memref<400x12xf32, #tpu.memory_space<vmem>>, vector<400x1xf32>,
    %get3A_849 = arith.constant 0 : index
    %get3A_850 = arith.constant 8 : index
    %get3A_851 = arith.constant 0 : index
    %get3A_852 = vector.load %arg1[%get3A_849, %get3A_850, %get3A_851] : memref<400x12x128xf32, #tpu.memory_space<vmem>>, vector<400x1x128xf32>
    %get3A_853 = vector.shape_cast %get3A_852 : vector<400x1x128xf32> to vector<400x128xf32>
    %get3A_854 = arith.constant 0 : index
    %get3A_855 = arith.constant 8 : index
    %get3A_856 = arith.constant 0 : index
    %get3A_857 = arith.constant 0 : index
    %get3A_858 = vector.load %arg2[%get3A_854, %get3A_855, %get3A_856, %get3A_857] : memref<2x13x400x128xf32, #tpu.memory_space<vmem>>, vector<1x1x400x128xf32>
    %get3A_859 = vector.shape_cast %get3A_858 : vector<1x1x400x128xf32> to vector<400x128xf32>
    %get3A_860 = arith.constant 1 : index
    %get3A_861 = arith.constant 8 : index
    %get3A_862 = arith.constant 0 : index
    %get3A_863 = arith.constant 0 : index
    %get3A_864 = vector.load %arg2[%get3A_860, %get3A_861, %get3A_862, %get3A_863] : memref<2x13x400x128xf32, #tpu.memory_space<vmem>>, vector<1x1x400x128xf32>
    %get3A_865 = vector.shape_cast %get3A_864 : vector<1x1x400x128xf32> to vector<400x128xf32>
    %add3A_866 = arith.addf %get3A_859, %get3A_865 : vector<400x128xf32>
    %mul3A_867 = vector.broadcast %broadcast_in_dim3A : vector<400x1xf32> to vector<400x128xf32>
    %mul3A_868 = arith.mulf %add3A_866, %mul3A_867 : vector<400x128xf32>
    %dot_general3A_869 = arith.constant dense<0.000000e+00> : vector<400x128xf32>
    %dot_general3A_870 = tpu.matmul %mul3A_868, %get3A_17, %dot_general3A_869 {dimension_numbers = #tpu.dot_dimension_numbers<[1], [0], [0], [1], [0, 0, 1, 1], [], []>, transpose_lhs_hint = false} : vector<400x128xf32>, vector<128x128xf32>, vector<400x128xf32> -> vector<400x128xf32>
    %dot_general3A_871 = arith.constant dense<0.000000e+00> : vector<400x128xf32>
    %dot_general3A_872 = tpu.matmul %get3A_853, %get3A_20, %dot_general3A_871 {dimension_numbers = #tpu.dot_dimension_numbers<[1], [0], [0], [1], [0, 0, 1, 1], [], []>, transpose_lhs_hint = false} : vector<400x128xf32>, vector<128x128xf32>, vector<400x128xf32> -> vector<400x128xf32>
    %add3A_873 = arith.addf %dot_general3A_870, %dot_general3A_872 : vector<400x128xf32>
    %add3A_874 = vector.broadcast %get3A_54 : vector<1x128xf32> to vector<400x128xf32>
    %add3A_875 = arith.addf %add3A_873, %add3A_874 : vector<400x128xf32>
    %max3A_876 = arith.constant 0.000000e+00 : f32
    %max3A_877 = vector.broadcast %max3A_876 : f32 to vector<400x128xf32>
    %max3A_878 = arith.maximumf %add3A_875, %max3A_877 : vector<400x128xf32>
    %dot_general3A_879 = arith.constant dense<0.000000e+00> : vector<400x384xf32>
    %dot_general3A_880 = tpu.matmul %max3A_878, %get3A_23, %dot_general3A_879 {dimension_numbers = #tpu.dot_dimension_numbers<[1], [0], [0], [1], [0, 0, 1, 1], [], []>, transpose_lhs_hint = false} : vector<400x128xf32>, vector<128x384xf32>, vector<400x384xf32> -> vector<400x384xf32>
    %add3A_881 = vector.broadcast %get3A_29 : vector<1x384xf32> to vector<400x384xf32>
    %add3A_882 = arith.addf %dot_general3A_880, %add3A_881 : vector<400x384xf32>
    %dot_general3A_883 = arith.constant dense<0.000000e+00> : vector<400x384xf32>
    %dot_general3A_884 = tpu.matmul %add3A_815, %get3A_26, %dot_general3A_883 {dimension_numbers = #tpu.dot_dimension_numbers<[1], [0], [0], [1], [0, 0, 1, 1], [], []>, transpose_lhs_hint = false} : vector<400x128xf32>, vector<128x384xf32>, vector<400x384xf32> -> vector<400x384xf32>
    %add3A_885 = vector.broadcast %get3A_32 : vector<1x384xf32> to vector<400x384xf32>
    %add3A_886 = arith.addf %dot_general3A_884, %add3A_885 : vector<400x384xf32>
    %slice3A_887 = vector.extract_strided_slice %add3A_882 {offsets = [0, 0], sizes = [400, 128], strides = [1, 1]} : vector<400x384xf32> to vector<400x128xf32>
    %slice3A_888 = vector.extract_strided_slice %add3A_886 {offsets = [0, 0], sizes = [400, 128], strides = [1, 1]} : vector<400x384xf32> to vector<400x128xf32>
    %add3A_889 = arith.addf %slice3A_887, %slice3A_888 : vector<400x128xf32>
    %logistic3A_890 = arith.negf %add3A_889 : vector<400x128xf32>
    %logistic3A_891 = math.exp %logistic3A_890 : vector<400x128xf32>
    %logistic3A_892 = arith.constant 1.000000e+00 : f32
    %logistic3A_893 = vector.broadcast %logistic3A_892 : f32 to vector<400x128xf32>
    %logistic3A_894 = arith.addf %logistic3A_893, %logistic3A_891 : vector<400x128xf32>
    %logistic3A_895 = arith.divf %logistic3A_893, %logistic3A_894 : vector<400x128xf32>
    %slice3A_896 = vector.extract_strided_slice %add3A_882 {offsets = [0, 128], sizes = [400, 128], strides = [1, 1]} : vector<400x384xf32> to vector<400x128xf32>
    %slice3A_897 = vector.extract_strided_slice %add3A_886 {offsets = [0, 128], sizes = [400, 128], strides = [1, 1]} : vector<400x384xf32> to vector<400x128xf32>
    %add3A_898 = arith.addf %slice3A_896, %slice3A_897 : vector<400x128xf32>
    %logistic3A_899 = arith.negf %add3A_898 : vector<400x128xf32>
    %logistic3A_900 = math.exp %logistic3A_899 : vector<400x128xf32>
    %logistic3A_901 = arith.constant 1.000000e+00 : f32
    %logistic3A_902 = vector.broadcast %logistic3A_901 : f32 to vector<400x128xf32>
    %logistic3A_903 = arith.addf %logistic3A_902, %logistic3A_900 : vector<400x128xf32>
    %logistic3A_904 = arith.divf %logistic3A_902, %logistic3A_903 : vector<400x128xf32>
    %slice3A_905 = vector.extract_strided_slice %add3A_882 {offsets = [0, 256], sizes = [400, 128], strides = [1, 1]} : vector<400x384xf32> to vector<400x128xf32>
    %slice3A_906 = vector.extract_strided_slice %add3A_886 {offsets = [0, 256], sizes = [400, 128], strides = [1, 1]} : vector<400x384xf32> to vector<400x128xf32>
    %mul3A_907 = arith.mulf %logistic3A_895, %slice3A_906 : vector<400x128xf32>
    %add3A_908 = arith.addf %slice3A_905, %mul3A_907 : vector<400x128xf32>
    %tanh3A_909 = math.tanh %add3A_908 : vector<400x128xf32>
    %sub3A_910 = arith.constant 1.000000e+00 : f32
    %sub3A_911 = vector.broadcast %sub3A_910 : f32 to vector<400x128xf32>
    %sub3A_912 = arith.subf %sub3A_911, %logistic3A_904 : vector<400x128xf32>
    %mul3A_913 = arith.mulf %sub3A_912, %tanh3A_909 : vector<400x128xf32>
    %mul3A_914 = arith.mulf %logistic3A_904, %add3A_815 : vector<400x128xf32>
    %add3A_915 = arith.addf %mul3A_913, %mul3A_914 : vector<400x128xf32>
    %dot_general3A_916 = arith.constant dense<0.000000e+00> : vector<400x128xf32>
    %dot_general3A_917 = tpu.matmul %add3A_915, %get3A_35, %dot_general3A_916 {dimension_numbers = #tpu.dot_dimension_numbers<[1], [0], [0], [1], [0, 0, 1, 1], [], []>, transpose_lhs_hint = false} : vector<400x128xf32>, vector<128x128xf32>, vector<400x128xf32> -> vector<400x128xf32>
    %add3A_918 = vector.broadcast %get3A_38 : vector<1x128xf32> to vector<400x128xf32>
    %add3A_919 = arith.addf %dot_general3A_917, %add3A_918 : vector<400x128xf32>
    %swap3A_920 = arith.constant 0 : index
    %swap3A_921 = arith.constant 8 : index
    %swap3A_922 = arith.constant 0 : index
    %swap3A_923 = vector.load %arg16[%swap3A_920, %swap3A_921, %swap3A_922] : memref<400x12x128xf32, #tpu.memory_space<vmem>>, vector<400x1x128xf32>
    %swap3A_924 = vector.shape_cast %swap3A_923 : vector<400x1x128xf32> to vector<400x128xf32>
    %swap3A_925 = vector.shape_cast %add3A_919 : vector<400x128xf32> to vector<400x1x128xf32>
    tpu.vector_store %arg16[%swap3A_920, %swap3A_921, %swap3A_922], %swap3A_925 {strides = array<i32>} : memref<400x12x128xf32, #tpu.memory_space<vmem>>, vector<400x1x128xf32>,
    %dot_general3A_926 = arith.constant dense<0.000000e+00> : vector<400x64xf32>
    %dot_general3A_927 = tpu.matmul %add3A_915, %get3A_41, %dot_general3A_926 {dimension_numbers = #tpu.dot_dimension_numbers<[1], [0], [0], [1], [0, 0, 1, 1], [], []>, transpose_lhs_hint = false} : vector<400x128xf32>, vector<128x64xf32>, vector<400x64xf32> -> vector<400x64xf32>
    %add3A_928 = vector.broadcast %get3A_44 : vector<1x64xf32> to vector<400x64xf32>
    %add3A_929 = arith.addf %dot_general3A_927, %add3A_928 : vector<400x64xf32>
    %max3A_930 = arith.constant 0.000000e+00 : f32
    %max3A_931 = vector.broadcast %max3A_930 : f32 to vector<400x64xf32>
    %max3A_932 = arith.maximumf %add3A_929, %max3A_931 : vector<400x64xf32>
    %mul3A_933 = vector.broadcast %get3A_47 : vector<1x64xf32> to vector<400x64xf32>
    %mul3A_934 = arith.mulf %max3A_932, %mul3A_933 : vector<400x64xf32>
    %reduce_sum3A_935 = arith.constant dense<0.000000e+00> : vector<400xf32>
    %reduce_sum3A_936 = vector.multi_reduction <add>, %mul3A_934, %reduce_sum3A_935 [1] : vector<400x64xf32> to vector<400xf32>
    %add3A_937 = vector.broadcast %get3A_51 : f32 to vector<400xf32>
    %add3A_938 = arith.addf %reduce_sum3A_936, %add3A_937 : vector<400xf32>
    %logistic3A_939 = arith.negf %add3A_938 : vector<400xf32>
    %logistic3A_940 = math.exp %logistic3A_939 : vector<400xf32>
    %logistic3A_941 = arith.constant 1.000000e+00 : f32
    %logistic3A_942 = vector.broadcast %logistic3A_941 : f32 to vector<400xf32>
    %logistic3A_943 = arith.addf %logistic3A_942, %logistic3A_940 : vector<400xf32>
    %logistic3A_944 = arith.divf %logistic3A_942, %logistic3A_943 : vector<400xf32>
    %broadcast_in_dim3A_945 = vector.shape_cast %logistic3A_944 : vector<400xf32> to vector<400x1xf32>
    %swap3A_946 = arith.constant 0 : index
    %swap3A_947 = arith.constant 8 : index
    %swap3A_948 = vector.load %arg17[%swap3A_946, %swap3A_947] : memref<400x12xf32, #tpu.memory_space<vmem>>, vector<400x1xf32>
    tpu.vector_store %arg17[%swap3A_946, %swap3A_947], %broadcast_in_dim3A_945 {strides = array<i32>} : memref<400x12xf32, #tpu.memory_space<vmem>>, vector<400x1xf32>,
    %get3A_949 = arith.constant 0 : index
    %get3A_950 = arith.constant 9 : index
    %get3A_951 = arith.constant 0 : index
    %get3A_952 = vector.load %arg1[%get3A_949, %get3A_950, %get3A_951] : memref<400x12x128xf32, #tpu.memory_space<vmem>>, vector<400x1x128xf32>
    %get3A_953 = vector.shape_cast %get3A_952 : vector<400x1x128xf32> to vector<400x128xf32>
    %get3A_954 = arith.constant 0 : index
    %get3A_955 = arith.constant 9 : index
    %get3A_956 = arith.constant 0 : index
    %get3A_957 = arith.constant 0 : index
    %get3A_958 = vector.load %arg2[%get3A_954, %get3A_955, %get3A_956, %get3A_957] : memref<2x13x400x128xf32, #tpu.memory_space<vmem>>, vector<1x1x400x128xf32>
    %get3A_959 = vector.shape_cast %get3A_958 : vector<1x1x400x128xf32> to vector<400x128xf32>
    %get3A_960 = arith.constant 1 : index
    %get3A_961 = arith.constant 9 : index
    %get3A_962 = arith.constant 0 : index
    %get3A_963 = arith.constant 0 : index
    %get3A_964 = vector.load %arg2[%get3A_960, %get3A_961, %get3A_962, %get3A_963] : memref<2x13x400x128xf32, #tpu.memory_space<vmem>>, vector<1x1x400x128xf32>
    %get3A_965 = vector.shape_cast %get3A_964 : vector<1x1x400x128xf32> to vector<400x128xf32>
    %add3A_966 = arith.addf %get3A_959, %get3A_965 : vector<400x128xf32>
    %mul3A_967 = vector.broadcast %broadcast_in_dim3A : vector<400x1xf32> to vector<400x128xf32>
    %mul3A_968 = arith.mulf %add3A_966, %mul3A_967 : vector<400x128xf32>
    %dot_general3A_969 = arith.constant dense<0.000000e+00> : vector<400x128xf32>
    %dot_general3A_970 = tpu.matmul %mul3A_968, %get3A_17, %dot_general3A_969 {dimension_numbers = #tpu.dot_dimension_numbers<[1], [0], [0], [1], [0, 0, 1, 1], [], []>, transpose_lhs_hint = false} : vector<400x128xf32>, vector<128x128xf32>, vector<400x128xf32> -> vector<400x128xf32>
    %dot_general3A_971 = arith.constant dense<0.000000e+00> : vector<400x128xf32>
    %dot_general3A_972 = tpu.matmul %get3A_953, %get3A_20, %dot_general3A_971 {dimension_numbers = #tpu.dot_dimension_numbers<[1], [0], [0], [1], [0, 0, 1, 1], [], []>, transpose_lhs_hint = false} : vector<400x128xf32>, vector<128x128xf32>, vector<400x128xf32> -> vector<400x128xf32>
    %add3A_973 = arith.addf %dot_general3A_970, %dot_general3A_972 : vector<400x128xf32>
    %add3A_974 = vector.broadcast %get3A_54 : vector<1x128xf32> to vector<400x128xf32>
    %add3A_975 = arith.addf %add3A_973, %add3A_974 : vector<400x128xf32>
    %max3A_976 = arith.constant 0.000000e+00 : f32
    %max3A_977 = vector.broadcast %max3A_976 : f32 to vector<400x128xf32>
    %max3A_978 = arith.maximumf %add3A_975, %max3A_977 : vector<400x128xf32>
    %dot_general3A_979 = arith.constant dense<0.000000e+00> : vector<400x384xf32>
    %dot_general3A_980 = tpu.matmul %max3A_978, %get3A_23, %dot_general3A_979 {dimension_numbers = #tpu.dot_dimension_numbers<[1], [0], [0], [1], [0, 0, 1, 1], [], []>, transpose_lhs_hint = false} : vector<400x128xf32>, vector<128x384xf32>, vector<400x384xf32> -> vector<400x384xf32>
    %add3A_981 = vector.broadcast %get3A_29 : vector<1x384xf32> to vector<400x384xf32>
    %add3A_982 = arith.addf %dot_general3A_980, %add3A_981 : vector<400x384xf32>
    %dot_general3A_983 = arith.constant dense<0.000000e+00> : vector<400x384xf32>
    %dot_general3A_984 = tpu.matmul %add3A_915, %get3A_26, %dot_general3A_983 {dimension_numbers = #tpu.dot_dimension_numbers<[1], [0], [0], [1], [0, 0, 1, 1], [], []>, transpose_lhs_hint = false} : vector<400x128xf32>, vector<128x384xf32>, vector<400x384xf32> -> vector<400x384xf32>
    %add3A_985 = vector.broadcast %get3A_32 : vector<1x384xf32> to vector<400x384xf32>
    %add3A_986 = arith.addf %dot_general3A_984, %add3A_985 : vector<400x384xf32>
    %slice3A_987 = vector.extract_strided_slice %add3A_982 {offsets = [0, 0], sizes = [400, 128], strides = [1, 1]} : vector<400x384xf32> to vector<400x128xf32>
    %slice3A_988 = vector.extract_strided_slice %add3A_986 {offsets = [0, 0], sizes = [400, 128], strides = [1, 1]} : vector<400x384xf32> to vector<400x128xf32>
    %add3A_989 = arith.addf %slice3A_987, %slice3A_988 : vector<400x128xf32>
    %logistic3A_990 = arith.negf %add3A_989 : vector<400x128xf32>
    %logistic3A_991 = math.exp %logistic3A_990 : vector<400x128xf32>
    %logistic3A_992 = arith.constant 1.000000e+00 : f32
    %logistic3A_993 = vector.broadcast %logistic3A_992 : f32 to vector<400x128xf32>
    %logistic3A_994 = arith.addf %logistic3A_993, %logistic3A_991 : vector<400x128xf32>
    %logistic3A_995 = arith.divf %logistic3A_993, %logistic3A_994 : vector<400x128xf32>
    %slice3A_996 = vector.extract_strided_slice %add3A_982 {offsets = [0, 128], sizes = [400, 128], strides = [1, 1]} : vector<400x384xf32> to vector<400x128xf32>
    %slice3A_997 = vector.extract_strided_slice %add3A_986 {offsets = [0, 128], sizes = [400, 128], strides = [1, 1]} : vector<400x384xf32> to vector<400x128xf32>
    %add3A_998 = arith.addf %slice3A_996, %slice3A_997 : vector<400x128xf32>
    %logistic3A_999 = arith.negf %add3A_998 : vector<400x128xf32>
    %logistic3A_1000 = math.exp %logistic3A_999 : vector<400x128xf32>
    %logistic3A_1001 = arith.constant 1.000000e+00 : f32
    %logistic3A_1002 = vector.broadcast %logistic3A_1001 : f32 to vector<400x128xf32>
    %logistic3A_1003 = arith.addf %logistic3A_1002, %logistic3A_1000 : vector<400x128xf32>
    %logistic3A_1004 = arith.divf %logistic3A_1002, %logistic3A_1003 : vector<400x128xf32>
    %slice3A_1005 = vector.extract_strided_slice %add3A_982 {offsets = [0, 256], sizes = [400, 128], strides = [1, 1]} : vector<400x384xf32> to vector<400x128xf32>
    %slice3A_1006 = vector.extract_strided_slice %add3A_986 {offsets = [0, 256], sizes = [400, 128], strides = [1, 1]} : vector<400x384xf32> to vector<400x128xf32>
    %mul3A_1007 = arith.mulf %logistic3A_995, %slice3A_1006 : vector<400x128xf32>
    %add3A_1008 = arith.addf %slice3A_1005, %mul3A_1007 : vector<400x128xf32>
    %tanh3A_1009 = math.tanh %add3A_1008 : vector<400x128xf32>
    %sub3A_1010 = arith.constant 1.000000e+00 : f32
    %sub3A_1011 = vector.broadcast %sub3A_1010 : f32 to vector<400x128xf32>
    %sub3A_1012 = arith.subf %sub3A_1011, %logistic3A_1004 : vector<400x128xf32>
    %mul3A_1013 = arith.mulf %sub3A_1012, %tanh3A_1009 : vector<400x128xf32>
    %mul3A_1014 = arith.mulf %logistic3A_1004, %add3A_915 : vector<400x128xf32>
    %add3A_1015 = arith.addf %mul3A_1013, %mul3A_1014 : vector<400x128xf32>
    %dot_general3A_1016 = arith.constant dense<0.000000e+00> : vector<400x128xf32>
    %dot_general3A_1017 = tpu.matmul %add3A_1015, %get3A_35, %dot_general3A_1016 {dimension_numbers = #tpu.dot_dimension_numbers<[1], [0], [0], [1], [0, 0, 1, 1], [], []>, transpose_lhs_hint = false} : vector<400x128xf32>, vector<128x128xf32>, vector<400x128xf32> -> vector<400x128xf32>
    %add3A_1018 = vector.broadcast %get3A_38 : vector<1x128xf32> to vector<400x128xf32>
    %add3A_1019 = arith.addf %dot_general3A_1017, %add3A_1018 : vector<400x128xf32>
    %swap3A_1020 = arith.constant 0 : index
    %swap3A_1021 = arith.constant 9 : index
    %swap3A_1022 = arith.constant 0 : index
    %swap3A_1023 = vector.load %arg16[%swap3A_1020, %swap3A_1021, %swap3A_1022] : memref<400x12x128xf32, #tpu.memory_space<vmem>>, vector<400x1x128xf32>
    %swap3A_1024 = vector.shape_cast %swap3A_1023 : vector<400x1x128xf32> to vector<400x128xf32>
    %swap3A_1025 = vector.shape_cast %add3A_1019 : vector<400x128xf32> to vector<400x1x128xf32>
    tpu.vector_store %arg16[%swap3A_1020, %swap3A_1021, %swap3A_1022], %swap3A_1025 {strides = array<i32>} : memref<400x12x128xf32, #tpu.memory_space<vmem>>, vector<400x1x128xf32>,
    %dot_general3A_1026 = arith.constant dense<0.000000e+00> : vector<400x64xf32>
    %dot_general3A_1027 = tpu.matmul %add3A_1015, %get3A_41, %dot_general3A_1026 {dimension_numbers = #tpu.dot_dimension_numbers<[1], [0], [0], [1], [0, 0, 1, 1], [], []>, transpose_lhs_hint = false} : vector<400x128xf32>, vector<128x64xf32>, vector<400x64xf32> -> vector<400x64xf32>
    %add3A_1028 = vector.broadcast %get3A_44 : vector<1x64xf32> to vector<400x64xf32>
    %add3A_1029 = arith.addf %dot_general3A_1027, %add3A_1028 : vector<400x64xf32>
    %max3A_1030 = arith.constant 0.000000e+00 : f32
    %max3A_1031 = vector.broadcast %max3A_1030 : f32 to vector<400x64xf32>
    %max3A_1032 = arith.maximumf %add3A_1029, %max3A_1031 : vector<400x64xf32>
    %mul3A_1033 = vector.broadcast %get3A_47 : vector<1x64xf32> to vector<400x64xf32>
    %mul3A_1034 = arith.mulf %max3A_1032, %mul3A_1033 : vector<400x64xf32>
    %reduce_sum3A_1035 = arith.constant dense<0.000000e+00> : vector<400xf32>
    %reduce_sum3A_1036 = vector.multi_reduction <add>, %mul3A_1034, %reduce_sum3A_1035 [1] : vector<400x64xf32> to vector<400xf32>
    %add3A_1037 = vector.broadcast %get3A_51 : f32 to vector<400xf32>
    %add3A_1038 = arith.addf %reduce_sum3A_1036, %add3A_1037 : vector<400xf32>
    %logistic3A_1039 = arith.negf %add3A_1038 : vector<400xf32>
    %logistic3A_1040 = math.exp %logistic3A_1039 : vector<400xf32>
    %logistic3A_1041 = arith.constant 1.000000e+00 : f32
    %logistic3A_1042 = vector.broadcast %logistic3A_1041 : f32 to vector<400xf32>
    %logistic3A_1043 = arith.addf %logistic3A_1042, %logistic3A_1040 : vector<400xf32>
    %logistic3A_1044 = arith.divf %logistic3A_1042, %logistic3A_1043 : vector<400xf32>
    %broadcast_in_dim3A_1045 = vector.shape_cast %logistic3A_1044 : vector<400xf32> to vector<400x1xf32>
    %swap3A_1046 = arith.constant 0 : index
    %swap3A_1047 = arith.constant 9 : index
    %swap3A_1048 = vector.load %arg17[%swap3A_1046, %swap3A_1047] : memref<400x12xf32, #tpu.memory_space<vmem>>, vector<400x1xf32>
    tpu.vector_store %arg17[%swap3A_1046, %swap3A_1047], %broadcast_in_dim3A_1045 {strides = array<i32>} : memref<400x12xf32, #tpu.memory_space<vmem>>, vector<400x1xf32>,
    %get3A_1049 = arith.constant 0 : index
    %get3A_1050 = arith.constant 10 : index
    %get3A_1051 = arith.constant 0 : index
    %get3A_1052 = vector.load %arg1[%get3A_1049, %get3A_1050, %get3A_1051] : memref<400x12x128xf32, #tpu.memory_space<vmem>>, vector<400x1x128xf32>
    %get3A_1053 = vector.shape_cast %get3A_1052 : vector<400x1x128xf32> to vector<400x128xf32>
    %get3A_1054 = arith.constant 0 : index
    %get3A_1055 = arith.constant 10 : index
    %get3A_1056 = arith.constant 0 : index
    %get3A_1057 = arith.constant 0 : index
    %get3A_1058 = vector.load %arg2[%get3A_1054, %get3A_1055, %get3A_1056, %get3A_1057] : memref<2x13x400x128xf32, #tpu.memory_space<vmem>>, vector<1x1x400x128xf32>
    %get3A_1059 = vector.shape_cast %get3A_1058 : vector<1x1x400x128xf32> to vector<400x128xf32>
    %get3A_1060 = arith.constant 1 : index
    %get3A_1061 = arith.constant 10 : index
    %get3A_1062 = arith.constant 0 : index
    %get3A_1063 = arith.constant 0 : index
    %get3A_1064 = vector.load %arg2[%get3A_1060, %get3A_1061, %get3A_1062, %get3A_1063] : memref<2x13x400x128xf32, #tpu.memory_space<vmem>>, vector<1x1x400x128xf32>
    %get3A_1065 = vector.shape_cast %get3A_1064 : vector<1x1x400x128xf32> to vector<400x128xf32>
    %add3A_1066 = arith.addf %get3A_1059, %get3A_1065 : vector<400x128xf32>
    %mul3A_1067 = vector.broadcast %broadcast_in_dim3A : vector<400x1xf32> to vector<400x128xf32>
    %mul3A_1068 = arith.mulf %add3A_1066, %mul3A_1067 : vector<400x128xf32>
    %dot_general3A_1069 = arith.constant dense<0.000000e+00> : vector<400x128xf32>
    %dot_general3A_1070 = tpu.matmul %mul3A_1068, %get3A_17, %dot_general3A_1069 {dimension_numbers = #tpu.dot_dimension_numbers<[1], [0], [0], [1], [0, 0, 1, 1], [], []>, transpose_lhs_hint = false} : vector<400x128xf32>, vector<128x128xf32>, vector<400x128xf32> -> vector<400x128xf32>
    %dot_general3A_1071 = arith.constant dense<0.000000e+00> : vector<400x128xf32>
    %dot_general3A_1072 = tpu.matmul %get3A_1053, %get3A_20, %dot_general3A_1071 {dimension_numbers = #tpu.dot_dimension_numbers<[1], [0], [0], [1], [0, 0, 1, 1], [], []>, transpose_lhs_hint = false} : vector<400x128xf32>, vector<128x128xf32>, vector<400x128xf32> -> vector<400x128xf32>
    %add3A_1073 = arith.addf %dot_general3A_1070, %dot_general3A_1072 : vector<400x128xf32>
    %add3A_1074 = vector.broadcast %get3A_54 : vector<1x128xf32> to vector<400x128xf32>
    %add3A_1075 = arith.addf %add3A_1073, %add3A_1074 : vector<400x128xf32>
    %max3A_1076 = arith.constant 0.000000e+00 : f32
    %max3A_1077 = vector.broadcast %max3A_1076 : f32 to vector<400x128xf32>
    %max3A_1078 = arith.maximumf %add3A_1075, %max3A_1077 : vector<400x128xf32>
    %dot_general3A_1079 = arith.constant dense<0.000000e+00> : vector<400x384xf32>
    %dot_general3A_1080 = tpu.matmul %max3A_1078, %get3A_23, %dot_general3A_1079 {dimension_numbers = #tpu.dot_dimension_numbers<[1], [0], [0], [1], [0, 0, 1, 1], [], []>, transpose_lhs_hint = false} : vector<400x128xf32>, vector<128x384xf32>, vector<400x384xf32> -> vector<400x384xf32>
    %add3A_1081 = vector.broadcast %get3A_29 : vector<1x384xf32> to vector<400x384xf32>
    %add3A_1082 = arith.addf %dot_general3A_1080, %add3A_1081 : vector<400x384xf32>
    %dot_general3A_1083 = arith.constant dense<0.000000e+00> : vector<400x384xf32>
    %dot_general3A_1084 = tpu.matmul %add3A_1015, %get3A_26, %dot_general3A_1083 {dimension_numbers = #tpu.dot_dimension_numbers<[1], [0], [0], [1], [0, 0, 1, 1], [], []>, transpose_lhs_hint = false} : vector<400x128xf32>, vector<128x384xf32>, vector<400x384xf32> -> vector<400x384xf32>
    %add3A_1085 = vector.broadcast %get3A_32 : vector<1x384xf32> to vector<400x384xf32>
    %add3A_1086 = arith.addf %dot_general3A_1084, %add3A_1085 : vector<400x384xf32>
    %slice3A_1087 = vector.extract_strided_slice %add3A_1082 {offsets = [0, 0], sizes = [400, 128], strides = [1, 1]} : vector<400x384xf32> to vector<400x128xf32>
    %slice3A_1088 = vector.extract_strided_slice %add3A_1086 {offsets = [0, 0], sizes = [400, 128], strides = [1, 1]} : vector<400x384xf32> to vector<400x128xf32>
    %add3A_1089 = arith.addf %slice3A_1087, %slice3A_1088 : vector<400x128xf32>
    %logistic3A_1090 = arith.negf %add3A_1089 : vector<400x128xf32>
    %logistic3A_1091 = math.exp %logistic3A_1090 : vector<400x128xf32>
    %logistic3A_1092 = arith.constant 1.000000e+00 : f32
    %logistic3A_1093 = vector.broadcast %logistic3A_1092 : f32 to vector<400x128xf32>
    %logistic3A_1094 = arith.addf %logistic3A_1093, %logistic3A_1091 : vector<400x128xf32>
    %logistic3A_1095 = arith.divf %logistic3A_1093, %logistic3A_1094 : vector<400x128xf32>
    %slice3A_1096 = vector.extract_strided_slice %add3A_1082 {offsets = [0, 128], sizes = [400, 128], strides = [1, 1]} : vector<400x384xf32> to vector<400x128xf32>
    %slice3A_1097 = vector.extract_strided_slice %add3A_1086 {offsets = [0, 128], sizes = [400, 128], strides = [1, 1]} : vector<400x384xf32> to vector<400x128xf32>
    %add3A_1098 = arith.addf %slice3A_1096, %slice3A_1097 : vector<400x128xf32>
    %logistic3A_1099 = arith.negf %add3A_1098 : vector<400x128xf32>
    %logistic3A_1100 = math.exp %logistic3A_1099 : vector<400x128xf32>
    %logistic3A_1101 = arith.constant 1.000000e+00 : f32
    %logistic3A_1102 = vector.broadcast %logistic3A_1101 : f32 to vector<400x128xf32>
    %logistic3A_1103 = arith.addf %logistic3A_1102, %logistic3A_1100 : vector<400x128xf32>
    %logistic3A_1104 = arith.divf %logistic3A_1102, %logistic3A_1103 : vector<400x128xf32>
    %slice3A_1105 = vector.extract_strided_slice %add3A_1082 {offsets = [0, 256], sizes = [400, 128], strides = [1, 1]} : vector<400x384xf32> to vector<400x128xf32>
    %slice3A_1106 = vector.extract_strided_slice %add3A_1086 {offsets = [0, 256], sizes = [400, 128], strides = [1, 1]} : vector<400x384xf32> to vector<400x128xf32>
    %mul3A_1107 = arith.mulf %logistic3A_1095, %slice3A_1106 : vector<400x128xf32>
    %add3A_1108 = arith.addf %slice3A_1105, %mul3A_1107 : vector<400x128xf32>
    %tanh3A_1109 = math.tanh %add3A_1108 : vector<400x128xf32>
    %sub3A_1110 = arith.constant 1.000000e+00 : f32
    %sub3A_1111 = vector.broadcast %sub3A_1110 : f32 to vector<400x128xf32>
    %sub3A_1112 = arith.subf %sub3A_1111, %logistic3A_1104 : vector<400x128xf32>
    %mul3A_1113 = arith.mulf %sub3A_1112, %tanh3A_1109 : vector<400x128xf32>
    %mul3A_1114 = arith.mulf %logistic3A_1104, %add3A_1015 : vector<400x128xf32>
    %add3A_1115 = arith.addf %mul3A_1113, %mul3A_1114 : vector<400x128xf32>
    %dot_general3A_1116 = arith.constant dense<0.000000e+00> : vector<400x128xf32>
    %dot_general3A_1117 = tpu.matmul %add3A_1115, %get3A_35, %dot_general3A_1116 {dimension_numbers = #tpu.dot_dimension_numbers<[1], [0], [0], [1], [0, 0, 1, 1], [], []>, transpose_lhs_hint = false} : vector<400x128xf32>, vector<128x128xf32>, vector<400x128xf32> -> vector<400x128xf32>
    %add3A_1118 = vector.broadcast %get3A_38 : vector<1x128xf32> to vector<400x128xf32>
    %add3A_1119 = arith.addf %dot_general3A_1117, %add3A_1118 : vector<400x128xf32>
    %swap3A_1120 = arith.constant 0 : index
    %swap3A_1121 = arith.constant 10 : index
    %swap3A_1122 = arith.constant 0 : index
    %swap3A_1123 = vector.load %arg16[%swap3A_1120, %swap3A_1121, %swap3A_1122] : memref<400x12x128xf32, #tpu.memory_space<vmem>>, vector<400x1x128xf32>
    %swap3A_1124 = vector.shape_cast %swap3A_1123 : vector<400x1x128xf32> to vector<400x128xf32>
    %swap3A_1125 = vector.shape_cast %add3A_1119 : vector<400x128xf32> to vector<400x1x128xf32>
    tpu.vector_store %arg16[%swap3A_1120, %swap3A_1121, %swap3A_1122], %swap3A_1125 {strides = array<i32>} : memref<400x12x128xf32, #tpu.memory_space<vmem>>, vector<400x1x128xf32>,
    %dot_general3A_1126 = arith.constant dense<0.000000e+00> : vector<400x64xf32>
    %dot_general3A_1127 = tpu.matmul %add3A_1115, %get3A_41, %dot_general3A_1126 {dimension_numbers = #tpu.dot_dimension_numbers<[1], [0], [0], [1], [0, 0, 1, 1], [], []>, transpose_lhs_hint = false} : vector<400x128xf32>, vector<128x64xf32>, vector<400x64xf32> -> vector<400x64xf32>
    %add3A_1128 = vector.broadcast %get3A_44 : vector<1x64xf32> to vector<400x64xf32>
    %add3A_1129 = arith.addf %dot_general3A_1127, %add3A_1128 : vector<400x64xf32>
    %max3A_1130 = arith.constant 0.000000e+00 : f32
    %max3A_1131 = vector.broadcast %max3A_1130 : f32 to vector<400x64xf32>
    %max3A_1132 = arith.maximumf %add3A_1129, %max3A_1131 : vector<400x64xf32>
    %mul3A_1133 = vector.broadcast %get3A_47 : vector<1x64xf32> to vector<400x64xf32>
    %mul3A_1134 = arith.mulf %max3A_1132, %mul3A_1133 : vector<400x64xf32>
    %reduce_sum3A_1135 = arith.constant dense<0.000000e+00> : vector<400xf32>
    %reduce_sum3A_1136 = vector.multi_reduction <add>, %mul3A_1134, %reduce_sum3A_1135 [1] : vector<400x64xf32> to vector<400xf32>
    %add3A_1137 = vector.broadcast %get3A_51 : f32 to vector<400xf32>
    %add3A_1138 = arith.addf %reduce_sum3A_1136, %add3A_1137 : vector<400xf32>
    %logistic3A_1139 = arith.negf %add3A_1138 : vector<400xf32>
    %logistic3A_1140 = math.exp %logistic3A_1139 : vector<400xf32>
    %logistic3A_1141 = arith.constant 1.000000e+00 : f32
    %logistic3A_1142 = vector.broadcast %logistic3A_1141 : f32 to vector<400xf32>
    %logistic3A_1143 = arith.addf %logistic3A_1142, %logistic3A_1140 : vector<400xf32>
    %logistic3A_1144 = arith.divf %logistic3A_1142, %logistic3A_1143 : vector<400xf32>
    %broadcast_in_dim3A_1145 = vector.shape_cast %logistic3A_1144 : vector<400xf32> to vector<400x1xf32>
    %swap3A_1146 = arith.constant 0 : index
    %swap3A_1147 = arith.constant 10 : index
    %swap3A_1148 = vector.load %arg17[%swap3A_1146, %swap3A_1147] : memref<400x12xf32, #tpu.memory_space<vmem>>, vector<400x1xf32>
    tpu.vector_store %arg17[%swap3A_1146, %swap3A_1147], %broadcast_in_dim3A_1145 {strides = array<i32>} : memref<400x12xf32, #tpu.memory_space<vmem>>, vector<400x1xf32>,
    %get3A_1149 = arith.constant 0 : index
    %get3A_1150 = arith.constant 11 : index
    %get3A_1151 = arith.constant 0 : index
    %get3A_1152 = vector.load %arg1[%get3A_1149, %get3A_1150, %get3A_1151] : memref<400x12x128xf32, #tpu.memory_space<vmem>>, vector<400x1x128xf32>
    %get3A_1153 = vector.shape_cast %get3A_1152 : vector<400x1x128xf32> to vector<400x128xf32>
    %get3A_1154 = arith.constant 0 : index
    %get3A_1155 = arith.constant 11 : index
    %get3A_1156 = arith.constant 0 : index
    %get3A_1157 = arith.constant 0 : index
    %get3A_1158 = vector.load %arg2[%get3A_1154, %get3A_1155, %get3A_1156, %get3A_1157] : memref<2x13x400x128xf32, #tpu.memory_space<vmem>>, vector<1x1x400x128xf32>
    %get3A_1159 = vector.shape_cast %get3A_1158 : vector<1x1x400x128xf32> to vector<400x128xf32>
    %get3A_1160 = arith.constant 1 : index
    %get3A_1161 = arith.constant 11 : index
    %get3A_1162 = arith.constant 0 : index
    %get3A_1163 = arith.constant 0 : index
    %get3A_1164 = vector.load %arg2[%get3A_1160, %get3A_1161, %get3A_1162, %get3A_1163] : memref<2x13x400x128xf32, #tpu.memory_space<vmem>>, vector<1x1x400x128xf32>
    %get3A_1165 = vector.shape_cast %get3A_1164 : vector<1x1x400x128xf32> to vector<400x128xf32>
    %add3A_1166 = arith.addf %get3A_1159, %get3A_1165 : vector<400x128xf32>
    %mul3A_1167 = vector.broadcast %broadcast_in_dim3A : vector<400x1xf32> to vector<400x128xf32>
    %mul3A_1168 = arith.mulf %add3A_1166, %mul3A_1167 : vector<400x128xf32>
    %dot_general3A_1169 = arith.constant dense<0.000000e+00> : vector<400x128xf32>
    %dot_general3A_1170 = tpu.matmul %mul3A_1168, %get3A_17, %dot_general3A_1169 {dimension_numbers = #tpu.dot_dimension_numbers<[1], [0], [0], [1], [0, 0, 1, 1], [], []>, transpose_lhs_hint = false} : vector<400x128xf32>, vector<128x128xf32>, vector<400x128xf32> -> vector<400x128xf32>
    %dot_general3A_1171 = arith.constant dense<0.000000e+00> : vector<400x128xf32>
    %dot_general3A_1172 = tpu.matmul %get3A_1153, %get3A_20, %dot_general3A_1171 {dimension_numbers = #tpu.dot_dimension_numbers<[1], [0], [0], [1], [0, 0, 1, 1], [], []>, transpose_lhs_hint = false} : vector<400x128xf32>, vector<128x128xf32>, vector<400x128xf32> -> vector<400x128xf32>
    %add3A_1173 = arith.addf %dot_general3A_1170, %dot_general3A_1172 : vector<400x128xf32>
    %add3A_1174 = vector.broadcast %get3A_54 : vector<1x128xf32> to vector<400x128xf32>
    %add3A_1175 = arith.addf %add3A_1173, %add3A_1174 : vector<400x128xf32>
    %max3A_1176 = arith.constant 0.000000e+00 : f32
    %max3A_1177 = vector.broadcast %max3A_1176 : f32 to vector<400x128xf32>
    %max3A_1178 = arith.maximumf %add3A_1175, %max3A_1177 : vector<400x128xf32>
    %dot_general3A_1179 = arith.constant dense<0.000000e+00> : vector<400x384xf32>
    %dot_general3A_1180 = tpu.matmul %max3A_1178, %get3A_23, %dot_general3A_1179 {dimension_numbers = #tpu.dot_dimension_numbers<[1], [0], [0], [1], [0, 0, 1, 1], [], []>, transpose_lhs_hint = false} : vector<400x128xf32>, vector<128x384xf32>, vector<400x384xf32> -> vector<400x384xf32>
    %add3A_1181 = vector.broadcast %get3A_29 : vector<1x384xf32> to vector<400x384xf32>
    %add3A_1182 = arith.addf %dot_general3A_1180, %add3A_1181 : vector<400x384xf32>
    %dot_general3A_1183 = arith.constant dense<0.000000e+00> : vector<400x384xf32>
    %dot_general3A_1184 = tpu.matmul %add3A_1115, %get3A_26, %dot_general3A_1183 {dimension_numbers = #tpu.dot_dimension_numbers<[1], [0], [0], [1], [0, 0, 1, 1], [], []>, transpose_lhs_hint = false} : vector<400x128xf32>, vector<128x384xf32>, vector<400x384xf32> -> vector<400x384xf32>
    %add3A_1185 = vector.broadcast %get3A_32 : vector<1x384xf32> to vector<400x384xf32>
    %add3A_1186 = arith.addf %dot_general3A_1184, %add3A_1185 : vector<400x384xf32>
    %slice3A_1187 = vector.extract_strided_slice %add3A_1182 {offsets = [0, 0], sizes = [400, 128], strides = [1, 1]} : vector<400x384xf32> to vector<400x128xf32>
    %slice3A_1188 = vector.extract_strided_slice %add3A_1186 {offsets = [0, 0], sizes = [400, 128], strides = [1, 1]} : vector<400x384xf32> to vector<400x128xf32>
    %add3A_1189 = arith.addf %slice3A_1187, %slice3A_1188 : vector<400x128xf32>
    %logistic3A_1190 = arith.negf %add3A_1189 : vector<400x128xf32>
    %logistic3A_1191 = math.exp %logistic3A_1190 : vector<400x128xf32>
    %logistic3A_1192 = arith.constant 1.000000e+00 : f32
    %logistic3A_1193 = vector.broadcast %logistic3A_1192 : f32 to vector<400x128xf32>
    %logistic3A_1194 = arith.addf %logistic3A_1193, %logistic3A_1191 : vector<400x128xf32>
    %logistic3A_1195 = arith.divf %logistic3A_1193, %logistic3A_1194 : vector<400x128xf32>
    %slice3A_1196 = vector.extract_strided_slice %add3A_1182 {offsets = [0, 128], sizes = [400, 128], strides = [1, 1]} : vector<400x384xf32> to vector<400x128xf32>
    %slice3A_1197 = vector.extract_strided_slice %add3A_1186 {offsets = [0, 128], sizes = [400, 128], strides = [1, 1]} : vector<400x384xf32> to vector<400x128xf32>
    %add3A_1198 = arith.addf %slice3A_1196, %slice3A_1197 : vector<400x128xf32>
    %logistic3A_1199 = arith.negf %add3A_1198 : vector<400x128xf32>
    %logistic3A_1200 = math.exp %logistic3A_1199 : vector<400x128xf32>
    %logistic3A_1201 = arith.constant 1.000000e+00 : f32
    %logistic3A_1202 = vector.broadcast %logistic3A_1201 : f32 to vector<400x128xf32>
    %logistic3A_1203 = arith.addf %logistic3A_1202, %logistic3A_1200 : vector<400x128xf32>
    %logistic3A_1204 = arith.divf %logistic3A_1202, %logistic3A_1203 : vector<400x128xf32>
    %slice3A_1205 = vector.extract_strided_slice %add3A_1182 {offsets = [0, 256], sizes = [400, 128], strides = [1, 1]} : vector<400x384xf32> to vector<400x128xf32>
    %slice3A_1206 = vector.extract_strided_slice %add3A_1186 {offsets = [0, 256], sizes = [400, 128], strides = [1, 1]} : vector<400x384xf32> to vector<400x128xf32>
    %mul3A_1207 = arith.mulf %logistic3A_1195, %slice3A_1206 : vector<400x128xf32>
    %add3A_1208 = arith.addf %slice3A_1205, %mul3A_1207 : vector<400x128xf32>
    %tanh3A_1209 = math.tanh %add3A_1208 : vector<400x128xf32>
    %sub3A_1210 = arith.constant 1.000000e+00 : f32
    %sub3A_1211 = vector.broadcast %sub3A_1210 : f32 to vector<400x128xf32>
    %sub3A_1212 = arith.subf %sub3A_1211, %logistic3A_1204 : vector<400x128xf32>
    %mul3A_1213 = arith.mulf %sub3A_1212, %tanh3A_1209 : vector<400x128xf32>
    %mul3A_1214 = arith.mulf %logistic3A_1204, %add3A_1115 : vector<400x128xf32>
    %add3A_1215 = arith.addf %mul3A_1213, %mul3A_1214 : vector<400x128xf32>
    %dot_general3A_1216 = arith.constant dense<0.000000e+00> : vector<400x128xf32>
    %dot_general3A_1217 = tpu.matmul %add3A_1215, %get3A_35, %dot_general3A_1216 {dimension_numbers = #tpu.dot_dimension_numbers<[1], [0], [0], [1], [0, 0, 1, 1], [], []>, transpose_lhs_hint = false} : vector<400x128xf32>, vector<128x128xf32>, vector<400x128xf32> -> vector<400x128xf32>
    %add3A_1218 = vector.broadcast %get3A_38 : vector<1x128xf32> to vector<400x128xf32>
    %add3A_1219 = arith.addf %dot_general3A_1217, %add3A_1218 : vector<400x128xf32>
    %swap3A_1220 = arith.constant 0 : index
    %swap3A_1221 = arith.constant 11 : index
    %swap3A_1222 = arith.constant 0 : index
    %swap3A_1223 = vector.load %arg16[%swap3A_1220, %swap3A_1221, %swap3A_1222] : memref<400x12x128xf32, #tpu.memory_space<vmem>>, vector<400x1x128xf32>
    %swap3A_1224 = vector.shape_cast %swap3A_1223 : vector<400x1x128xf32> to vector<400x128xf32>
    %swap3A_1225 = vector.shape_cast %add3A_1219 : vector<400x128xf32> to vector<400x1x128xf32>
    tpu.vector_store %arg16[%swap3A_1220, %swap3A_1221, %swap3A_1222], %swap3A_1225 {strides = array<i32>} : memref<400x12x128xf32, #tpu.memory_space<vmem>>, vector<400x1x128xf32>,
    %dot_general3A_1226 = arith.constant dense<0.000000e+00> : vector<400x64xf32>
    %dot_general3A_1227 = tpu.matmul %add3A_1215, %get3A_41, %dot_general3A_1226 {dimension_numbers = #tpu.dot_dimension_numbers<[1], [0], [0], [1], [0, 0, 1, 1], [], []>, transpose_lhs_hint = false} : vector<400x128xf32>, vector<128x64xf32>, vector<400x64xf32> -> vector<400x64xf32>
    %add3A_1228 = vector.broadcast %get3A_44 : vector<1x64xf32> to vector<400x64xf32>
    %add3A_1229 = arith.addf %dot_general3A_1227, %add3A_1228 : vector<400x64xf32>
    %max3A_1230 = arith.constant 0.000000e+00 : f32
    %max3A_1231 = vector.broadcast %max3A_1230 : f32 to vector<400x64xf32>
    %max3A_1232 = arith.maximumf %add3A_1229, %max3A_1231 : vector<400x64xf32>
    %mul3A_1233 = vector.broadcast %get3A_47 : vector<1x64xf32> to vector<400x64xf32>
    %mul3A_1234 = arith.mulf %max3A_1232, %mul3A_1233 : vector<400x64xf32>
    %reduce_sum3A_1235 = arith.constant dense<0.000000e+00> : vector<400xf32>
    %reduce_sum3A_1236 = vector.multi_reduction <add>, %mul3A_1234, %reduce_sum3A_1235 [1] : vector<400x64xf32> to vector<400xf32>
    %add3A_1237 = vector.broadcast %get3A_51 : f32 to vector<400xf32>
    %add3A_1238 = arith.addf %reduce_sum3A_1236, %add3A_1237 : vector<400xf32>
    %logistic3A_1239 = arith.negf %add3A_1238 : vector<400xf32>
    %logistic3A_1240 = math.exp %logistic3A_1239 : vector<400xf32>
    %logistic3A_1241 = arith.constant 1.000000e+00 : f32
    %logistic3A_1242 = vector.broadcast %logistic3A_1241 : f32 to vector<400xf32>
    %logistic3A_1243 = arith.addf %logistic3A_1242, %logistic3A_1240 : vector<400xf32>
    %logistic3A_1244 = arith.divf %logistic3A_1242, %logistic3A_1243 : vector<400xf32>
    %broadcast_in_dim3A_1245 = vector.shape_cast %logistic3A_1244 : vector<400xf32> to vector<400x1xf32>
    %swap3A_1246 = arith.constant 0 : index
    %swap3A_1247 = arith.constant 11 : index
    %swap3A_1248 = vector.load %arg17[%swap3A_1246, %swap3A_1247] : memref<400x12xf32, #tpu.memory_space<vmem>>, vector<400x1xf32>
    tpu.vector_store %arg17[%swap3A_1246, %swap3A_1247], %broadcast_in_dim3A_1245 {strides = array<i32>} : memref<400x12xf32, #tpu.memory_space<vmem>>, vector<400x1xf32>,
    return
  }
  func.func @transform_0(%arg0: i32) -> (i32, i32, i32) {
    %c0_i32 = arith.constant 0 : i32
    %c0_i32_0 = arith.constant 0 : i32
    %c0_i32_1 = arith.constant 0 : i32
    return %arg0, %c0_i32, %c0_i32_0 : i32, i32, i32
  }
  func.func @transform_1(%arg0: i32) -> (i32, i32, i32, i32) {
    %c0_i32 = arith.constant 0 : i32
    %c0_i32_0 = arith.constant 0 : i32
    %c0_i32_1 = arith.constant 0 : i32
    %c0_i32_2 = arith.constant 0 : i32
    return %c0_i32, %c0_i32_0, %arg0, %c0_i32_1 : i32, i32, i32, i32
  }
  func.func @transform_2(%arg0: i32) -> (i32, i32) {
    %c0_i32 = arith.constant 0 : i32
    %c0_i32_0 = arith.constant 0 : i32
    %c0_i32_1 = arith.constant 0 : i32
    return %c0_i32, %c0_i32_0 : i32, i32
  }
  func.func @transform_3(%arg0: i32) -> (i32, i32) {
    %c0_i32 = arith.constant 0 : i32
    %c0_i32_0 = arith.constant 0 : i32
    %c0_i32_1 = arith.constant 0 : i32
    return %c0_i32, %c0_i32_0 : i32, i32
  }
  func.func @transform_4(%arg0: i32) -> (i32, i32) {
    %c0_i32 = arith.constant 0 : i32
    %c0_i32_0 = arith.constant 0 : i32
    %c0_i32_1 = arith.constant 0 : i32
    return %c0_i32, %c0_i32_0 : i32, i32
  }
  func.func @transform_5(%arg0: i32) -> (i32, i32) {
    %c0_i32 = arith.constant 0 : i32
    %c0_i32_0 = arith.constant 0 : i32
    %c0_i32_1 = arith.constant 0 : i32
    return %c0_i32, %c0_i32_0 : i32, i32
  }
  func.func @transform_6(%arg0: i32) -> (i32, i32) {
    %c0_i32 = arith.constant 0 : i32
    %c0_i32_0 = arith.constant 0 : i32
    %c0_i32_1 = arith.constant 0 : i32
    return %c0_i32, %c0_i32_0 : i32, i32
  }
  func.func @transform_7(%arg0: i32) -> (i32, i32) {
    %c0_i32 = arith.constant 0 : i32
    %c0_i32_0 = arith.constant 0 : i32
    %c0_i32_1 = arith.constant 0 : i32
    return %c0_i32, %c0_i32_0 : i32, i32
  }
  func.func @transform_8(%arg0: i32) -> (i32, i32) {
    %c0_i32 = arith.constant 0 : i32
    %c0_i32_0 = arith.constant 0 : i32
    %c0_i32_1 = arith.constant 0 : i32
    return %c0_i32, %c0_i32_0 : i32, i32
  }
  func.func @transform_9(%arg0: i32) -> (i32, i32) {
    %c0_i32 = arith.constant 0 : i32
    %c0_i32_0 = arith.constant 0 : i32
    %c0_i32_1 = arith.constant 0 : i32
    return %c0_i32, %c0_i32_0 : i32, i32
  }
  func.func @transform_10(%arg0: i32) -> (i32, i32) {
    %c0_i32 = arith.constant 0 : i32
    %c0_i32_0 = arith.constant 0 : i32
    %c0_i32_1 = arith.constant 0 : i32
    return %c0_i32, %c0_i32_0 : i32, i32
  }
  func.func @transform_11(%arg0: i32) -> (i32, i32) {
    %c0_i32 = arith.constant 0 : i32
    %c0_i32_0 = arith.constant 0 : i32
    %c0_i32_1 = arith.constant 0 : i32
    return %c0_i32, %c0_i32_0 : i32, i32
  }
  func.func @transform_12(%arg0: i32) -> (i32, i32) {
    %c0_i32 = arith.constant 0 : i32
    %c0_i32_0 = arith.constant 0 : i32
    %c0_i32_1 = arith.constant 0 : i32
    return %c0_i32, %c0_i32_0 : i32, i32
  }
  func.func @transform_13(%arg0: i32) -> (i32, i32) {
    %c0_i32 = arith.constant 0 : i32
    %c0_i32_0 = arith.constant 0 : i32
    %c0_i32_1 = arith.constant 0 : i32
    return %c0_i32, %c0_i32_0 : i32, i32
  }
  func.func @transform_14(%arg0: i32) -> (i32, i32) {
    %c0_i32 = arith.constant 0 : i32
    %c0_i32_0 = arith.constant 0 : i32
    %c0_i32_1 = arith.constant 0 : i32
    return %c0_i32, %c0_i32_0 : i32, i32
  }
  func.func @transform_15(%arg0: i32) -> (i32, i32, i32) {
    %c0_i32 = arith.constant 0 : i32
    %c0_i32_0 = arith.constant 0 : i32
    %c0_i32_1 = arith.constant 0 : i32
    return %arg0, %c0_i32, %c0_i32_0 : i32, i32, i32
  }
  func.func @transform_16(%arg0: i32) -> (i32, i32) {
    %c0_i32 = arith.constant 0 : i32
    %c0_i32_0 = arith.constant 0 : i32
    return %arg0, %c0_i32 : i32, i32
  }
}

</mosaic_0001>

<sc_bundles>
// kernel: kernel.4.cloned.1.call-start
scs
__scs_entry_jumppad:
0x0: {  	(pc) =	sbr.rel $0x88, $3  }
0x1: {  	(tag) =	ssettag $0x0;
	lr =	simm.s32 $0x1  }
0x2: {  	[smem:$0x3F92] =	sst lr;
	_ =	strace $0xD0000000  }
0x3: {  	_ = 	snop  }
0x4: {  	_ = 	snop  }
0x5: {  	_ = 	snop  }
0x6: {  	_ = 	snop  }
0x7: {  	_ = 	snop  }
__scs_overlays_trampoline_lowered:
0x8: {  	[smem:$0x3FA1] =	sst s0  }
0x9: {  	[smem:$0x3FA2] =	sst s1  }
0xa: {  	[smem:$0x3FA3] =	sst s2  }
0xb: {  	[smem:$0x3FA4] =	sst s3  }
0xc: {  	[smem:$0x3FA5] =	sst s4  }
0xd: {  	[smem:$0x3FA6] =	sst s5  }
0xe: {  	[smem:$0x3FA7] =	sst s6  }
0xf: {  	[smem:$0x3FA8] =	sst s7  }
0x10: {  	[smem:$0x3FA9] =	sst s8  }
0x11: {  	[smem:$0x3FAA] =	sst s9;
	s0 =	simm.s32 @!p0 $0x0  }
0x12: {  	s1 =	sld [smem:$0x3F90];
	s0 =	simm.s32 @p0 $0x1  }
0x13: {  	[smem:$0x3FAB] =	sst s0;
	s0 =	simm.s32 @!p1 $0x0  }
0x14: {  	s2 =	sld [smem:$0x3F8F];
	s0 =	simm.s32 @p1 $0x1  }
0x15: {  	[smem:$0x3FAC] =	sst s0;
	s0 =	simm.s32 @!p2 $0x0  }
0x16: {  	s3 =	sld [smem:$0x3FDB];
	s0 =	simm.s32 @p2 $0x1  }
0x17: {  	s4 =	simm.s32 $0x1BF5;
	[smem:$0x3FAE] =	sst s0  }
0x18: {  	s0 =	sld [smem:$0x3F91];
	_ =	swait.ge [sflag:s4], $0x0  }
0x19: {  	s7 =	sld [smem:$0x3F92]  }
0x1a: {  	s8 =	sadd.s32 $0xFFFFE003, lr  }
0x1b: {  	s9 =	sadd.s32 $0xFFFFFEF7, lr;
	s5 =	simm.s32 $0xFFFFFFFF;
	p2 =	slt.u32 s8, $0xFFFFF086  }
0x1c: {  	p1 =	slt.u32 s9, $0xF7A;
	s5 =	simm.s32 @!p2 $0x0  }
0x1d: {  	s5 =	simm.s32 @p1 $0x1;
	p0 =	seq.s32 s7, s2  }
0x1e: {  	s7 =	smul.u32 @!p0 $0xF7A, s2;
	p2 =	seq.s32 @!p0 s5, $0x0  }
0x1f: {  	s9 =	smul.u32 $0xF7A, s1;
	s8 =	simm.s32 @!p0 $0x1BF5;
	p2 =	por !p2, p0  }
0x20: {  	[sflag:s8] =	ssyncset.s32 @!p0 $0xFFFFF086;
	s6 =	sadd.s32 @!p0 s3, s7;
	s7 =	simm.s32 @!p0 $0x108  }
0x21: {  	s3 =	sadd.s32 s3, s9;
	s6 =	sadd.s32 @!p0 $0x88, s6;
	s7 =	simm.s32 @p2 $0x1082  }
0x22: {  	[simem:s7], [sflag:s8] =	dma.local @!p0 [hbm:s6], $0xF7A  }
0x23: {  	s9 =	sor.u32 $0xD0000000, s2;
	s6 =	simm.s32 $0x108;
	_ =	swait.ge @!p0 [sflag:s8], $0x0  }
0x24: {  	s3 =	sadd.s32 $0x88, s3;
	s6 =	simm.s32 @!p1 $0x1082;
	[sflag:s4] =	ssyncset.s32 $0xFFFFF086  }
0x25: {  	[simem:s6], [sflag:s4] =	dma.local [hbm:s3], $0xF7A  }
0x26: {  	[smem:$0x3F92] =	sst s1;
	(tag) =	ssettag s2;
	_ =	strace s9  }
0x27: {  	s1 =	sld [smem:$0x3FA2]  }
0x28: {  	s2 =	sld [smem:$0x3FA3]  }
0x29: {  	s4 =	sld [smem:$0x3FA5]  }
0x2a: {  	p0 =	seq.s32 s5, $0x0;
	s5 =	sld [smem:$0x3FA6]  }
0x2b: {  	s6 =	sld [smem:$0x3FA7]  }
0x2c: {  	s7 =	sld [smem:$0x3FA8]  }
0x2d: {  	s3 =	simm.s32 $0x108;
	s8 =	sld [smem:$0x3FA9]  }
0x2e: {  	s3 =	simm.s32 @!p0 $0x1082;
	s9 =	sld [smem:$0x3FAA]  }
0x2f: {  	lr =	sadd.s32 s0, s3;
	s0 =	sld [smem:$0x3FA1]  }
0x30: {  	s3 =	sld [smem:$0x3FA4]  }
0x31: {  	[smem:$0x3FAD] =	sst s10  }
0x32: {  	s10 =	sld [smem:$0x3FAB];
	_ =	sdelay $0x3  }
0x33: {  	p0 =	seq.s32 s10, $0x1;
	s10 =	sld [smem:$0x3FAD];
	_ =	sdelay $0x3  }
0x34: {  	[smem:$0x3FAD] =	sst s10  }
0x35: {  	s10 =	sld [smem:$0x3FAC];
	_ =	sdelay $0x3  }
0x36: {  	p1 =	seq.s32 s10, $0x1;
	s10 =	sld [smem:$0x3FAD];
	_ =	sdelay $0x3  }
0x37: {  	[smem:$0x3FAD] =	sst s10  }
0x38: {  	s10 =	sld [smem:$0x3FAE]  }
0x39: {  	_ = 	snop;
	(pc) =	sbr.ind lr, $3  }
0x3a: {  	_ = 	snop  }
0x3b: {  	_ = 	snop  }
0x3c: {  	p2 =	seq.s32 s10, $0x1;
	s10 =	sld [smem:$0x3FAD]  }
0x3d: {  	_ =	shalt  }
0x3e: {  	_ =	shalt  }
0x3f: {  	_ =	shalt  }
0x40: {  	_ =	shalt  }
0x41: {  	_ =	shalt  }
0x42: {  	_ =	shalt  }
0x43: {  	_ =	shalt  }
0x44: {  	_ =	shalt  }
0x45: {  	_ =	shalt  }
0x46: {  	_ =	shalt  }
0x47: {  	_ =	shalt  }
0x48: {  	_ =	shalt  }
0x49: {  	_ =	shalt  }
0x4a: {  	_ =	shalt  }
0x4b: {  	_ =	shalt  }
0x4c: {  	_ =	shalt  }
0x4d: {  	_ =	shalt  }
0x4e: {  	_ =	shalt  }
0x4f: {  	_ =	shalt  }
0x50: {  	_ =	shalt  }
0x51: {  	_ =	shalt  }
0x52: {  	_ =	shalt  }
0x53: {  	_ =	shalt  }
0x54: {  	_ =	shalt  }
0x55: {  	_ =	shalt  }
0x56: {  	_ =	shalt  }
0x57: {  	_ =	shalt  }
0x58: {  	_ =	shalt  }
0x59: {  	_ =	shalt  }
0x5a: {  	_ =	shalt  }
0x5b: {  	_ =	shalt  }
0x5c: {  	_ =	shalt  }
0x5d: {  	_ =	shalt  }
0x5e: {  	_ =	shalt  }
0x5f: {  	_ =	shalt  }
0x60: {  	_ =	shalt  }
0x61: {  	_ =	shalt  }
0x62: {  	_ =	shalt  }
0x63: {  	_ =	shalt  }
0x64: {  	_ =	shalt  }
0x65: {  	_ =	shalt  }
0x66: {  	_ =	shalt  }
0x67: {  	_ =	shalt  }
0x68: {  	_ =	shalt  }
0x69: {  	_ =	shalt  }
0x6a: {  	_ =	shalt  }
0x6b: {  	_ =	shalt  }
0x6c: {  	_ =	shalt  }
0x6d: {  	_ =	shalt  }
0x6e: {  	_ =	shalt  }
0x6f: {  	_ =	shalt  }
0x70: {  	_ =	shalt  }
0x71: {  	_ =	shalt  }
0x72: {  	_ =	shalt  }
0x73: {  	_ =	shalt  }
0x74: {  	_ =	shalt  }
0x75: {  	_ =	shalt  }
0x76: {  	_ =	shalt  }
0x77: {  	_ =	shalt  }
0x78: {  	_ =	shalt  }
0x79: {  	_ =	shalt  }
0x7a: {  	_ =	shalt  }
0x7b: {  	_ =	shalt  }
0x7c: {  	_ =	shalt  }
0x7d: {  	_ =	shalt  }
0x7e: {  	_ =	shalt  }
0x7f: {  	_ =	shalt  }
0x80: {  	_ =	shalt  }
0x81: {  	_ =	shalt  }
0x82: {  	_ =	shalt  }
0x83: {  	_ =	shalt  }
0x84: {  	_ =	shalt  }
0x85: {  	_ =	shalt  }
0x86: {  	_ =	shalt  }
0x87: {  	_ =	shalt  }
.Lfunc_end0:
.L_simem_size_0:
called_computation_lowered:
.L_overlay_start_0:
0x88: {  	s2 =	sld [smem:$0x3FD9]  }
0x89: {  	s3 =	sld [smem:$0x3FFE];
	_ =	sdelay $0x1  }
0x8a: {  	s1 =	srdreg.scid  }
0x8b: {  	s0 =	sand.u32 $0x1, s1  }
0x8c: {  	s14 =	sshll.u32 s0, $0xA;
	s2 =	sadd.s32 s3, s2  }
0x8d: {  	s2 =	sadd.s32 s2, s14  }
0x8e: {  	[smem:$0x3FB9] =	sst s2  }
0x8f: {  	_ = 	snop  }
0x90: {  	s2 =	sld [smem:$0x3FD0];
	_ =	sdelay $0x2  }
0x91: {  	s15 =	simm.s32 $0xA;
	s4 =	simm.s32 $0x10  }
0x92: {  	[smem:s4], [sflag:s15] =	dma.local [hbm:s2], $0x1  }
0x93: {  	_ =	swait.eq [sflag:s15], $0x1  }
0x94: {  	[sflag:s15] =	ssyncset.done $0x0  }
0x95: {  	[sflag:s15] =	ssyncadd.s32 $0xFFFFFFFF  }
0x96: {  	s16 =	sld [smem:$0x11];
	(tm) =	ssettm $0x1  }
0x97: {  	s17 =	sld [smem:$0x3FFB];
	_ =	sdelay $0x3  }
0x98: {  	_ =	strace s17  }
0x99: {  	s3 =	sld [smem:$0x3FFC];
	_ =	sdelay $0x3  }
0x9a: {  	_ =	strace s3  }
0x9b: {  	s3 =	sld [smem:$0x3FFD];
	_ =	sdelay $0x3  }
0x9c: {  	_ =	strace s3  }
0x9d: {  	_ =	strace $0x8FFFFFFF  }
0x9e: {  	s18 =	sld [smem:$0x3FDB];
	_ =	sdelay $0x1  }
0x9f: {  	s19 =	simm.s32 $_scs_section_size  }
0xa0: {  	s5 =	simm.s32 $_size__tile_overlayer_lowered;
	s6 =	simm.s32 $_tile_overlayer_lowered  }
0xa1: {  	s22 =	simm.s32 $0x1BFF;
	s21 =	sshll.u32 s6, $0x1;
	s3 =	sadd.s32 s19, s18  }
0xa2: {  	s7 =	simm.s32 $0x0;
	s20 =	sshll.u32 s5, $0x1;
	s5 =	sadd.s32 s21, s3  }
0xa3: {  	[timem:s7], [sflag:s22] =	dma.local [hbm:s5], s20  }
0xa4: {  	_ =	swait.ge [sflag:s22], s20  }
0xa5: {  	s4 =	ssub.s32 $0x0, s20;
	[sflag:s22] =	ssyncset.done $0x0  }
0xa6: {  	[sflag:s22] =	ssyncadd.s32 s4;
	_ =	sdelay $0x1  }
0xa7: {  	s23 =	simm.s32 $0x1B8B  }
0xa8: {  	_ =	swait.ge [sflag:s23], $0x1  }
0xa9: {  	[sflag:s23] =	ssyncset.done $0x0  }
0xaa: {  	s25 =	simm.s32 $0x1B8E;
	s24 =	sld [smem:$0x3FFE];
	[sflag:s23] =	ssyncadd.s32 $0xFFFFFFFF  }
0xab: {  	s26 =	simm.s32 $execute0_lowered;
	[smem:$0x3FD2] =	sst s25  }
0xac: {  	s5 =	sshll.u32 s26, $0x1;
	_ =	strace $0x80000046;
	[dreg:$0x1] =	wrdreg $0xFFFFFFFF  }
0xad: {  	s28 =	simm.s32 $_size_execute0_lowered;
	s3 =	sadd.s32 s3, s5;
	[dreg:$0x0] =	wrdreg $0x0  }
0xae: {  	s5 =	sshll.u32 s28, $0x1;
	[dreg:$0x2] =	wrdreg s3  }
0xaf: {  	[dreg:$0x3] =	wrdreg s5  }
0xb0: {  	[dreg:$0x4] =	wrdreg $0xC0  }
0xb1: {  	_ =	task [dreg:s7], $0x5FFFF  }
0xb2: {  	[dreg:$0x1] =	wrdreg $0xFFFFFFFF  }
0xb3: {  	[dreg:$0x0] =	wrdreg $0x60  }
0xb4: {  	[dreg:$0x2] =	wrdreg s24  }
0xb5: {  	[dreg:$0x3] =	wrdreg s16  }
0xb6: {  	[dreg:$0x4] =	wrdreg $0xA8000  }
0xb7: {  	[dreg:$0x5] =	wrdreg $0x9  }
0xb8: {  	_ =	task.clear_ibuf [dreg:s7], $0x6FFFF;
	_ =	strace $0x90000046  }
0xb9: {  	s29 =	simm.s32 $0x9;
	_ =	strace $0x80000048  }
0xba: {  	_ =	swait.ge [sflag:s29], $0x1  }
0xbb: {  	[sflag:s29] =	ssyncadd.s32 $0xFFFFFFFF  }
0xbc: {  	_ =	strace $0x90000048  }
0xbd: {  	_ =	sfence  }
0xbe: {  	s30 =	sld [smem:$0x0];
	_ =	sdelay $0x2  }
0xbf: {  	s31 =	sshll.u32 s1, $0xD;
	s1 =	sshrl.u32 s1, $0x2  }
0xc0: {  	s3 =	sand.u32 $0x4000, s31;
	s1 =	sadd.s32 s1, s30  }
0xc1: {  	s0 =	sor.u32 s3, s0;
	s1 =	sshll.u32 s1, $0x11  }
0xc2: {  	s0 =	sor.u32 s1, s0  }
0xc3: {  	s0 =	sadd.s32 $0x8F2B, s0  }
0xc4: {  	[sflag:s0] =	ssyncadd.remote.s32 $0x1  }
0xc5: {  	_ =	sfence.sel $0xFFFF  }
0xc6: {  	[dreg:$0x0] =	wrdreg $0xFFFFFFFF;
	(pc) =	sbr.abs _section_cstart, $3  }
0xc7: {  	[dreg:$0x1] =	wrdreg $0xFFFFFFFF  }
0xc8: {  	_ =	task.clear_ibuf [dreg:s7], $0x2FFFF;
	_ =	strace $0x9FFFFFFF  }
0xc9: {  	(tm) =	ssettm $0x7FFFFFFF  }
tec
execute0_lowered:
.L_overlay_start_1:
0x0: {  	(tag) =	ssettag $0x1  }
0x1: {  	s0 =	rddreg [dreg:$0x0]  }
0x2: {  	s2 =	rddreg [dreg:$0x2];
	s1 =	simm.s32 $0x0;
	s15 =	srdreg.scid  }
0x3: {  	s11 =	stileid.u32;
	s19 =	simm.s32 $0x1600;
	s20 =	simm.s32 $0x1680  }
0x4: {  	s21 =	simm.s32 $0x1700;
	s23 =	simm.s32 $0x1780;
	s24 =	simm.s32 $0x1800  }
0x5: {  	s26 =	simm.s32 $0x1880;
	s13 =	simm.s32 $0x1A00;
	s29 =	simm.s32 $0x8800  }
0x6: {  	s30 =	simm.s32 $0x3;
	s31 =	simm.s32 $0x4;
	[smem:$0x7FF] =	sst s1  }
0x7: {  	s1 =	sand.u32 $0x1, s15;
	_ =	strace $0x80000047;
	[dreg:$0x5] =	wrdreg s19  }
0x8: {  	s5 =	sadd.s32 $0x38A800, s0;
	s6 =	sadd.s32 $0x272800, s0;
	[dreg:$0x6] =	wrdreg s20  }
0x9: {  	s8 =	smul.u32 $0x5000, s11;
	s7 =	sadd.s32 $0x376800, s0;
	[dreg:$0x7] =	wrdreg s21  }
0xa: {  	s10 =	smul.u32 $0x4F000, s11;
	s12 =	sadd.s32 $0x55F600, s0;
	[dreg:$0x8] =	wrdreg s23  }
0xb: {  	s18 =	sshll.u32 s11, $0x6;
	s22 =	smul.u32 $0x13C00, s11;
	[dreg:$0x9] =	wrdreg s24  }
0xc: {  	s3 =	smul.u32 $0x50000, s1;
	s4 =	ssub.s32 $0x2, s1;
	[dreg:$0xa] =	wrdreg s26  }
0xd: {  	s16 =	sshll.u32 s1, $0x4;
	s14 =	sor.u32 $0x1C09, s18;
	[dreg:$0xd] =	wrdreg s13  }
0xe: {  	s1 =	smul.u32 $0x100C000, s1;
	[dreg:$0x1a] =	wrdreg s12;
	s18 =	simm.s32 $0x1B80  }
0xf: {  	s19 =	simm.s32 $0x1C00;
	s20 =	simm.s32 $0x1C80;
	[dreg:$0x10] =	wrdreg s18  }
0x10: {  	s21 =	simm.s32 $0x1D00;
	s23 =	simm.s32 $0x1E00;
	[dreg:$0x11] =	wrdreg s19  }
0x11: {  	s24 =	simm.s32 $0x1E80;
	s26 =	simm.s32 $0x1F80;
	[dreg:$0x12] =	wrdreg s20  }
0x12: {  	s13 =	simm.s32 $0x6;
	s9 =	sshrl.u32 s4, $0x1;
	[dreg:$0x13] =	wrdreg s21  }
0x13: {  	s17 =	sshrl.u32 s10, $0x2;
	s18 =	simm.s32 $0x40;
	[dreg:$0x15] =	wrdreg s23  }
0x14: {  	s19 =	simm.s32 $0x2800;
	[dreg:$0x16] =	wrdreg s24;
	s21 =	simm.s32 $0x4800  }
0x15: {  	[dreg:$0x18] =	wrdreg s26;
	s23 =	simm.s32 $0x2;
	s24 =	simm.s32 $0x1480  }
0x16: {  	s26 =	simm.s32 $0x6800;
	[dreg:$0x1b] =	wrdreg s14;
	s0 =	ssub.s32 s4, s9  }
0x17: {  	s3 =	sadd.s32 s8, s3;
	s4 =	sor.u32 s11, s16;
	s9 =	simm.s32 $0x1900  }
0x18: {  	s8 =	sadd.s32 s17, s2;
	s11 =	simm.s32 $0x1980;
	[dreg:$0xb] =	wrdreg s9  }
0x19: {  	s25 =	sadd.s32 s1, s22;
	s16 =	simm.s32 $0x1A80;
	[dreg:$0xc] =	wrdreg s11  }
0x1a: {  	s17 =	simm.s32 $0x1B00;
	s22 =	simm.s32 $0x1D80;
	[dreg:$0x1c] =	wrdreg s25  }
0x1b: {  	s1 =	simm.s32 $0x280;
	s3 =	sshrl.u32 s3, $0x3;
	[dreg:$0xe] =	wrdreg s16  }
0x1c: {  	s10 =	smul.u32 $0x5000, s4;
	s15 =	sshrl.u32 s25, $0x3;
	[dreg:$0xf] =	wrdreg s17  }
0x1d: {  	s0 =	smax.u32 s0, $0x1;
	s16 =	simm.s32 $0x9;
	s17 =	simm.s32 $0x1400  }
0x1e: {  	[dreg:$0x14] =	wrdreg s22;
	s25 =	simm.s32 $0x1F00;
	s22 =	simm.s32 $0x1  }
0x1f: {  	s4 =	simm.s32 $0x1580;
	s11 =	simm.s32 $0x8;
	[dreg:$0x1f] =	wrdreg s0  }
0x20: {  	s3 =	sadd.s32 s3, s7;
	[dreg:$0x17] =	wrdreg s25;
	s28 =	sshrl.u32 s10, $0x3  }
0x21: {  	[dreg:$0x4] =	wrdreg s3;
	s3 =	sadd.s32 s6, s28;
	s28 =	simm.s32 $0x2000  }
0x22: {  	s9 =	simm.s32 $0x0;
	s3 =	sadd.s32 $0xF0000, s3;
	[dreg:$0x19] =	wrdreg s28  }
0x23: {  	[dreg:$0x1d] =	wrdreg s3;
	s3 =	sadd.s32 s12, s15;
	s15 =	sshrl.u32 s8, $0x3  }
0x24: {  	s0 =	simm.s32 $0x1500;
	s3 =	sadd.s32 $0x1DA000, s3;
	[smem:$0x7FD] =	sst s15  }
0x25: {  	s12 =	simm.s32 $0x5;
	s8 =	simm.s32 $0x7;
	[dreg:$0x1e] =	wrdreg s3  }
.LBB2_1:
.Ltmp0:
0x26: {  	(pc) =	sbr.rel .LBB2_2-.Ltmp0, $2  }
0x27: {  	_ =	sdelay $0x2  }
0x28: {  	[smem:$0x7FC] =	sst s9;
	s3 =	simm.s32 $0x0  }
.LBB2_7:
0x29: {  	s9 =	smul.u32 $0x13C000, s3  }
0x2a: {  	s14 =	rddreg [dreg:$0x1c];
	[bflag:$0x0] =	sbarrier.arrive $0xFFFF  }
0x2b: {  	s15 =	sld [smem:$0x7FD];
	s9 =	sadd.s32 s9, s14  }
0x2c: {  	s3 =	sadd.s32 $0x1, s3;
	s28 =	rddreg [dreg:$0x1a];
	s9 =	sshrl.u32 s9, $0x3  }
0x2d: {  	p0 =	sne.s32 s3, $0xC;
	s14 =	rddreg [dreg:$0x1b];
	s9 =	sadd.s32 s28, s9  }
0x2e: {  	[hbm:s9], [sflag:s14] =	dma.local [spmem:s15], $0x2780  }
.Ltmp1:
0x2f: {  	_ =	swait.ge [sflag:s16], $0x2780;
	(pc) =	sbr.rel @!p0 .LBB2_8-.Ltmp1, $3  }
0x30: {  	[sflag:s16] =	ssyncset.done $0x0  }
0x31: {  	[sflag:s16] =	ssyncadd.s32 $0xFFFFD880  }
0x32: {  	[bflag:$0x0] =	sbarrier.arrive $0xFFFF;
	_ =	sdelay $0x1  }
.LBB2_2:
0x33: {  	s9 =	rddreg [dreg:$0x1]  }
0x34: {  	[spmem:s15], [sflag:s14] =	dma.local [hbm:s9], $0x2780  }
.Ltmp2:
0x35: {  	_ =	swait.ge [sflag:s16], $0x2780;
	(pc) =	sbr.rel .LBB2_3-.Ltmp2, $4  }
0x36: {  	[sflag:s16] =	ssyncset.done $0x0  }
0x37: {  	s25 =	smul.u32 $0xA0000, s3;
	[sflag:s16] =	ssyncadd.s32 $0xFFFFD880  }
0x38: {  	[bflag:$0x0] =	sbarrier.arrive $0xFFFF  }
0x39: {  	s20 =	simm.s32 $0x0;
	s28 =	sadd.s32 s25, s10;
	s25 =	simm.s32 $0x0  }
.LBB2_6:
0x3a: {  	s25 =	sadd.s32 $0x1, s25  }
0x3b: {  	_ =	swait.ge [sflag:s8], $0x2000;
	p0 =	sne.s32 s25, $0x4  }
.Ltmp3:
0x3c: {  	[sflag:s8] =	ssyncset.done $0x0;
	(pc) =	sbr.rel @!p0 .LBB2_7-.Ltmp3, $4  }
0x3d: {  	[sflag:s8] =	ssyncadd.s32 $0xFFFFE000  }
0x3e: {  	_ =	swait.ge [sflag:s11], $0x2000  }
0x3f: {  	[sflag:s11] =	ssyncset.done $0x0  }
0x40: {  	[sflag:s11] =	ssyncadd.s32 $0xFFFFE000  }
.LBB2_3:
0x41: {  	s9 =	smul.u32 $0x1400, s25;
	_ =	sdelay $0x1  }
0x42: {  	s15 =	sadd.s32 s28, s9  }
0x43: {  	s15 =	sshrl.u32 s15, $0x3  }
0x44: {  	s15 =	sadd.s32 s6, s15  }
0x45: {  	[tilespmem:s20], [sflag:$0x9] =	stream.linear.gather [hbm4b:s15+s20], $0x1400, $0x38;
	[tilespmem:$0x1E400] =	vst v63  }
0x46: {  	s9 =	sadd.s32 s10, s9;
	_ =	swait.ge [sflag:s16], $0x1400  }
0x47: {  	s9 =	sshrl.u32 s9, $0x3;
	[sflag:s16] =	ssyncset.done $0x0  }
0x48: {  	s9 =	sadd.s32 s7, s9;
	[sflag:s16] =	ssyncadd.s32 $0xFFFFEC00  }
0x49: {  	[tilespmem:s17], [sflag:$0x9] =	stream.linear.gather [hbm4b:s9+s20], $0x1400, $0x38;
	[tilespmem:$0x1E400] =	vst v63  }
0x4a: {  	_ =	swait.ge [sflag:s16], $0x1400  }
0x4b: {  	[sflag:s16] =	ssyncset.done $0x0  }
0x4c: {  	[sflag:s16] =	ssyncadd.s32 $0xFFFFEC00  }
0x4d: {  	[tilespmem:s19], [sflag:$0x1] =	stream.indirect.gather [hbm4b:s5+s18], $0x80, s20, s18, $0xb8;
	[tilespmem:$0x1E400] =	vst v63  }
0x4e: {  	s14 =	simm.s32 $0x80  }
0x4f: {  	[tilespmem:s21], [sflag:$0x2] =	stream.indirect.gather [hbm4b:s5+s18], $0x80, s14, s18, $0xb8;
	[tilespmem:$0x1E400] =	vst v63  }
0x50: {  	_ =	swait.ge [sflag:s22], $0x2000  }
0x51: {  	[sflag:s22] =	ssyncset.done $0x0  }
0x52: {  	[sflag:s22] =	ssyncadd.s32 $0xFFFFE000  }
0x53: {  	_ =	swait.ge [sflag:s23], $0x2000  }
0x54: {  	[sflag:s23] =	ssyncset.done $0x0  }
0x55: {  	[sflag:s23] =	ssyncadd.s32 $0xFFFFE000  }
0x56: {  	[spmem:s2] =	stream.indirect.scatter.add.f32 [tilespmem:s19], [sflag:$0x5], $0x80, s17, s18, $0xb8;
	[tilespmem:$0x1E400] =	vst v63  }
0x57: {  	_ = 	snop  }
0x58: {  	[spmem:s2] =	stream.indirect.scatter.add.f32 [tilespmem:s21], [sflag:$0x6], $0x80, s24, s18, $0xb8;
	[tilespmem:$0x1E400] =	vst v63  }
0x59: {  	s15 =	simm.s32 $0x100  }
0x5a: {  	[tilespmem:s26], [sflag:$0x3] =	stream.indirect.gather [hbm4b:s5+s18], $0x80, s15, s18, $0xb8;
	[tilespmem:$0x1E400] =	vst v63  }
0x5b: {  	s14 =	simm.s32 $0x180  }
0x5c: {  	[tilespmem:s29], [sflag:$0x4] =	stream.indirect.gather [hbm4b:s5+s18], $0x80, s14, s18, $0xb8;
	[tilespmem:$0x1E400] =	vst v63  }
0x5d: {  	_ =	swait.ge [sflag:s30], $0x2000  }
0x5e: {  	[sflag:s30] =	ssyncset.done $0x0  }
0x5f: {  	[sflag:s30] =	ssyncadd.s32 $0xFFFFE000  }
0x60: {  	_ =	swait.ge [sflag:s31], $0x2000  }
0x61: {  	[sflag:s31] =	ssyncset.done $0x0  }
0x62: {  	[sflag:s31] =	ssyncadd.s32 $0xFFFFE000  }
0x63: {  	[spmem:s2] =	stream.indirect.scatter.add.f32 [tilespmem:s26], [sflag:$0x7], $0x80, s0, s18, $0xb8;
	[tilespmem:$0x1E400] =	vst v63  }
0x64: {  	_ = 	snop  }
0x65: {  	[spmem:s2] =	stream.indirect.scatter.add.f32 [tilespmem:s29], [sflag:$0x8], $0x80, s4, s18, $0xb8;
	[tilespmem:$0x1E400] =	vst v63  }
0x66: {  	_ =	swait.ge [sflag:s12], $0x2000  }
0x67: {  	[sflag:s12] =	ssyncset.done $0x0  }
0x68: {  	[sflag:s12] =	ssyncadd.s32 $0xFFFFE000  }
0x69: {  	_ =	swait.ge [sflag:s13], $0x2000  }
0x6a: {  	[sflag:s13] =	ssyncset.done $0x0  }
0x6b: {  	s15 =	simm.s32 $0x200;
	[sflag:s13] =	ssyncadd.s32 $0xFFFFE000  }
0x6c: {  	[tilespmem:s19], [sflag:$0x1] =	stream.indirect.gather [hbm4b:s5+s18], $0x80, s15, s18, $0xb8;
	[tilespmem:$0x1E400] =	vst v63  }
0x6d: {  	s9 =	simm.s32 $0x0  }
0x6e: {  	[tilespmem:s21], [sflag:$0x2] =	stream.indirect.gather [hbm4b:s5+s18], $0x80, s1, s18, $0xb8;
	[tilespmem:$0x1E400] =	vst v63  }
.LBB2_4:
0x6f: {  	_ =	swait.ge [sflag:s22], $0x2000  }
0x70: {  	[sflag:s22] =	ssyncset.done $0x0  }
0x71: {  	[sflag:s22] =	ssyncadd.s32 $0xFFFFE000  }
0x72: {  	_ =	swait.ge [sflag:s23], $0x2000  }
0x73: {  	s15 =	sshra.s32 s9, $0x2;
	[sflag:s23] =	ssyncset.done $0x0  }
0x74: {  	s14 =	sadd.s32 $0x1600, s15;
	[sflag:s23] =	ssyncadd.s32 $0xFFFFE000  }
0x75: {  	[spmem:s2] =	stream.indirect.scatter.add.f32 [tilespmem:s19], [sflag:$0x5], $0x80, s14, s18, $0xb8;
	[tilespmem:$0x1E400] =	vst v63  }
0x76: {  	s14 =	sadd.s32 $0x1680, s15  }
0x77: {  	[spmem:s2] =	stream.indirect.scatter.add.f32 [tilespmem:s21], [sflag:$0x6], $0x80, s14, s18, $0xb8;
	[tilespmem:$0x1E400] =	vst v63  }
0x78: {  	_ =	swait.ge [sflag:s8], $0x2000  }
0x79: {  	[sflag:s8] =	ssyncset.done $0x0  }
0x7a: {  	[sflag:s8] =	ssyncadd.s32 $0xFFFFE000  }
0x7b: {  	_ =	swait.ge [sflag:s11], $0x2000  }
0x7c: {  	[sflag:s11] =	ssyncset.done $0x0  }
0x7d: {  	s14 =	sadd.s32 $0x300, s15;
	[sflag:s11] =	ssyncadd.s32 $0xFFFFE000  }
0x7e: {  	[tilespmem:s26], [sflag:$0x3] =	stream.indirect.gather [hbm4b:s5+s18], $0x80, s14, s18, $0xb8;
	[tilespmem:$0x1E400] =	vst v63  }
0x7f: {  	s14 =	sadd.s32 $0x380, s15  }
0x80: {  	[tilespmem:s29], [sflag:$0x4] =	stream.indirect.gather [hbm4b:s5+s18], $0x80, s14, s18, $0xb8;
	[tilespmem:$0x1E400] =	vst v63  }
0x81: {  	_ =	swait.ge [sflag:s30], $0x2000  }
0x82: {  	[sflag:s30] =	ssyncset.done $0x0  }
0x83: {  	[sflag:s30] =	ssyncadd.s32 $0xFFFFE000  }
0x84: {  	_ =	swait.ge [sflag:s31], $0x2000  }
0x85: {  	[sflag:s31] =	ssyncset.done $0x0  }
0x86: {  	s14 =	sadd.s32 $0x1700, s15;
	[sflag:s31] =	ssyncadd.s32 $0xFFFFE000  }
0x87: {  	[spmem:s2] =	stream.indirect.scatter.add.f32 [tilespmem:s26], [sflag:$0x7], $0x80, s14, s18, $0xb8;
	[tilespmem:$0x1E400] =	vst v63  }
0x88: {  	s14 =	sadd.s32 $0x1780, s15  }
0x89: {  	[spmem:s2] =	stream.indirect.scatter.add.f32 [tilespmem:s29], [sflag:$0x8], $0x80, s14, s18, $0xb8;
	[tilespmem:$0x1E400] =	vst v63  }
0x8a: {  	p0 =	seq.s32 s9, $0x4000;
	_ =	swait.ge [sflag:s12], $0x2000  }
.Ltmp4:
0x8b: {  	[sflag:s12] =	ssyncset.done $0x0;
	(pc) =	sbr.rel @p0 .LBB2_6-.Ltmp4, $4  }
0x8c: {  	[sflag:s12] =	ssyncadd.s32 $0xFFFFE000  }
0x8d: {  	_ =	swait.ge [sflag:s13], $0x2000  }
0x8e: {  	[sflag:s13] =	ssyncset.done $0x0  }
0x8f: {  	[sflag:s13] =	ssyncadd.s32 $0xFFFFE000  }
.Ltmp5:
0x90: {  	(pc) =	sbr.rel .LBB2_4-.Ltmp5, $4  }
0x91: {  	s14 =	sadd.s32 $0x400, s15  }
0x92: {  	[tilespmem:s19], [sflag:$0x1] =	stream.indirect.gather [hbm4b:s5+s18], $0x80, s14, s18, $0xb8;
	[tilespmem:$0x1E400] =	vst v63  }
0x93: {  	s15 =	sadd.s32 $0x480, s15;
	s9 =	sadd.s32 $0x800, s9  }
0x94: {  	[tilespmem:s21], [sflag:$0x2] =	stream.indirect.gather [hbm4b:s5+s18], $0x80, s15, s18, $0xb8;
	[tilespmem:$0x1E400] =	vst v63  }
.LBB2_8:
0x95: {  	s3 =	rddreg [dreg:$0x1]  }
0x96: {  	[spmem:s15], [sflag:s14] =	dma.local [hbm:s3], $0x2780  }
0x97: {  	_ =	swait.ge [sflag:s16], $0x2780  }
0x98: {  	[sflag:s16] =	ssyncset.done $0x0  }
0x99: {  	s1 =	simm.s32 $0x0;
	s9 =	rddreg [dreg:$0x1d];
	[sflag:s16] =	ssyncadd.s32 $0xFFFFD880  }
0x9a: {  	[tilespmem:s1], [sflag:$0x9] =	stream.linear.gather [hbm4b:s9+s1], $0x1400, $0x38;
	[tilespmem:$0x1E400] =	vst v63  }
0x9b: {  	_ =	swait.ge [sflag:s16], $0x1400  }
0x9c: {  	[sflag:s16] =	ssyncset.done $0x0  }
0x9d: {  	[sflag:s16] =	ssyncadd.s32 $0xFFFFEC00  }
0x9e: {  	[bflag:$0x0] =	sbarrier.arrive $0xFFFF  }
0x9f: {  	[tilespmem:s19], [sflag:$0x1] =	stream.indirect.gather [hbm4b:s5+s18], $0x80, s1, s18, $0xb8;
	[tilespmem:$0x1E400] =	vst v63  }
0xa0: {  	_ =	swait.ge [sflag:s22], $0x2000  }
0xa1: {  	s9 =	rddreg [dreg:$0x4];
	[sflag:s22] =	ssyncset.done $0x0  }
0xa2: {  	s15 =	simm.s32 $0x0;
	[sflag:s22] =	ssyncadd.s32 $0xFFFFE000;
	s3 =	sadd.s32 $0x0, s9  }
0xa3: {  	[tilespmem:s17], [sflag:$0x9] =	stream.linear.gather [hbm4b:s3+s15], $0x1400, $0x38;
	[tilespmem:$0x1E400] =	vst v63  }
0xa4: {  	_ =	swait.ge [sflag:s16], $0x1400  }
0xa5: {  	[sflag:s16] =	ssyncset.done $0x0  }
0xa6: {  	[sflag:s16] =	ssyncadd.s32 $0xFFFFEC00  }
0xa7: {  	[spmem:s2] =	stream.indirect.scatter.add.f32 [tilespmem:s19], [sflag:$0x5], $0x80, s17, s18, $0xb8;
	[tilespmem:$0x1E400] =	vst v63  }
0xa8: {  	_ = 	snop  }
0xa9: {  	[spmem:s2] =	stream.indirect.scatter.add.f32 [tilespmem:s19], [sflag:$0x6], $0x80, s24, s18, $0xb8;
	[tilespmem:$0x1E400] =	vst v63  }
0xaa: {  	_ = 	snop  }
0xab: {  	[spmem:s2] =	stream.indirect.scatter.add.f32 [tilespmem:s19], [sflag:$0x7], $0x80, s0, s18, $0xb8;
	[tilespmem:$0x1E400] =	vst v63  }
0xac: {  	_ = 	snop  }
0xad: {  	[spmem:s2] =	stream.indirect.scatter.add.f32 [tilespmem:s19], [sflag:$0x8], $0x80, s4, s18, $0xb8;
	[tilespmem:$0x1E400] =	vst v63  }
0xae: {  	_ =	swait.ge [sflag:s12], $0x2000  }
0xaf: {  	[sflag:s12] =	ssyncset.done $0x0  }
0xb0: {  	[sflag:s12] =	ssyncadd.s32 $0xFFFFE000  }
0xb1: {  	_ =	swait.ge [sflag:s13], $0x2000  }
0xb2: {  	[sflag:s13] =	ssyncset.done $0x0  }
0xb3: {  	[sflag:s13] =	ssyncadd.s32 $0xFFFFE000  }
0xb4: {  	_ =	swait.ge [sflag:s8], $0x2000  }
0xb5: {  	[sflag:s8] =	ssyncset.done $0x0  }
0xb6: {  	[sflag:s8] =	ssyncadd.s32 $0xFFFFE000  }
0xb7: {  	_ =	swait.ge [sflag:s11], $0x2000  }
0xb8: {  	[sflag:s11] =	ssyncset.done $0x0  }
0xb9: {  	s14 =	rddreg [dreg:$0x5];
	[sflag:s11] =	ssyncadd.s32 $0xFFFFE000  }
0xba: {  	[spmem:s2] =	stream.indirect.scatter.add.f32 [tilespmem:s19], [sflag:$0x5], $0x80, s14, s18, $0xb8;
	[tilespmem:$0x1E400] =	vst v63  }
0xbb: {  	s20 =	rddreg [dreg:$0x6]  }
0xbc: {  	[spmem:s2] =	stream.indirect.scatter.add.f32 [tilespmem:s19], [sflag:$0x6], $0x80, s20, s18, $0xb8;
	[tilespmem:$0x1E400] =	vst v63  }
0xbd: {  	s25 =	rddreg [dreg:$0x7]  }
0xbe: {  	[spmem:s2] =	stream.indirect.scatter.add.f32 [tilespmem:s19], [sflag:$0x7], $0x80, s25, s18, $0xb8;
	[tilespmem:$0x1E400] =	vst v63  }
0xbf: {  	s1 =	rddreg [dreg:$0x8]  }
0xc0: {  	[spmem:s2] =	stream.indirect.scatter.add.f32 [tilespmem:s19], [sflag:$0x8], $0x80, s1, s18, $0xb8;
	[tilespmem:$0x1E400] =	vst v63  }
0xc1: {  	_ =	swait.ge [sflag:s12], $0x2000  }
0xc2: {  	[sflag:s12] =	ssyncset.done $0x0  }
0xc3: {  	[sflag:s12] =	ssyncadd.s32 $0xFFFFE000  }
0xc4: {  	_ =	swait.ge [sflag:s13], $0x2000  }
0xc5: {  	[sflag:s13] =	ssyncset.done $0x0  }
0xc6: {  	[sflag:s13] =	ssyncadd.s32 $0xFFFFE000  }
0xc7: {  	_ =	swait.ge [sflag:s8], $0x2000  }
0xc8: {  	[sflag:s8] =	ssyncset.done $0x0  }
0xc9: {  	[sflag:s8] =	ssyncadd.s32 $0xFFFFE000  }
0xca: {  	_ =	swait.ge [sflag:s11], $0x2000  }
0xcb: {  	[sflag:s11] =	ssyncset.done $0x0  }
0xcc: {  	s14 =	rddreg [dreg:$0x9];
	[sflag:s11] =	ssyncadd.s32 $0xFFFFE000  }
0xcd: {  	[spmem:s2] =	stream.indirect.scatter.add.f32 [tilespmem:s19], [sflag:$0x5], $0x80, s14, s18, $0xb8;
	[tilespmem:$0x1E400] =	vst v63  }
0xce: {  	s20 =	rddreg [dreg:$0xa]  }
0xcf: {  	[spmem:s2] =	stream.indirect.scatter.add.f32 [tilespmem:s19], [sflag:$0x6], $0x80, s20, s18, $0xb8;
	[tilespmem:$0x1E400] =	vst v63  }
0xd0: {  	s25 =	rddreg [dreg:$0xb]  }
0xd1: {  	[spmem:s2] =	stream.indirect.scatter.add.f32 [tilespmem:s19], [sflag:$0x7], $0x80, s25, s18, $0xb8;
	[tilespmem:$0x1E400] =	vst v63  }
0xd2: {  	s1 =	rddreg [dreg:$0xc]  }
0xd3: {  	[spmem:s2] =	stream.indirect.scatter.add.f32 [tilespmem:s19], [sflag:$0x8], $0x80, s1, s18, $0xb8;
	[tilespmem:$0x1E400] =	vst v63  }
0xd4: {  	_ =	swait.ge [sflag:s12], $0x2000  }
0xd5: {  	[sflag:s12] =	ssyncset.done $0x0  }
0xd6: {  	[sflag:s12] =	ssyncadd.s32 $0xFFFFE000  }
0xd7: {  	_ =	swait.ge [sflag:s13], $0x2000  }
0xd8: {  	[sflag:s13] =	ssyncset.done $0x0  }
0xd9: {  	[sflag:s13] =	ssyncadd.s32 $0xFFFFE000  }
0xda: {  	_ =	swait.ge [sflag:s8], $0x2000  }
0xdb: {  	[sflag:s8] =	ssyncset.done $0x0  }
0xdc: {  	[sflag:s8] =	ssyncadd.s32 $0xFFFFE000  }
0xdd: {  	_ =	swait.ge [sflag:s11], $0x2000  }
0xde: {  	[sflag:s11] =	ssyncset.done $0x0  }
0xdf: {  	s14 =	rddreg [dreg:$0xd];
	[sflag:s11] =	ssyncadd.s32 $0xFFFFE000  }
0xe0: {  	[spmem:s2] =	stream.indirect.scatter.add.f32 [tilespmem:s19], [sflag:$0x5], $0x80, s14, s18, $0xb8;
	[tilespmem:$0x1E400] =	vst v63  }
0xe1: {  	s20 =	rddreg [dreg:$0xe]  }
0xe2: {  	[spmem:s2] =	stream.indirect.scatter.add.f32 [tilespmem:s19], [sflag:$0x6], $0x80, s20, s18, $0xb8;
	[tilespmem:$0x1E400] =	vst v63  }
0xe3: {  	s25 =	rddreg [dreg:$0xf]  }
0xe4: {  	[spmem:s2] =	stream.indirect.scatter.add.f32 [tilespmem:s19], [sflag:$0x7], $0x80, s25, s18, $0xb8;
	[tilespmem:$0x1E400] =	vst v63  }
0xe5: {  	s1 =	rddreg [dreg:$0x10]  }
0xe6: {  	[spmem:s2] =	stream.indirect.scatter.add.f32 [tilespmem:s19], [sflag:$0x8], $0x80, s1, s18, $0xb8;
	[tilespmem:$0x1E400] =	vst v63  }
0xe7: {  	_ =	swait.ge [sflag:s12], $0x2000  }
0xe8: {  	[sflag:s12] =	ssyncset.done $0x0  }
0xe9: {  	[sflag:s12] =	ssyncadd.s32 $0xFFFFE000  }
0xea: {  	_ =	swait.ge [sflag:s13], $0x2000  }
0xeb: {  	[sflag:s13] =	ssyncset.done $0x0  }
0xec: {  	[sflag:s13] =	ssyncadd.s32 $0xFFFFE000  }
0xed: {  	_ =	swait.ge [sflag:s8], $0x2000  }
0xee: {  	[sflag:s8] =	ssyncset.done $0x0  }
0xef: {  	[sflag:s8] =	ssyncadd.s32 $0xFFFFE000  }
0xf0: {  	_ =	swait.ge [sflag:s11], $0x2000  }
0xf1: {  	[sflag:s11] =	ssyncset.done $0x0  }
0xf2: {  	s14 =	rddreg [dreg:$0x11];
	[sflag:s11] =	ssyncadd.s32 $0xFFFFE000  }
0xf3: {  	[spmem:s2] =	stream.indirect.scatter.add.f32 [tilespmem:s19], [sflag:$0x5], $0x80, s14, s18, $0xb8;
	[tilespmem:$0x1E400] =	vst v63  }
0xf4: {  	s20 =	rddreg [dreg:$0x12]  }
0xf5: {  	[spmem:s2] =	stream.indirect.scatter.add.f32 [tilespmem:s19], [sflag:$0x6], $0x80, s20, s18, $0xb8;
	[tilespmem:$0x1E400] =	vst v63  }
0xf6: {  	s25 =	rddreg [dreg:$0x13]  }
0xf7: {  	[spmem:s2] =	stream.indirect.scatter.add.f32 [tilespmem:s19], [sflag:$0x7], $0x80, s25, s18, $0xb8;
	[tilespmem:$0x1E400] =	vst v63  }
0xf8: {  	s1 =	rddreg [dreg:$0x14]  }
0xf9: {  	[spmem:s2] =	stream.indirect.scatter.add.f32 [tilespmem:s19], [sflag:$0x8], $0x80, s1, s18, $0xb8;
	[tilespmem:$0x1E400] =	vst v63  }
0xfa: {  	_ =	swait.ge [sflag:s12], $0x2000  }
0xfb: {  	[sflag:s12] =	ssyncset.done $0x0  }
0xfc: {  	[sflag:s12] =	ssyncadd.s32 $0xFFFFE000  }
0xfd: {  	_ =	swait.ge [sflag:s13], $0x2000  }
0xfe: {  	[sflag:s13] =	ssyncset.done $0x0  }
0xff: {  	[sflag:s13] =	ssyncadd.s32 $0xFFFFE000  }
0x100: {  	_ =	swait.ge [sflag:s8], $0x2000  }
0x101: {  	[sflag:s8] =	ssyncset.done $0x0  }
0x102: {  	[sflag:s8] =	ssyncadd.s32 $0xFFFFE000  }
0x103: {  	_ =	swait.ge [sflag:s11], $0x2000  }
0x104: {  	[sflag:s11] =	ssyncset.done $0x0  }
0x105: {  	s9 =	rddreg [dreg:$0x15];
	[sflag:s11] =	ssyncadd.s32 $0xFFFFE000  }
0x106: {  	[spmem:s2] =	stream.indirect.scatter.add.f32 [tilespmem:s19], [sflag:$0x5], $0x80, s9, s18, $0xb8;
	[tilespmem:$0x1E400] =	vst v63  }
0x107: {  	s14 =	rddreg [dreg:$0x16]  }
0x108: {  	[spmem:s2] =	stream.indirect.scatter.add.f32 [tilespmem:s19], [sflag:$0x6], $0x80, s14, s18, $0xb8;
	[tilespmem:$0x1E400] =	vst v63  }
0x109: {  	s20 =	rddreg [dreg:$0x17]  }
0x10a: {  	[spmem:s2] =	stream.indirect.scatter.add.f32 [tilespmem:s19], [sflag:$0x7], $0x80, s20, s18, $0xb8;
	[tilespmem:$0x1E400] =	vst v63  }
0x10b: {  	s25 =	rddreg [dreg:$0x18]  }
0x10c: {  	[spmem:s2] =	stream.indirect.scatter.add.f32 [tilespmem:s19], [sflag:$0x8], $0x80, s25, s18, $0xb8;
	[tilespmem:$0x1E400] =	vst v63  }
0x10d: {  	_ =	swait.ge [sflag:s12], $0x2000  }
0x10e: {  	[sflag:s12] =	ssyncset.done $0x0  }
0x10f: {  	[sflag:s12] =	ssyncadd.s32 $0xFFFFE000  }
0x110: {  	_ =	swait.ge [sflag:s13], $0x2000  }
0x111: {  	[sflag:s13] =	ssyncset.done $0x0  }
0x112: {  	[sflag:s13] =	ssyncadd.s32 $0xFFFFE000  }
0x113: {  	_ =	swait.ge [sflag:s8], $0x2000  }
0x114: {  	[sflag:s8] =	ssyncset.done $0x0  }
0x115: {  	[sflag:s8] =	ssyncadd.s32 $0xFFFFE000  }
0x116: {  	_ =	swait.ge [sflag:s11], $0x2000  }
0x117: {  	[sflag:s11] =	ssyncset.done $0x0  }
0x118: {  	s1 =	rddreg [dreg:$0x19];
	[sflag:s11] =	ssyncadd.s32 $0xFFFFE000  }
0x119: {  	[spmem:s2] =	stream.indirect.scatter.add.f32 [tilespmem:s19], [sflag:$0x5], $0x80, s1, s18, $0xb8;
	[tilespmem:$0x1E400] =	vst v63  }
0x11a: {  	s9 =	simm.s32 $0x2080  }
0x11b: {  	[spmem:s2] =	stream.indirect.scatter.add.f32 [tilespmem:s19], [sflag:$0x6], $0x80, s9, s18, $0xb8;
	[tilespmem:$0x1E400] =	vst v63  }
0x11c: {  	s20 =	simm.s32 $0x2100  }
0x11d: {  	[spmem:s2] =	stream.indirect.scatter.add.f32 [tilespmem:s19], [sflag:$0x7], $0x80, s20, s18, $0xb8;
	[tilespmem:$0x1E400] =	vst v63  }
0x11e: {  	s25 =	simm.s32 $0x2180  }
0x11f: {  	[spmem:s2] =	stream.indirect.scatter.add.f32 [tilespmem:s19], [sflag:$0x8], $0x80, s25, s18, $0xb8;
	[tilespmem:$0x1E400] =	vst v63  }
0x120: {  	_ =	swait.ge [sflag:s12], $0x2000  }
0x121: {  	[sflag:s12] =	ssyncset.done $0x0  }
0x122: {  	[sflag:s12] =	ssyncadd.s32 $0xFFFFE000  }
0x123: {  	_ =	swait.ge [sflag:s13], $0x2000  }
0x124: {  	[sflag:s13] =	ssyncset.done $0x0  }
0x125: {  	[sflag:s13] =	ssyncadd.s32 $0xFFFFE000  }
0x126: {  	_ =	swait.ge [sflag:s8], $0x2000  }
0x127: {  	[sflag:s8] =	ssyncset.done $0x0  }
0x128: {  	[sflag:s8] =	ssyncadd.s32 $0xFFFFE000  }
0x129: {  	_ =	swait.ge [sflag:s11], $0x2000  }
0x12a: {  	[sflag:s11] =	ssyncset.done $0x0  }
0x12b: {  	s1 =	simm.s32 $0x2200;
	[sflag:s11] =	ssyncadd.s32 $0xFFFFE000  }
0x12c: {  	[spmem:s2] =	stream.indirect.scatter.add.f32 [tilespmem:s19], [sflag:$0x5], $0x80, s1, s18, $0xb8;
	[tilespmem:$0x1E400] =	vst v63  }
0x12d: {  	s14 =	simm.s32 $0x2280  }
0x12e: {  	[spmem:s2] =	stream.indirect.scatter.add.f32 [tilespmem:s19], [sflag:$0x6], $0x80, s14, s18, $0xb8;
	[tilespmem:$0x1E400] =	vst v63  }
0x12f: {  	s9 =	simm.s32 $0x2300  }
0x130: {  	[spmem:s2] =	stream.indirect.scatter.add.f32 [tilespmem:s19], [sflag:$0x7], $0x80, s9, s18, $0xb8;
	[tilespmem:$0x1E400] =	vst v63  }
0x131: {  	s14 =	simm.s32 $0x2380  }
0x132: {  	[spmem:s2] =	stream.indirect.scatter.add.f32 [tilespmem:s19], [sflag:$0x8], $0x80, s14, s18, $0xb8;
	[tilespmem:$0x1E400] =	vst v63  }
0x133: {  	_ =	swait.ge [sflag:s12], $0x2000  }
0x134: {  	[sflag:s12] =	ssyncset.done $0x0  }
0x135: {  	[sflag:s12] =	ssyncadd.s32 $0xFFFFE000  }
0x136: {  	_ =	swait.ge [sflag:s13], $0x2000  }
0x137: {  	[sflag:s13] =	ssyncset.done $0x0  }
0x138: {  	[sflag:s13] =	ssyncadd.s32 $0xFFFFE000  }
0x139: {  	_ =	swait.ge [sflag:s8], $0x2000  }
0x13a: {  	[sflag:s8] =	ssyncset.done $0x0  }
0x13b: {  	[sflag:s8] =	ssyncadd.s32 $0xFFFFE000  }
0x13c: {  	_ =	swait.ge [sflag:s11], $0x2000  }
0x13d: {  	[sflag:s11] =	ssyncset.done $0x0  }
0x13e: {  	s9 =	simm.s32 $0x2400;
	[sflag:s11] =	ssyncadd.s32 $0xFFFFE000  }
0x13f: {  	[spmem:s2] =	stream.indirect.scatter.add.f32 [tilespmem:s19], [sflag:$0x5], $0x80, s9, s18, $0xb8;
	[tilespmem:$0x1E400] =	vst v63  }
0x140: {  	s14 =	simm.s32 $0x2480  }
0x141: {  	[spmem:s2] =	stream.indirect.scatter.add.f32 [tilespmem:s19], [sflag:$0x6], $0x80, s14, s18, $0xb8;
	[tilespmem:$0x1E400] =	vst v63  }
0x142: {  	s9 =	simm.s32 $0x2500  }
0x143: {  	[spmem:s2] =	stream.indirect.scatter.add.f32 [tilespmem:s19], [sflag:$0x7], $0x80, s9, s18, $0xb8;
	[tilespmem:$0x1E400] =	vst v63  }
0x144: {  	s14 =	simm.s32 $0x2580  }
0x145: {  	[spmem:s2] =	stream.indirect.scatter.add.f32 [tilespmem:s19], [sflag:$0x8], $0x80, s14, s18, $0xb8;
	[tilespmem:$0x1E400] =	vst v63  }
0x146: {  	_ =	swait.ge [sflag:s12], $0x2000  }
0x147: {  	[sflag:s12] =	ssyncset.done $0x0  }
0x148: {  	[sflag:s12] =	ssyncadd.s32 $0xFFFFE000  }
0x149: {  	_ =	swait.ge [sflag:s13], $0x2000  }
0x14a: {  	[sflag:s13] =	ssyncset.done $0x0  }
0x14b: {  	[sflag:s13] =	ssyncadd.s32 $0xFFFFE000  }
0x14c: {  	_ =	swait.ge [sflag:s8], $0x2000  }
0x14d: {  	[sflag:s8] =	ssyncset.done $0x0  }
0x14e: {  	[sflag:s8] =	ssyncadd.s32 $0xFFFFE000  }
0x14f: {  	_ =	swait.ge [sflag:s11], $0x2000  }
0x150: {  	[sflag:s11] =	ssyncset.done $0x0  }
0x151: {  	s9 =	simm.s32 $0x2600;
	[sflag:s11] =	ssyncadd.s32 $0xFFFFE000  }
0x152: {  	[spmem:s2] =	stream.indirect.scatter.add.f32 [tilespmem:s19], [sflag:$0x5], $0x80, s9, s18, $0xb8;
	[tilespmem:$0x1E400] =	vst v63  }
0x153: {  	s14 =	simm.s32 $0x2680  }
0x154: {  	[spmem:s2] =	stream.indirect.scatter.add.f32 [tilespmem:s19], [sflag:$0x6], $0x80, s14, s18, $0xb8;
	[tilespmem:$0x1E400] =	vst v63  }
0x155: {  	s9 =	simm.s32 $0x2700  }
0x156: {  	[spmem:s2] =	stream.indirect.scatter.add.f32 [tilespmem:s19], [sflag:$0x7], $0x80, s9, s18, $0xb8;
	[tilespmem:$0x1E400] =	vst v63  }
0x157: {  	s14 =	simm.s32 $0x2780  }
0x158: {  	[spmem:s2] =	stream.indirect.scatter.add.f32 [tilespmem:s19], [sflag:$0x8], $0x80, s14, s18, $0xb8;
	[tilespmem:$0x1E400] =	vst v63  }
0x159: {  	_ =	swait.ge [sflag:s12], $0x2000  }
0x15a: {  	[sflag:s12] =	ssyncset.done $0x0  }
0x15b: {  	[sflag:s12] =	ssyncadd.s32 $0xFFFFE000  }
0x15c: {  	_ =	swait.ge [sflag:s13], $0x2000  }
0x15d: {  	[sflag:s13] =	ssyncset.done $0x0  }
0x15e: {  	[sflag:s13] =	ssyncadd.s32 $0xFFFFE000  }
0x15f: {  	_ =	swait.ge [sflag:s8], $0x2000  }
0x160: {  	[sflag:s8] =	ssyncset.done $0x0  }
0x161: {  	[sflag:s8] =	ssyncadd.s32 $0xFFFFE000  }
0x162: {  	s28 =	simm.s32 $0x280;
	_ =	swait.ge [sflag:s11], $0x2000  }
0x163: {  	s3 =	simm.s32 $0x500;
	s9 =	rddreg [dreg:$0x4];
	[sflag:s11] =	ssyncset.done $0x0  }
.LBB2_9:
0x164: {  	[sflag:s11] =	ssyncadd.s32 $0xFFFFE000;
	s9 =	sadd.s32 s28, s9  }
0x165: {  	[tilespmem:s17], [sflag:$0x9] =	stream.linear.gather [hbm4b:s9+s15], $0x1400, $0x38;
	[tilespmem:$0x1E400] =	vst v63  }
0x166: {  	_ =	swait.ge [sflag:s16], $0x1400  }
0x167: {  	[sflag:s16] =	ssyncset.done $0x0  }
0x168: {  	[sflag:s16] =	ssyncadd.s32 $0xFFFFEC00  }
0x169: {  	[spmem:s2] =	stream.indirect.scatter.add.f32 [tilespmem:s19], [sflag:$0x5], $0x80, s17, s18, $0xb8;
	[tilespmem:$0x1E400] =	vst v63  }
0x16a: {  	_ = 	snop  }
0x16b: {  	[spmem:s2] =	stream.indirect.scatter.add.f32 [tilespmem:s19], [sflag:$0x6], $0x80, s24, s18, $0xb8;
	[tilespmem:$0x1E400] =	vst v63  }
0x16c: {  	_ = 	snop  }
0x16d: {  	[spmem:s2] =	stream.indirect.scatter.add.f32 [tilespmem:s19], [sflag:$0x7], $0x80, s0, s18, $0xb8;
	[tilespmem:$0x1E400] =	vst v63  }
0x16e: {  	_ = 	snop  }
0x16f: {  	[spmem:s2] =	stream.indirect.scatter.add.f32 [tilespmem:s19], [sflag:$0x8], $0x80, s4, s18, $0xb8;
	[tilespmem:$0x1E400] =	vst v63  }
0x170: {  	_ =	swait.ge [sflag:s12], $0x2000  }
0x171: {  	[sflag:s12] =	ssyncset.done $0x0  }
0x172: {  	[sflag:s12] =	ssyncadd.s32 $0xFFFFE000  }
0x173: {  	_ =	swait.ge [sflag:s13], $0x2000  }
0x174: {  	[sflag:s13] =	ssyncset.done $0x0  }
0x175: {  	[sflag:s13] =	ssyncadd.s32 $0xFFFFE000  }
0x176: {  	_ =	swait.ge [sflag:s8], $0x2000  }
0x177: {  	[sflag:s8] =	ssyncset.done $0x0  }
0x178: {  	[sflag:s8] =	ssyncadd.s32 $0xFFFFE000  }
0x179: {  	_ =	swait.ge [sflag:s11], $0x2000  }
0x17a: {  	[sflag:s11] =	ssyncset.done $0x0  }
0x17b: {  	s14 =	smov.u32 s3;
	s9 =	rddreg [dreg:$0x5];
	[sflag:s11] =	ssyncadd.s32 $0xFFFFE000  }
0x17c: {  	[spmem:s2] =	stream.indirect.scatter.add.f32 [tilespmem:s19], [sflag:$0x5], $0x80, s9, s18, $0xb8;
	[tilespmem:$0x1E400] =	vst v63  }
0x17d: {  	s28 =	smov.u32 s14;
	s14 =	rddreg [dreg:$0x6]  }
0x17e: {  	[spmem:s2] =	stream.indirect.scatter.add.f32 [tilespmem:s19], [sflag:$0x6], $0x80, s14, s18, $0xb8;
	[tilespmem:$0x1E400] =	vst v63  }
0x17f: {  	s9 =	rddreg [dreg:$0x7]  }
0x180: {  	[spmem:s2] =	stream.indirect.scatter.add.f32 [tilespmem:s19], [sflag:$0x7], $0x80, s9, s18, $0xb8;
	[tilespmem:$0x1E400] =	vst v63  }
0x181: {  	s14 =	rddreg [dreg:$0x8]  }
0x182: {  	[spmem:s2] =	stream.indirect.scatter.add.f32 [tilespmem:s19], [sflag:$0x8], $0x80, s14, s18, $0xb8;
	[tilespmem:$0x1E400] =	vst v63  }
0x183: {  	_ =	swait.ge [sflag:s12], $0x2000  }
0x184: {  	[sflag:s12] =	ssyncset.done $0x0  }
0x185: {  	[sflag:s12] =	ssyncadd.s32 $0xFFFFE000  }
0x186: {  	_ =	swait.ge [sflag:s13], $0x2000  }
0x187: {  	[sflag:s13] =	ssyncset.done $0x0  }
0x188: {  	[sflag:s13] =	ssyncadd.s32 $0xFFFFE000  }
0x189: {  	_ =	swait.ge [sflag:s8], $0x2000  }
0x18a: {  	[sflag:s8] =	ssyncset.done $0x0  }
0x18b: {  	[sflag:s8] =	ssyncadd.s32 $0xFFFFE000  }
0x18c: {  	_ =	swait.ge [sflag:s11], $0x2000  }
0x18d: {  	[sflag:s11] =	ssyncset.done $0x0  }
0x18e: {  	s9 =	rddreg [dreg:$0x9];
	[sflag:s11] =	ssyncadd.s32 $0xFFFFE000  }
0x18f: {  	[spmem:s2] =	stream.indirect.scatter.add.f32 [tilespmem:s19], [sflag:$0x5], $0x80, s9, s18, $0xb8;
	[tilespmem:$0x1E400] =	vst v63  }
0x190: {  	s14 =	rddreg [dreg:$0xa]  }
0x191: {  	[spmem:s2] =	stream.indirect.scatter.add.f32 [tilespmem:s19], [sflag:$0x6], $0x80, s14, s18, $0xb8;
	[tilespmem:$0x1E400] =	vst v63  }
0x192: {  	s9 =	rddreg [dreg:$0xb]  }
0x193: {  	[spmem:s2] =	stream.indirect.scatter.add.f32 [tilespmem:s19], [sflag:$0x7], $0x80, s9, s18, $0xb8;
	[tilespmem:$0x1E400] =	vst v63  }
0x194: {  	s14 =	rddreg [dreg:$0xc]  }
0x195: {  	[spmem:s2] =	stream.indirect.scatter.add.f32 [tilespmem:s19], [sflag:$0x8], $0x80, s14, s18, $0xb8;
	[tilespmem:$0x1E400] =	vst v63  }
0x196: {  	_ =	swait.ge [sflag:s12], $0x2000  }
0x197: {  	[sflag:s12] =	ssyncset.done $0x0  }
0x198: {  	[sflag:s12] =	ssyncadd.s32 $0xFFFFE000  }
0x199: {  	_ =	swait.ge [sflag:s13], $0x2000  }
0x19a: {  	[sflag:s13] =	ssyncset.done $0x0  }
0x19b: {  	[sflag:s13] =	ssyncadd.s32 $0xFFFFE000  }
0x19c: {  	_ =	swait.ge [sflag:s8], $0x2000  }
0x19d: {  	[sflag:s8] =	ssyncset.done $0x0  }
0x19e: {  	[sflag:s8] =	ssyncadd.s32 $0xFFFFE000  }
0x19f: {  	_ =	swait.ge [sflag:s11], $0x2000  }
0x1a0: {  	[sflag:s11] =	ssyncset.done $0x0  }
0x1a1: {  	s9 =	rddreg [dreg:$0xd];
	[sflag:s11] =	ssyncadd.s32 $0xFFFFE000  }
0x1a2: {  	[spmem:s2] =	stream.indirect.scatter.add.f32 [tilespmem:s19], [sflag:$0x5], $0x80, s9, s18, $0xb8;
	[tilespmem:$0x1E400] =	vst v63  }
0x1a3: {  	s14 =	rddreg [dreg:$0xe]  }
0x1a4: {  	[spmem:s2] =	stream.indirect.scatter.add.f32 [tilespmem:s19], [sflag:$0x6], $0x80, s14, s18, $0xb8;
	[tilespmem:$0x1E400] =	vst v63  }
0x1a5: {  	s9 =	rddreg [dreg:$0xf]  }
0x1a6: {  	[spmem:s2] =	stream.indirect.scatter.add.f32 [tilespmem:s19], [sflag:$0x7], $0x80, s9, s18, $0xb8;
	[tilespmem:$0x1E400] =	vst v63  }
0x1a7: {  	s14 =	rddreg [dreg:$0x10]  }
0x1a8: {  	[spmem:s2] =	stream.indirect.scatter.add.f32 [tilespmem:s19], [sflag:$0x8], $0x80, s14, s18, $0xb8;
	[tilespmem:$0x1E400] =	vst v63  }
0x1a9: {  	_ =	swait.ge [sflag:s12], $0x2000  }
0x1aa: {  	[sflag:s12] =	ssyncset.done $0x0  }
0x1ab: {  	[sflag:s12] =	ssyncadd.s32 $0xFFFFE000  }
0x1ac: {  	_ =	swait.ge [sflag:s13], $0x2000  }
0x1ad: {  	[sflag:s13] =	ssyncset.done $0x0  }
0x1ae: {  	[sflag:s13] =	ssyncadd.s32 $0xFFFFE000  }
0x1af: {  	_ =	swait.ge [sflag:s8], $0x2000  }
0x1b0: {  	[sflag:s8] =	ssyncset.done $0x0  }
0x1b1: {  	[sflag:s8] =	ssyncadd.s32 $0xFFFFE000  }
0x1b2: {  	_ =	swait.ge [sflag:s11], $0x2000  }
0x1b3: {  	[sflag:s11] =	ssyncset.done $0x0  }
0x1b4: {  	s9 =	rddreg [dreg:$0x11];
	[sflag:s11] =	ssyncadd.s32 $0xFFFFE000  }
0x1b5: {  	[spmem:s2] =	stream.indirect.scatter.add.f32 [tilespmem:s19], [sflag:$0x5], $0x80, s9, s18, $0xb8;
	[tilespmem:$0x1E400] =	vst v63  }
0x1b6: {  	s14 =	rddreg [dreg:$0x12]  }
0x1b7: {  	[spmem:s2] =	stream.indirect.scatter.add.f32 [tilespmem:s19], [sflag:$0x6], $0x80, s14, s18, $0xb8;
	[tilespmem:$0x1E400] =	vst v63  }
0x1b8: {  	s9 =	rddreg [dreg:$0x13]  }
0x1b9: {  	[spmem:s2] =	stream.indirect.scatter.add.f32 [tilespmem:s19], [sflag:$0x7], $0x80, s9, s18, $0xb8;
	[tilespmem:$0x1E400] =	vst v63  }
0x1ba: {  	s14 =	rddreg [dreg:$0x14]  }
0x1bb: {  	[spmem:s2] =	stream.indirect.scatter.add.f32 [tilespmem:s19], [sflag:$0x8], $0x80, s14, s18, $0xb8;
	[tilespmem:$0x1E400] =	vst v63  }
0x1bc: {  	_ =	swait.ge [sflag:s12], $0x2000  }
0x1bd: {  	[sflag:s12] =	ssyncset.done $0x0  }
0x1be: {  	[sflag:s12] =	ssyncadd.s32 $0xFFFFE000  }
0x1bf: {  	_ =	swait.ge [sflag:s13], $0x2000  }
0x1c0: {  	[sflag:s13] =	ssyncset.done $0x0  }
0x1c1: {  	[sflag:s13] =	ssyncadd.s32 $0xFFFFE000  }
0x1c2: {  	_ =	swait.ge [sflag:s8], $0x2000  }
0x1c3: {  	[sflag:s8] =	ssyncset.done $0x0  }
0x1c4: {  	[sflag:s8] =	ssyncadd.s32 $0xFFFFE000  }
0x1c5: {  	_ =	swait.ge [sflag:s11], $0x2000  }
0x1c6: {  	[sflag:s11] =	ssyncset.done $0x0  }
0x1c7: {  	s9 =	rddreg [dreg:$0x15];
	[sflag:s11] =	ssyncadd.s32 $0xFFFFE000  }
0x1c8: {  	[spmem:s2] =	stream.indirect.scatter.add.f32 [tilespmem:s19], [sflag:$0x5], $0x80, s9, s18, $0xb8;
	[tilespmem:$0x1E400] =	vst v63  }
0x1c9: {  	s14 =	rddreg [dreg:$0x16]  }
0x1ca: {  	[spmem:s2] =	stream.indirect.scatter.add.f32 [tilespmem:s19], [sflag:$0x6], $0x80, s14, s18, $0xb8;
	[tilespmem:$0x1E400] =	vst v63  }
0x1cb: {  	s9 =	rddreg [dreg:$0x17]  }
0x1cc: {  	[spmem:s2] =	stream.indirect.scatter.add.f32 [tilespmem:s19], [sflag:$0x7], $0x80, s9, s18, $0xb8;
	[tilespmem:$0x1E400] =	vst v63  }
0x1cd: {  	s14 =	rddreg [dreg:$0x18]  }
0x1ce: {  	[spmem:s2] =	stream.indirect.scatter.add.f32 [tilespmem:s19], [sflag:$0x8], $0x80, s14, s18, $0xb8;
	[tilespmem:$0x1E400] =	vst v63  }
0x1cf: {  	_ =	swait.ge [sflag:s12], $0x2000  }
0x1d0: {  	[sflag:s12] =	ssyncset.done $0x0  }
0x1d1: {  	[sflag:s12] =	ssyncadd.s32 $0xFFFFE000  }
0x1d2: {  	_ =	swait.ge [sflag:s13], $0x2000  }
0x1d3: {  	[sflag:s13] =	ssyncset.done $0x0  }
0x1d4: {  	[sflag:s13] =	ssyncadd.s32 $0xFFFFE000  }
0x1d5: {  	_ =	swait.ge [sflag:s8], $0x2000  }
0x1d6: {  	[sflag:s8] =	ssyncset.done $0x0  }
0x1d7: {  	[sflag:s8] =	ssyncadd.s32 $0xFFFFE000  }
0x1d8: {  	_ =	swait.ge [sflag:s11], $0x2000  }
0x1d9: {  	[sflag:s11] =	ssyncset.done $0x0  }
0x1da: {  	s9 =	rddreg [dreg:$0x19];
	[sflag:s11] =	ssyncadd.s32 $0xFFFFE000  }
0x1db: {  	[spmem:s2] =	stream.indirect.scatter.add.f32 [tilespmem:s19], [sflag:$0x5], $0x80, s9, s18, $0xb8;
	[tilespmem:$0x1E400] =	vst v63  }
0x1dc: {  	s14 =	simm.s32 $0x2080  }
0x1dd: {  	[spmem:s2] =	stream.indirect.scatter.add.f32 [tilespmem:s19], [sflag:$0x6], $0x80, s14, s18, $0xb8;
	[tilespmem:$0x1E400] =	vst v63  }
0x1de: {  	_ = 	snop  }
0x1df: {  	[spmem:s2] =	stream.indirect.scatter.add.f32 [tilespmem:s19], [sflag:$0x7], $0x80, s20, s18, $0xb8;
	[tilespmem:$0x1E400] =	vst v63  }
0x1e0: {  	_ = 	snop  }
0x1e1: {  	[spmem:s2] =	stream.indirect.scatter.add.f32 [tilespmem:s19], [sflag:$0x8], $0x80, s25, s18, $0xb8;
	[tilespmem:$0x1E400] =	vst v63  }
0x1e2: {  	_ =	swait.ge [sflag:s12], $0x2000  }
0x1e3: {  	[sflag:s12] =	ssyncset.done $0x0  }
0x1e4: {  	[sflag:s12] =	ssyncadd.s32 $0xFFFFE000  }
0x1e5: {  	_ =	swait.ge [sflag:s13], $0x2000  }
0x1e6: {  	[sflag:s13] =	ssyncset.done $0x0  }
0x1e7: {  	[sflag:s13] =	ssyncadd.s32 $0xFFFFE000  }
0x1e8: {  	_ =	swait.ge [sflag:s8], $0x2000  }
0x1e9: {  	[sflag:s8] =	ssyncset.done $0x0  }
0x1ea: {  	[sflag:s8] =	ssyncadd.s32 $0xFFFFE000  }
0x1eb: {  	_ =	swait.ge [sflag:s11], $0x2000  }
0x1ec: {  	[sflag:s11] =	ssyncset.done $0x0  }
0x1ed: {  	[sflag:s11] =	ssyncadd.s32 $0xFFFFE000  }
0x1ee: {  	[spmem:s2] =	stream.indirect.scatter.add.f32 [tilespmem:s19], [sflag:$0x5], $0x80, s1, s18, $0xb8;
	[tilespmem:$0x1E400] =	vst v63  }
0x1ef: {  	s9 =	simm.s32 $0x2280  }
0x1f0: {  	[spmem:s2] =	stream.indirect.scatter.add.f32 [tilespmem:s19], [sflag:$0x6], $0x80, s9, s18, $0xb8;
	[tilespmem:$0x1E400] =	vst v63  }
0x1f1: {  	s9 =	simm.s32 $0x2300  }
0x1f2: {  	[spmem:s2] =	stream.indirect.scatter.add.f32 [tilespmem:s19], [sflag:$0x7], $0x80, s9, s18, $0xb8;
	[tilespmem:$0x1E400] =	vst v63  }
0x1f3: {  	s9 =	simm.s32 $0x2380  }
0x1f4: {  	[spmem:s2] =	stream.indirect.scatter.add.f32 [tilespmem:s19], [sflag:$0x8], $0x80, s9, s18, $0xb8;
	[tilespmem:$0x1E400] =	vst v63  }
0x1f5: {  	_ =	swait.ge [sflag:s12], $0x2000  }
0x1f6: {  	[sflag:s12] =	ssyncset.done $0x0  }
0x1f7: {  	[sflag:s12] =	ssyncadd.s32 $0xFFFFE000  }
0x1f8: {  	_ =	swait.ge [sflag:s13], $0x2000  }
0x1f9: {  	[sflag:s13] =	ssyncset.done $0x0  }
0x1fa: {  	[sflag:s13] =	ssyncadd.s32 $0xFFFFE000  }
0x1fb: {  	_ =	swait.ge [sflag:s8], $0x2000  }
0x1fc: {  	[sflag:s8] =	ssyncset.done $0x0  }
0x1fd: {  	[sflag:s8] =	ssyncadd.s32 $0xFFFFE000  }
0x1fe: {  	_ =	swait.ge [sflag:s11], $0x2000  }
0x1ff: {  	[sflag:s11] =	ssyncset.done $0x0  }
0x200: {  	s9 =	simm.s32 $0x2400;
	[sflag:s11] =	ssyncadd.s32 $0xFFFFE000  }
0x201: {  	[spmem:s2] =	stream.indirect.scatter.add.f32 [tilespmem:s19], [sflag:$0x5], $0x80, s9, s18, $0xb8;
	[tilespmem:$0x1E400] =	vst v63  }
0x202: {  	s9 =	simm.s32 $0x2480  }
0x203: {  	[spmem:s2] =	stream.indirect.scatter.add.f32 [tilespmem:s19], [sflag:$0x6], $0x80, s9, s18, $0xb8;
	[tilespmem:$0x1E400] =	vst v63  }
0x204: {  	s9 =	simm.s32 $0x2500  }
0x205: {  	[spmem:s2] =	stream.indirect.scatter.add.f32 [tilespmem:s19], [sflag:$0x7], $0x80, s9, s18, $0xb8;
	[tilespmem:$0x1E400] =	vst v63  }
0x206: {  	s9 =	simm.s32 $0x2580  }
0x207: {  	[spmem:s2] =	stream.indirect.scatter.add.f32 [tilespmem:s19], [sflag:$0x8], $0x80, s9, s18, $0xb8;
	[tilespmem:$0x1E400] =	vst v63  }
0x208: {  	_ =	swait.ge [sflag:s12], $0x2000  }
0x209: {  	[sflag:s12] =	ssyncset.done $0x0  }
0x20a: {  	[sflag:s12] =	ssyncadd.s32 $0xFFFFE000  }
0x20b: {  	_ =	swait.ge [sflag:s13], $0x2000  }
0x20c: {  	[sflag:s13] =	ssyncset.done $0x0  }
0x20d: {  	[sflag:s13] =	ssyncadd.s32 $0xFFFFE000  }
0x20e: {  	_ =	swait.ge [sflag:s8], $0x2000  }
0x20f: {  	[sflag:s8] =	ssyncset.done $0x0  }
0x210: {  	[sflag:s8] =	ssyncadd.s32 $0xFFFFE000  }
0x211: {  	_ =	swait.ge [sflag:s11], $0x2000  }
0x212: {  	[sflag:s11] =	ssyncset.done $0x0  }
0x213: {  	s9 =	simm.s32 $0x2600;
	[sflag:s11] =	ssyncadd.s32 $0xFFFFE000  }
0x214: {  	[spmem:s2] =	stream.indirect.scatter.add.f32 [tilespmem:s19], [sflag:$0x5], $0x80, s9, s18, $0xb8;
	[tilespmem:$0x1E400] =	vst v63  }
0x215: {  	s9 =	simm.s32 $0x2680  }
0x216: {  	[spmem:s2] =	stream.indirect.scatter.add.f32 [tilespmem:s19], [sflag:$0x6], $0x80, s9, s18, $0xb8;
	[tilespmem:$0x1E400] =	vst v63  }
0x217: {  	s9 =	simm.s32 $0x2700  }
0x218: {  	[spmem:s2] =	stream.indirect.scatter.add.f32 [tilespmem:s19], [sflag:$0x7], $0x80, s9, s18, $0xb8;
	[tilespmem:$0x1E400] =	vst v63  }
0x219: {  	s9 =	simm.s32 $0x2780  }
0x21a: {  	[spmem:s2] =	stream.indirect.scatter.add.f32 [tilespmem:s19], [sflag:$0x8], $0x80, s9, s18, $0xb8;
	[tilespmem:$0x1E400] =	vst v63  }
0x21b: {  	_ =	swait.ge [sflag:s12], $0x2000  }
0x21c: {  	[sflag:s12] =	ssyncset.done $0x0  }
0x21d: {  	[sflag:s12] =	ssyncadd.s32 $0xFFFFE000  }
0x21e: {  	_ =	swait.ge [sflag:s13], $0x2000  }
0x21f: {  	[sflag:s13] =	ssyncset.done $0x0  }
0x220: {  	p0 =	sne.s32 s3, $0x780;
	[sflag:s13] =	ssyncadd.s32 $0xFFFFE000  }
.Ltmp6:
0x221: {  	_ =	swait.ge [sflag:s8], $0x2000;
	(pc) =	sbr.rel @p0 .LBB2_9-.Ltmp6, $4  }
0x222: {  	[sflag:s8] =	ssyncset.done $0x0  }
0x223: {  	[sflag:s8] =	ssyncadd.s32 $0xFFFFE000  }
0x224: {  	_ =	swait.ge [sflag:s11], $0x2000  }
0x225: {  	s3 =	sadd.s32 $0x280, s3;
	s9 =	rddreg [dreg:$0x4];
	[sflag:s11] =	ssyncset.done $0x0  }
0x226: {  	[sflag:s11] =	ssyncadd.s32 $0xFFFFE000;
	s3 =	sadd.s32 s28, s9  }
0x227: {  	[tilespmem:s17], [sflag:$0x9] =	stream.linear.gather [hbm4b:s3+s15], $0x1400, $0x38;
	[tilespmem:$0x1E400] =	vst v63  }
0x228: {  	_ =	swait.ge [sflag:s16], $0x1400  }
0x229: {  	[sflag:s16] =	ssyncset.done $0x0  }
0x22a: {  	[sflag:s16] =	ssyncadd.s32 $0xFFFFEC00  }
0x22b: {  	[spmem:s2] =	stream.indirect.scatter.add.f32 [tilespmem:s19], [sflag:$0x5], $0x80, s17, s18, $0xb8;
	[tilespmem:$0x1E400] =	vst v63  }
0x22c: {  	_ = 	snop  }
0x22d: {  	[spmem:s2] =	stream.indirect.scatter.add.f32 [tilespmem:s19], [sflag:$0x6], $0x80, s24, s18, $0xb8;
	[tilespmem:$0x1E400] =	vst v63  }
0x22e: {  	_ = 	snop  }
0x22f: {  	[spmem:s2] =	stream.indirect.scatter.add.f32 [tilespmem:s19], [sflag:$0x7], $0x80, s0, s18, $0xb8;
	[tilespmem:$0x1E400] =	vst v63  }
0x230: {  	_ = 	snop  }
0x231: {  	[spmem:s2] =	stream.indirect.scatter.add.f32 [tilespmem:s19], [sflag:$0x8], $0x80, s4, s18, $0xb8;
	[tilespmem:$0x1E400] =	vst v63  }
0x232: {  	_ =	swait.ge [sflag:s12], $0x2000  }
0x233: {  	[sflag:s12] =	ssyncset.done $0x0  }
0x234: {  	[sflag:s12] =	ssyncadd.s32 $0xFFFFE000  }
0x235: {  	_ =	swait.ge [sflag:s13], $0x2000  }
0x236: {  	[sflag:s13] =	ssyncset.done $0x0  }
0x237: {  	[sflag:s13] =	ssyncadd.s32 $0xFFFFE000  }
0x238: {  	_ =	swait.ge [sflag:s8], $0x2000  }
0x239: {  	[sflag:s8] =	ssyncset.done $0x0  }
0x23a: {  	[sflag:s8] =	ssyncadd.s32 $0xFFFFE000  }
0x23b: {  	_ =	swait.ge [sflag:s11], $0x2000  }
0x23c: {  	[sflag:s11] =	ssyncset.done $0x0  }
0x23d: {  	s15 =	rddreg [dreg:$0x5];
	[sflag:s11] =	ssyncadd.s32 $0xFFFFE000  }
0x23e: {  	[spmem:s2] =	stream.indirect.scatter.add.f32 [tilespmem:s19], [sflag:$0x5], $0x80, s15, s18, $0xb8;
	[tilespmem:$0x1E400] =	vst v63  }
0x23f: {  	s28 =	rddreg [dreg:$0x6]  }
0x240: {  	[spmem:s2] =	stream.indirect.scatter.add.f32 [tilespmem:s19], [sflag:$0x6], $0x80, s28, s18, $0xb8;
	[tilespmem:$0x1E400] =	vst v63  }
0x241: {  	s15 =	rddreg [dreg:$0x7]  }
0x242: {  	[spmem:s2] =	stream.indirect.scatter.add.f32 [tilespmem:s19], [sflag:$0x7], $0x80, s15, s18, $0xb8;
	[tilespmem:$0x1E400] =	vst v63  }
0x243: {  	s28 =	rddreg [dreg:$0x8]  }
0x244: {  	[spmem:s2] =	stream.indirect.scatter.add.f32 [tilespmem:s19], [sflag:$0x8], $0x80, s28, s18, $0xb8;
	[tilespmem:$0x1E400] =	vst v63  }
0x245: {  	_ =	swait.ge [sflag:s12], $0x2000  }
0x246: {  	[sflag:s12] =	ssyncset.done $0x0  }
0x247: {  	[sflag:s12] =	ssyncadd.s32 $0xFFFFE000  }
0x248: {  	_ =	swait.ge [sflag:s13], $0x2000  }
0x249: {  	[sflag:s13] =	ssyncset.done $0x0  }
0x24a: {  	[sflag:s13] =	ssyncadd.s32 $0xFFFFE000  }
0x24b: {  	_ =	swait.ge [sflag:s8], $0x2000  }
0x24c: {  	[sflag:s8] =	ssyncset.done $0x0  }
0x24d: {  	[sflag:s8] =	ssyncadd.s32 $0xFFFFE000  }
0x24e: {  	_ =	swait.ge [sflag:s11], $0x2000  }
0x24f: {  	[sflag:s11] =	ssyncset.done $0x0  }
0x250: {  	s15 =	rddreg [dreg:$0x9];
	[sflag:s11] =	ssyncadd.s32 $0xFFFFE000  }
0x251: {  	[spmem:s2] =	stream.indirect.scatter.add.f32 [tilespmem:s19], [sflag:$0x5], $0x80, s15, s18, $0xb8;
	[tilespmem:$0x1E400] =	vst v63  }
0x252: {  	s28 =	rddreg [dreg:$0xa]  }
0x253: {  	[spmem:s2] =	stream.indirect.scatter.add.f32 [tilespmem:s19], [sflag:$0x6], $0x80, s28, s18, $0xb8;
	[tilespmem:$0x1E400] =	vst v63  }
0x254: {  	s15 =	rddreg [dreg:$0xb]  }
0x255: {  	[spmem:s2] =	stream.indirect.scatter.add.f32 [tilespmem:s19], [sflag:$0x7], $0x80, s15, s18, $0xb8;
	[tilespmem:$0x1E400] =	vst v63  }
0x256: {  	s28 =	rddreg [dreg:$0xc]  }
0x257: {  	[spmem:s2] =	stream.indirect.scatter.add.f32 [tilespmem:s19], [sflag:$0x8], $0x80, s28, s18, $0xb8;
	[tilespmem:$0x1E400] =	vst v63  }
0x258: {  	_ =	swait.ge [sflag:s12], $0x2000  }
0x259: {  	[sflag:s12] =	ssyncset.done $0x0  }
0x25a: {  	[sflag:s12] =	ssyncadd.s32 $0xFFFFE000  }
0x25b: {  	_ =	swait.ge [sflag:s13], $0x2000  }
0x25c: {  	[sflag:s13] =	ssyncset.done $0x0  }
0x25d: {  	[sflag:s13] =	ssyncadd.s32 $0xFFFFE000  }
0x25e: {  	_ =	swait.ge [sflag:s8], $0x2000  }
0x25f: {  	[sflag:s8] =	ssyncset.done $0x0  }
0x260: {  	[sflag:s8] =	ssyncadd.s32 $0xFFFFE000  }
0x261: {  	_ =	swait.ge [sflag:s11], $0x2000  }
0x262: {  	[sflag:s11] =	ssyncset.done $0x0  }
0x263: {  	s15 =	rddreg [dreg:$0xd];
	[sflag:s11] =	ssyncadd.s32 $0xFFFFE000  }
0x264: {  	[spmem:s2] =	stream.indirect.scatter.add.f32 [tilespmem:s19], [sflag:$0x5], $0x80, s15, s18, $0xb8;
	[tilespmem:$0x1E400] =	vst v63  }
0x265: {  	s28 =	rddreg [dreg:$0xe]  }
0x266: {  	[spmem:s2] =	stream.indirect.scatter.add.f32 [tilespmem:s19], [sflag:$0x6], $0x80, s28, s18, $0xb8;
	[tilespmem:$0x1E400] =	vst v63  }
0x267: {  	s15 =	rddreg [dreg:$0xf]  }
0x268: {  	[spmem:s2] =	stream.indirect.scatter.add.f32 [tilespmem:s19], [sflag:$0x7], $0x80, s15, s18, $0xb8;
	[tilespmem:$0x1E400] =	vst v63  }
0x269: {  	s28 =	rddreg [dreg:$0x10]  }
0x26a: {  	[spmem:s2] =	stream.indirect.scatter.add.f32 [tilespmem:s19], [sflag:$0x8], $0x80, s28, s18, $0xb8;
	[tilespmem:$0x1E400] =	vst v63  }
0x26b: {  	_ =	swait.ge [sflag:s12], $0x2000  }
0x26c: {  	[sflag:s12] =	ssyncset.done $0x0  }
0x26d: {  	[sflag:s12] =	ssyncadd.s32 $0xFFFFE000  }
0x26e: {  	_ =	swait.ge [sflag:s13], $0x2000  }
0x26f: {  	[sflag:s13] =	ssyncset.done $0x0  }
0x270: {  	[sflag:s13] =	ssyncadd.s32 $0xFFFFE000  }
0x271: {  	_ =	swait.ge [sflag:s8], $0x2000  }
0x272: {  	[sflag:s8] =	ssyncset.done $0x0  }
0x273: {  	[sflag:s8] =	ssyncadd.s32 $0xFFFFE000  }
0x274: {  	_ =	swait.ge [sflag:s11], $0x2000  }
0x275: {  	[sflag:s11] =	ssyncset.done $0x0  }
0x276: {  	s15 =	rddreg [dreg:$0x11];
	[sflag:s11] =	ssyncadd.s32 $0xFFFFE000  }
0x277: {  	[spmem:s2] =	stream.indirect.scatter.add.f32 [tilespmem:s19], [sflag:$0x5], $0x80, s15, s18, $0xb8;
	[tilespmem:$0x1E400] =	vst v63  }
0x278: {  	s28 =	rddreg [dreg:$0x12]  }
0x279: {  	[spmem:s2] =	stream.indirect.scatter.add.f32 [tilespmem:s19], [sflag:$0x6], $0x80, s28, s18, $0xb8;
	[tilespmem:$0x1E400] =	vst v63  }
0x27a: {  	s15 =	rddreg [dreg:$0x13]  }
0x27b: {  	[spmem:s2] =	stream.indirect.scatter.add.f32 [tilespmem:s19], [sflag:$0x7], $0x80, s15, s18, $0xb8;
	[tilespmem:$0x1E400] =	vst v63  }
0x27c: {  	s28 =	rddreg [dreg:$0x14]  }
0x27d: {  	[spmem:s2] =	stream.indirect.scatter.add.f32 [tilespmem:s19], [sflag:$0x8], $0x80, s28, s18, $0xb8;
	[tilespmem:$0x1E400] =	vst v63  }
0x27e: {  	_ =	swait.ge [sflag:s12], $0x2000  }
0x27f: {  	[sflag:s12] =	ssyncset.done $0x0  }
0x280: {  	[sflag:s12] =	ssyncadd.s32 $0xFFFFE000  }
0x281: {  	_ =	swait.ge [sflag:s13], $0x2000  }
0x282: {  	[sflag:s13] =	ssyncset.done $0x0  }
0x283: {  	[sflag:s13] =	ssyncadd.s32 $0xFFFFE000  }
0x284: {  	_ =	swait.ge [sflag:s8], $0x2000  }
0x285: {  	[sflag:s8] =	ssyncset.done $0x0  }
0x286: {  	[sflag:s8] =	ssyncadd.s32 $0xFFFFE000  }
0x287: {  	_ =	swait.ge [sflag:s11], $0x2000  }
0x288: {  	[sflag:s11] =	ssyncset.done $0x0  }
0x289: {  	s9 =	rddreg [dreg:$0x15];
	[sflag:s11] =	ssyncadd.s32 $0xFFFFE000  }
0x28a: {  	[spmem:s2] =	stream.indirect.scatter.add.f32 [tilespmem:s19], [sflag:$0x5], $0x80, s9, s18, $0xb8;
	[tilespmem:$0x1E400] =	vst v63  }
0x28b: {  	s15 =	rddreg [dreg:$0x16]  }
0x28c: {  	[spmem:s2] =	stream.indirect.scatter.add.f32 [tilespmem:s19], [sflag:$0x6], $0x80, s15, s18, $0xb8;
	[tilespmem:$0x1E400] =	vst v63  }
0x28d: {  	s28 =	rddreg [dreg:$0x17]  }
0x28e: {  	[spmem:s2] =	stream.indirect.scatter.add.f32 [tilespmem:s19], [sflag:$0x7], $0x80, s28, s18, $0xb8;
	[tilespmem:$0x1E400] =	vst v63  }
0x28f: {  	s15 =	rddreg [dreg:$0x18]  }
0x290: {  	[spmem:s2] =	stream.indirect.scatter.add.f32 [tilespmem:s19], [sflag:$0x8], $0x80, s15, s18, $0xb8;
	[tilespmem:$0x1E400] =	vst v63  }
0x291: {  	_ =	swait.ge [sflag:s12], $0x2000  }
0x292: {  	[sflag:s12] =	ssyncset.done $0x0  }
0x293: {  	[sflag:s12] =	ssyncadd.s32 $0xFFFFE000  }
0x294: {  	_ =	swait.ge [sflag:s13], $0x2000  }
0x295: {  	[sflag:s13] =	ssyncset.done $0x0  }
0x296: {  	[sflag:s13] =	ssyncadd.s32 $0xFFFFE000  }
0x297: {  	_ =	swait.ge [sflag:s8], $0x2000  }
0x298: {  	[sflag:s8] =	ssyncset.done $0x0  }
0x299: {  	[sflag:s8] =	ssyncadd.s32 $0xFFFFE000  }
0x29a: {  	_ =	swait.ge [sflag:s11], $0x2000  }
0x29b: {  	[sflag:s11] =	ssyncset.done $0x0  }
0x29c: {  	s28 =	rddreg [dreg:$0x19];
	[sflag:s11] =	ssyncadd.s32 $0xFFFFE000  }
0x29d: {  	[spmem:s2] =	stream.indirect.scatter.add.f32 [tilespmem:s19], [sflag:$0x5], $0x80, s28, s18, $0xb8;
	[tilespmem:$0x1E400] =	vst v63  }
0x29e: {  	_ = 	snop  }
0x29f: {  	[spmem:s2] =	stream.indirect.scatter.add.f32 [tilespmem:s19], [sflag:$0x6], $0x80, s14, s18, $0xb8;
	[tilespmem:$0x1E400] =	vst v63  }
0x2a0: {  	_ = 	snop  }
0x2a1: {  	[spmem:s2] =	stream.indirect.scatter.add.f32 [tilespmem:s19], [sflag:$0x7], $0x80, s20, s18, $0xb8;
	[tilespmem:$0x1E400] =	vst v63  }
0x2a2: {  	_ = 	snop  }
0x2a3: {  	[spmem:s2] =	stream.indirect.scatter.add.f32 [tilespmem:s19], [sflag:$0x8], $0x80, s25, s18, $0xb8;
	[tilespmem:$0x1E400] =	vst v63  }
0x2a4: {  	_ =	swait.ge [sflag:s12], $0x2000  }
0x2a5: {  	[sflag:s12] =	ssyncset.done $0x0  }
0x2a6: {  	[sflag:s12] =	ssyncadd.s32 $0xFFFFE000  }
0x2a7: {  	_ =	swait.ge [sflag:s13], $0x2000  }
0x2a8: {  	[sflag:s13] =	ssyncset.done $0x0  }
0x2a9: {  	[sflag:s13] =	ssyncadd.s32 $0xFFFFE000  }
0x2aa: {  	_ =	swait.ge [sflag:s8], $0x2000  }
0x2ab: {  	[sflag:s8] =	ssyncset.done $0x0  }
0x2ac: {  	[sflag:s8] =	ssyncadd.s32 $0xFFFFE000  }
0x2ad: {  	_ =	swait.ge [sflag:s11], $0x2000  }
0x2ae: {  	[sflag:s11] =	ssyncset.done $0x0  }
0x2af: {  	[sflag:s11] =	ssyncadd.s32 $0xFFFFE000  }
0x2b0: {  	[spmem:s2] =	stream.indirect.scatter.add.f32 [tilespmem:s19], [sflag:$0x5], $0x80, s1, s18, $0xb8;
	[tilespmem:$0x1E400] =	vst v63  }
0x2b1: {  	s3 =	simm.s32 $0x2280  }
0x2b2: {  	[spmem:s2] =	stream.indirect.scatter.add.f32 [tilespmem:s19], [sflag:$0x6], $0x80, s3, s18, $0xb8;
	[tilespmem:$0x1E400] =	vst v63  }
0x2b3: {  	s9 =	simm.s32 $0x2300  }
0x2b4: {  	[spmem:s2] =	stream.indirect.scatter.add.f32 [tilespmem:s19], [sflag:$0x7], $0x80, s9, s18, $0xb8;
	[tilespmem:$0x1E400] =	vst v63  }
0x2b5: {  	s14 =	simm.s32 $0x2380  }
0x2b6: {  	[spmem:s2] =	stream.indirect.scatter.add.f32 [tilespmem:s19], [sflag:$0x8], $0x80, s14, s18, $0xb8;
	[tilespmem:$0x1E400] =	vst v63  }
0x2b7: {  	_ =	swait.ge [sflag:s12], $0x2000  }
0x2b8: {  	[sflag:s12] =	ssyncset.done $0x0  }
0x2b9: {  	[sflag:s12] =	ssyncadd.s32 $0xFFFFE000  }
0x2ba: {  	_ =	swait.ge [sflag:s13], $0x2000  }
0x2bb: {  	[sflag:s13] =	ssyncset.done $0x0  }
0x2bc: {  	[sflag:s13] =	ssyncadd.s32 $0xFFFFE000  }
0x2bd: {  	_ =	swait.ge [sflag:s8], $0x2000  }
0x2be: {  	[sflag:s8] =	ssyncset.done $0x0  }
0x2bf: {  	[sflag:s8] =	ssyncadd.s32 $0xFFFFE000  }
0x2c0: {  	_ =	swait.ge [sflag:s11], $0x2000  }
0x2c1: {  	[sflag:s11] =	ssyncset.done $0x0  }
0x2c2: {  	s15 =	simm.s32 $0x2400;
	[sflag:s11] =	ssyncadd.s32 $0xFFFFE000  }
0x2c3: {  	[spmem:s2] =	stream.indirect.scatter.add.f32 [tilespmem:s19], [sflag:$0x5], $0x80, s15, s18, $0xb8;
	[tilespmem:$0x1E400] =	vst v63  }
0x2c4: {  	s20 =	simm.s32 $0x2480  }
0x2c5: {  	[spmem:s2] =	stream.indirect.scatter.add.f32 [tilespmem:s19], [sflag:$0x6], $0x80, s20, s18, $0xb8;
	[tilespmem:$0x1E400] =	vst v63  }
0x2c6: {  	s25 =	simm.s32 $0x2500  }
0x2c7: {  	[spmem:s2] =	stream.indirect.scatter.add.f32 [tilespmem:s19], [sflag:$0x7], $0x80, s25, s18, $0xb8;
	[tilespmem:$0x1E400] =	vst v63  }
0x2c8: {  	s28 =	simm.s32 $0x2580  }
0x2c9: {  	[spmem:s2] =	stream.indirect.scatter.add.f32 [tilespmem:s19], [sflag:$0x8], $0x80, s28, s18, $0xb8;
	[tilespmem:$0x1E400] =	vst v63  }
0x2ca: {  	_ =	swait.ge [sflag:s12], $0x2000  }
0x2cb: {  	[sflag:s12] =	ssyncset.done $0x0  }
0x2cc: {  	[sflag:s12] =	ssyncadd.s32 $0xFFFFE000  }
0x2cd: {  	_ =	swait.ge [sflag:s13], $0x2000  }
0x2ce: {  	[sflag:s13] =	ssyncset.done $0x0  }
0x2cf: {  	[sflag:s13] =	ssyncadd.s32 $0xFFFFE000  }
0x2d0: {  	_ =	swait.ge [sflag:s8], $0x2000  }
0x2d1: {  	[sflag:s8] =	ssyncset.done $0x0  }
0x2d2: {  	[sflag:s8] =	ssyncadd.s32 $0xFFFFE000  }
0x2d3: {  	_ =	swait.ge [sflag:s11], $0x2000  }
0x2d4: {  	[sflag:s11] =	ssyncset.done $0x0  }
0x2d5: {  	s3 =	simm.s32 $0x2600;
	[sflag:s11] =	ssyncadd.s32 $0xFFFFE000  }
0x2d6: {  	[spmem:s2] =	stream.indirect.scatter.add.f32 [tilespmem:s19], [sflag:$0x5], $0x80, s3, s18, $0xb8;
	[tilespmem:$0x1E400] =	vst v63  }
0x2d7: {  	s9 =	simm.s32 $0x2680  }
0x2d8: {  	[spmem:s2] =	stream.indirect.scatter.add.f32 [tilespmem:s19], [sflag:$0x6], $0x80, s9, s18, $0xb8;
	[tilespmem:$0x1E400] =	vst v63  }
0x2d9: {  	s14 =	simm.s32 $0x2700  }
0x2da: {  	[spmem:s2] =	stream.indirect.scatter.add.f32 [tilespmem:s19], [sflag:$0x7], $0x80, s14, s18, $0xb8;
	[tilespmem:$0x1E400] =	vst v63  }
0x2db: {  	s15 =	simm.s32 $0x2780  }
0x2dc: {  	[spmem:s2] =	stream.indirect.scatter.add.f32 [tilespmem:s19], [sflag:$0x8], $0x80, s15, s18, $0xb8;
	[tilespmem:$0x1E400] =	vst v63  }
0x2dd: {  	_ =	swait.ge [sflag:s12], $0x2000  }
0x2de: {  	[sflag:s12] =	ssyncset.done $0x0  }
0x2df: {  	[sflag:s12] =	ssyncadd.s32 $0xFFFFE000  }
0x2e0: {  	_ =	swait.ge [sflag:s13], $0x2000  }
0x2e1: {  	[sflag:s13] =	ssyncset.done $0x0  }
0x2e2: {  	[sflag:s13] =	ssyncadd.s32 $0xFFFFE000  }
0x2e3: {  	_ =	swait.ge [sflag:s8], $0x2000  }
0x2e4: {  	[sflag:s8] =	ssyncset.done $0x0  }
0x2e5: {  	[sflag:s8] =	ssyncadd.s32 $0xFFFFE000  }
0x2e6: {  	_ =	swait.ge [sflag:s11], $0x2000  }
0x2e7: {  	[sflag:s11] =	ssyncset.done $0x0  }
0x2e8: {  	[sflag:s11] =	ssyncadd.s32 $0xFFFFE000  }
0x2e9: {  	[bflag:$0x0] =	sbarrier.arrive $0xFFFF  }
0x2ea: {  	s15 =	sld [smem:$0x7FD]  }
0x2eb: {  	s20 =	rddreg [dreg:$0x1e]  }
0x2ec: {  	s14 =	rddreg [dreg:$0x1b]  }
0x2ed: {  	[hbm:s20], [sflag:s14] =	dma.local [spmem:s15], $0x2780  }
0x2ee: {  	_ =	swait.ge [sflag:s16], $0x2780  }
0x2ef: {  	s25 =	sld [smem:$0x7FC];
	_ =	sdelay $0x2  }
0x2f0: {  	s28 =	rddreg [dreg:$0x1f];
	s9 =	sadd.s32 $0x1, s25  }
0x2f1: {  	p0 =	sne.s32 s9, s28  }
.Ltmp7:
0x2f2: {  	_ = 	snop;
	(pc) =	sbr.rel @p0 .LBB2_1-.Ltmp7, $4  }
0x2f3: {  	[sflag:s16] =	ssyncset.done $0x0  }
0x2f4: {  	[sflag:s16] =	ssyncadd.s32 $0xFFFFD880  }
0x2f5: {  	[bflag:$0x0] =	sbarrier.arrive $0xFFFF  }
0x2f6: {  	s1 =	simm.s32 $0x280  }
0x2f7: {  	_ =	sfence.sel $0x180000  }
0x2f8: {  	[bflag:$0x0] =	sbarrier.arrive $0xFFFF  }
0x2f9: {  	_ =	strace $0x90000047  }
0x2fa: {  	s0 =	stileid.u32;
	[bflag:$0x2] =	sbarrier.arrive $0xFFFF  }
0x2fb: {  	p0 =	sne.s32 s0, $0x0;
	s0 =	rddreg [dreg:$0x3]  }
0x2fc: {  	s0 =	sadd.s32 @!p0 $0x100000, s0  }
0x2fd: {  	[sflag:s0] =	ssyncadd.tile.s32 @!p0 $0x1;
	_ =	shalt  }
.Lfunc_end2:
_tile_overlayer_lowered:
.L_overlay_start_2:
0x2fe: {  	(tag) =	ssettag $0x2  }
0x2ff: {  	s0 =	rddreg [dreg:$0x0];
	s2 =	stileid.u32  }
0x300: {  	s1 =	rddreg [dreg:$0x1];
	p0 =	sne.s32 s2, $0x0  }
0x301: {  	s3 =	rddreg [dreg:$0x2];
	[bflag:$0x3] =	sbarrier.arrive $0xFFFF;
	s2 =	simm.s32 @!p0 $0x1C09  }
0x302: {  	[timem:s3], [sflag:s2] =	dma.local @!p0 [hbm:s0], s1  }
0x303: {  	s0 =	simm.s32 @!p0 $0x9  }
0x304: {  	_ =	swait.ge @!p0 [sflag:s0], s1  }
0x305: {  	s1 =	ssub.s32 @!p0 $0x0, s1;
	[sflag:s0] =	ssyncset.done @!p0 $0x0  }
0x306: {  	[sflag:s0] =	ssyncadd.s32 @!p0 s1  }
0x307: {  	[bflag:$0x3] =	sbarrier.arrive $0xFFFF  }
0x308: {  	_ =	shalt  }

</sc_bundles>
